<compile_context>
chip_gen: v7x
topology: tpu7x:2x2x1
jax: 0.10.2.dev20260603
libtpu: 0.0.44.dev20260713+nightly
codegen_flags: <defaults>
</compile_context>

<pallas_src>
import functools

import jax
import jax.numpy as jnp
from jax import lax
from jax.experimental import pallas as pl
from jax.experimental.pallas import tpu as pltpu
from jax.experimental.pallas import tpu_sc as plsc

N = 10000
E = 320000
D_IN = 128
D_REL = 64
K = 8
D_OUT = 16
KD = K * D_OUT

NUM_SC = 2
NUM_TILES = 16
ROWS_PER_TILE = 640
N_PAD = NUM_TILES * ROWS_PER_TILE
CHUNK = 64
EDGES_PER_TILE = 10240
E_PAD = NUM_SC * NUM_TILES * EDGES_PER_TILE
NUM_CHUNKS = EDGES_PER_TILE // CHUNK

_ROW_BLK = 512


def _dense_body(x_ref, fr_ref, wsrc_ref, wdst_ref, wrel_ref,
                feat_ref, el_ref, er_ref):
    x = x_ref[...]
    fs = jnp.dot(x, wsrc_ref[...], preferred_element_type=jnp.float32)
    fd = jnp.dot(x, wdst_ref[...], preferred_element_type=jnp.float32)
    attn = jnp.dot(fr_ref[...], wrel_ref[...],
                   preferred_element_type=jnp.float32)
    rr = lax.broadcasted_iota(jnp.int32, (2 * KD, KD), 0)
    cc = lax.broadcasted_iota(jnp.int32, (2 * KD, KD), 1)
    sel_l = jnp.where(rr == (cc // D_OUT) * 2 * D_OUT + cc % D_OUT,
                      1.0, 0.0).astype(jnp.float32)
    sel_r = jnp.where(rr == (cc // D_OUT) * 2 * D_OUT + D_OUT + cc % D_OUT,
                      1.0, 0.0).astype(jnp.float32)
    attn_l = jnp.dot(attn, sel_l, preferred_element_type=jnp.float32)
    attn_r = jnp.dot(attn, sel_r, preferred_element_type=jnp.float32)
    r_ids = lax.broadcasted_iota(jnp.int32, (KD, K), 0)
    c_ids = lax.broadcasted_iota(jnp.int32, (KD, K), 1)
    bmask = jnp.where(r_ids // D_OUT == c_ids, 1.0, 0.0).astype(jnp.float32)
    el = jnp.dot(fs * attn_l, bmask, preferred_element_type=jnp.float32)
    er = jnp.dot(fd * attn_r, bmask, preferred_element_type=jnp.float32)
    feat_ref[...] = fs
    el_ref[...] = el
    er_ref[...] = er


def _dense_call(x_pad, feat_rel, W_src, W_dst, W_rel):
    grid = N_PAD // _ROW_BLK
    return pl.pallas_call(
        _dense_body,
        grid=(grid,),
        in_specs=[
            pl.BlockSpec((_ROW_BLK, D_IN), lambda i: (i, 0)),
            pl.BlockSpec((1, D_REL), lambda i: (0, 0)),
            pl.BlockSpec((D_IN, KD), lambda i: (0, 0)),
            pl.BlockSpec((D_IN, KD), lambda i: (0, 0)),
            pl.BlockSpec((D_REL, 2 * KD), lambda i: (0, 0)),
        ],
        out_specs=[
            pl.BlockSpec((_ROW_BLK, KD), lambda i: (i, 0)),
            pl.BlockSpec((_ROW_BLK, K), lambda i: (i, 0)),
            pl.BlockSpec((_ROW_BLK, K), lambda i: (i, 0)),
        ],
        out_shape=[
            jax.ShapeDtypeStruct((N_PAD, KD), jnp.float32),
            jax.ShapeDtypeStruct((N_PAD, K), jnp.float32),
            jax.ShapeDtypeStruct((N_PAD, K), jnp.float32),
        ],
    )(x_pad, feat_rel.reshape(1, D_REL), W_src, W_dst, W_rel)


def _edge_body(src_hbm, dst_hbm, el_hbm, er_hbm, feat_hbm,
               num_hbm, den_hbm,
               sv0, sv1, dv0, dv1, dsc0, dsc1,
               elr0, elr1, err0, err1, wb0, wb1, ft0, ft1, mg0, mg1,
               den_sp, num_sp,
               s_sd0, s_sd1, s_g0, s_g1, s_sc0, s_sc1):
    c = lax.axis_index("c")
    s = lax.axis_index("s")
    rows0 = s * ROWS_PER_TILE
    base = c * (E_PAD // NUM_SC) + s * EDGES_PER_TILE

    SV = (sv0, sv1)
    DV = (dv0, dv1)
    DSC = (dsc0, dsc1)
    ELR = (elr0, elr1)
    ERR = (err0, err1)
    WB = (wb0, wb1)
    FT = (ft0, ft1)
    MG = (mg0, mg1)
    SSD = (s_sd0, s_sd1)
    SG = (s_g0, s_g1)
    SSC = (s_sc0, s_sc1)

    zeros16 = jnp.zeros((16,), jnp.float32)

    def _zmsg(e, carry):
        for k in range(K):
            mg0[e, pl.ds(k * 16, 16)] = zeros16
        return carry
    lax.fori_loop(0, CHUNK, _zmsg, 0)

    def _zw(g, carry):
        j = g * 16 + lax.iota(jnp.int32, 16)
        plsc.store_scatter(wb0, [j // K, j % K], zeros16)
        return carry
    lax.fori_loop(0, (CHUNK * K) // 16, _zw, 0)

    for b in range(ROWS_PER_TILE // CHUNK):
        pltpu.sync_copy(mg0, num_sp.at[pl.ds(rows0 + b * CHUNK, CHUNK)])
        pltpu.sync_copy(wb0, den_sp.at[pl.ds(rows0 + b * CHUNK, CHUNK)])

    plsc.subcore_barrier()

    def _issue_sd(p, off):
        pltpu.async_copy(src_hbm.at[pl.ds(off, CHUNK)], SV[p], SSD[p])
        pltpu.async_copy(dst_hbm.at[pl.ds(off, CHUNK)], DV[p], SSD[p])

    def _wait_sd(p):
        pltpu.make_async_copy(src_hbm.at[pl.ds(0, CHUNK)], SV[p], SSD[p]).wait()
        pltpu.make_async_copy(dst_hbm.at[pl.ds(0, CHUNK)], DV[p], SSD[p]).wait()

    def _issue_g(p):
        pltpu.async_copy(el_hbm.at[SV[p]], ELR[p], SG[p])
        pltpu.async_copy(er_hbm.at[DV[p]], ERR[p], SG[p])
        pltpu.async_copy(feat_hbm.at[SV[p]], FT[p], SG[p])

    def _wait_g(p):
        pltpu.make_async_copy(el_hbm.at[SV[p]], ELR[p], SG[p]).wait()
        pltpu.make_async_copy(er_hbm.at[DV[p]], ERR[p], SG[p]).wait()
        pltpu.make_async_copy(feat_hbm.at[SV[p]], FT[p], SG[p]).wait()

    def _issue_sc(p):
        pltpu.async_copy(MG[p], num_sp.at[DSC[p]], SSC[p], add=True)
        pltpu.async_copy(WB[p], den_sp.at[DSC[p]], SSC[p], add=True)

    def _wait_sc(p):
        pltpu.make_async_copy(MG[p], num_sp.at[DSC[p]], SSC[p]).wait()
        pltpu.make_async_copy(WB[p], den_sp.at[DSC[p]], SSC[p]).wait()

    def _compute(p):
        @plsc.parallel_loop(0, (CHUNK * K) // 16, unroll=4)
        def _wgrp(g):
            j = g * 16 + lax.iota(jnp.int32, 16)
            ei = j // K
            ki = j % K
            ev = plsc.load_gather(ELR[p], [ei, ki])
            rv = plsc.load_gather(ERR[p], [ei, ki])
            v = ev + rv
            v = jnp.where(v > 0, v, 0.2 * v)
            w = jnp.exp(v)
            plsc.store_scatter(WB[p], [ei, ki], w)

        @plsc.parallel_loop(0, CHUNK, unroll=2)
        def _mgrp(e):
            esplat = jnp.zeros((16,), jnp.int32) + e
            for k in range(K):
                kc = jnp.full((16,), k, jnp.int32)
                wv = plsc.load_gather(WB[p], [esplat, kc])
                fv = FT[p][e, pl.ds(k * D_OUT, D_OUT)]
                MG[p][e, pl.ds(k * D_OUT, D_OUT)] = fv * wv

    def _snap_dsc(p):
        for g in range(CHUNK // 16):
            DSC[p][pl.ds(g * 16, 16)] = DV[p][pl.ds(g * 16, 16)]

    _issue_sd(0, base)
    _wait_sd(0)
    _issue_g(0)
    _issue_sd(1, base + CHUNK)

    HALF = NUM_CHUNKS // 2

    def _macro(m, carry):
        i0 = 2 * m
        not_last = m <= HALF - 2
        _wait_sd(1)
        _issue_g(1)
        _wait_g(0)

        @pl.when(m >= 1)
        def _():
            _wait_sc(0)
        _snap_dsc(0)

        @pl.when(not_last)
        def _():
            _issue_sd(0, base + (i0 + 2) * CHUNK)
        _compute(0)
        _issue_sc(0)

        @pl.when(not_last)
        def _():
            _wait_sd(0)
            _issue_g(0)
        _wait_g(1)

        @pl.when(m >= 1)
        def _():
            _wait_sc(1)
        _snap_dsc(1)

        @pl.when(not_last)
        def _():
            _issue_sd(1, base + (i0 + 3) * CHUNK)
        _compute(1)
        _issue_sc(1)
        return carry
    lax.fori_loop(0, HALF, _macro, 0)

    _wait_sc(0)
    _wait_sc(1)

    plsc.subcore_barrier()

    pltpu.sync_copy(num_sp.at[pl.ds(rows0, ROWS_PER_TILE)],
                    num_hbm.at[c, pl.ds(rows0, ROWS_PER_TILE)])
    pltpu.sync_copy(den_sp.at[pl.ds(rows0, ROWS_PER_TILE)],
                    den_hbm.at[c, pl.ds(rows0, ROWS_PER_TILE)])


def _edge_call(edge_index, el, er, feat):
    mesh = plsc.VectorSubcoreMesh(core_axis_name="c", subcore_axis_name="s")
    fn = pl.kernel(
        _edge_body,
        out_type=[
            jax.ShapeDtypeStruct((NUM_SC, N_PAD, KD), jnp.float32),
            jax.ShapeDtypeStruct((NUM_SC, N_PAD, K), jnp.float32),
        ],
        mesh=mesh,
        scratch_types=(
            [pltpu.VMEM((CHUNK,), jnp.int32)] * 6
            + [pltpu.VMEM((CHUNK, K), jnp.float32)] * 6
            + [pltpu.VMEM((CHUNK, KD), jnp.float32)] * 4
            + [
                pltpu.VMEM_SHARED((N_PAD, K), jnp.float32),
                pltpu.VMEM_SHARED((N_PAD, KD), jnp.float32),
            ]
            + [pltpu.SemaphoreType.DMA] * 6
        ),
        compiler_params=pltpu.CompilerParams(needs_layout_passes=False,
                                             use_tc_tiling_on_sc=False),
    )
    npad = E_PAD - E
    src_pad = jnp.concatenate([edge_index[0],
                               jnp.zeros((npad,), jnp.int32)])
    dst_pad = jnp.concatenate([edge_index[1],
                               jnp.full((npad,), N_PAD - 1, jnp.int32)])
    return fn(src_pad, dst_pad, el, er, feat)


def _norm_body(num_ref, den_ref, out_ref):
    num = num_ref[0] + num_ref[1]
    den = den_ref[0] + den_ref[1]
    r_ids = lax.broadcasted_iota(jnp.int32, (K, KD), 0)
    c_ids = lax.broadcasted_iota(jnp.int32, (K, KD), 1)
    expand = jnp.where(c_ids // D_OUT == r_ids, 1.0, 0.0).astype(jnp.float32)
    den128 = jnp.dot(den, expand, preferred_element_type=jnp.float32)
    safe = jnp.where(den128 > 0, den128, 1.0)
    out_ref[...] = jnp.maximum(num, 0.0) / safe


def _norm_call(num2, den2):
    blk = 512
    grid = N_PAD // blk
    return pl.pallas_call(
        _norm_body,
        grid=(grid,),
        in_specs=[
            pl.BlockSpec((NUM_SC, blk, KD), lambda i: (0, i, 0)),
            pl.BlockSpec((NUM_SC, blk, K), lambda i: (0, i, 0)),
        ],
        out_specs=pl.BlockSpec((blk, KD), lambda i: (i, 0)),
        out_shape=jax.ShapeDtypeStruct((N_PAD, KD), jnp.float32),
    )(num2, den2)


def kernel(x, edge_index, feat_rel, W_src, W_dst, W_rel):
    x_pad = jnp.pad(x, ((0, N_PAD - N), (0, 0)))
    feat, el, er = _dense_call(x_pad, feat_rel, W_src, W_dst, W_rel)
    num2, den2 = _edge_call(edge_index, el, er, feat)
    out = _norm_call(num2, den2)
    return out[:N]

# --- scband reference (transcript-rebuilt; emitter-appended) ---
"""Pipeline reference for scband-rhgnn-70025146794672 (READ-ONLY COPY).

The authoritative reference and input builder live on the scoring server;
editing this copy changes nothing except your own understanding.
"""

import jax, jax.numpy as jnp
import numpy as np

N = 10000
E = 320000
D_IN = 128
D_REL = 64
K = 8
D_OUT = 16


def setup_inputs(seed: int = 0) -> dict:
    key = jax.random.key(seed)
    ks = jax.random.split(key, 6)
    x = jax.random.normal(ks[0], (N, D_IN), dtype=jnp.float32)
    edge_index = jax.random.randint(ks[1], (2, E), 0, N, dtype=jnp.int32)
    feat_rel = jax.random.normal(ks[2], (D_REL,), dtype=jnp.float32)
    W_src = jax.random.normal(ks[3], (D_IN, K * D_OUT), dtype=jnp.float32) / np.sqrt(D_IN)
    W_dst = jax.random.normal(ks[4], (D_IN, K * D_OUT), dtype=jnp.float32) / np.sqrt(D_IN)
    W_rel = jax.random.normal(ks[5], (D_REL, 2 * K * D_OUT), dtype=jnp.float32) / np.sqrt(D_REL)
    return {"x": x, "edge_index": edge_index, "feat_rel": feat_rel,
            "W_src": W_src, "W_dst": W_dst, "W_rel": W_rel}


def _leaky_relu(v, slope=0.2):
    return jnp.where(v > 0, v, slope * v)


def reference(x, edge_index, feat_rel, W_src, W_dst, W_rel):
    # RelationGraphConv (single canonical relation) from RHGNN, eval mode (dropout=0)
    src = edge_index[0]
    dst = edge_index[1]
    feat_src = (x @ W_src).reshape(N, K, D_OUT)
    feat_dst = (x @ W_dst).reshape(N, K, D_OUT)
    attn = (feat_rel @ W_rel).reshape(K, 2 * D_OUT)
    el = jnp.sum(feat_src * attn[:, :D_OUT], axis=-1)  # (N, K)
    er = jnp.sum(feat_dst * attn[:, D_OUT:], axis=-1)  # (N, K)
    e = _leaky_relu(el[src] + er[dst])                 # (E, K)
    # edge softmax over incoming edges of each dst node
    m = jax.ops.segment_max(e, dst, num_segments=N)
    m = jnp.where(jnp.isfinite(m), m, 0.0)
    e_exp = jnp.exp(e - m[dst])
    denom = jax.ops.segment_sum(e_exp, dst, num_segments=N)
    a = e_exp / denom[dst]                             # (E, K)
    msg = feat_src[src] * a[:, :, None]                # (E, K, D_OUT) gather + weight
    out = jax.ops.segment_sum(msg, dst, num_segments=N)
    out = jax.nn.relu(out.reshape(N, K * D_OUT))
    return out

if __name__ == "__main__":
    import jax
    _d = setup_inputs()
    print(jax.jit(kernel)(*tuple(_d.values())))

</pallas_src>

<mosaic_0001>
#map = affine_map<(d0, d1) -> (0)>
#map1 = affine_map<(d0, d1) -> (0, 0)>
#map2 = affine_map<(d0, d1) -> (0, 0, 0)>
module attributes {stable_mosaic.version = 14 : i64} {
  func.func @_edge_body(%arg0: i32, %arg1: i32, %arg2: memref<327680xi32, #tpu.memory_space<hbm>>, %arg3: memref<327680xi32, #tpu.memory_space<hbm>>, %arg4: memref<10240x8xf32, #tpu.memory_space<hbm>>, %arg5: memref<10240x8xf32, #tpu.memory_space<hbm>>, %arg6: memref<10240x128xf32, #tpu.memory_space<hbm>>, %arg7: memref<2x10240x128xf32, #tpu.memory_space<hbm>>, %arg8: memref<2x10240x8xf32, #tpu.memory_space<hbm>>, %arg9: memref<64xi32, #tpu.memory_space<vmem>>, %arg10: memref<64xi32, #tpu.memory_space<vmem>>, %arg11: memref<64xi32, #tpu.memory_space<vmem>>, %arg12: memref<64xi32, #tpu.memory_space<vmem>>, %arg13: memref<64xi32, #tpu.memory_space<vmem>>, %arg14: memref<64xi32, #tpu.memory_space<vmem>>, %arg15: memref<64x8xf32, #tpu.memory_space<vmem>>, %arg16: memref<64x8xf32, #tpu.memory_space<vmem>>, %arg17: memref<64x8xf32, #tpu.memory_space<vmem>>, %arg18: memref<64x8xf32, #tpu.memory_space<vmem>>, %arg19: memref<64x8xf32, #tpu.memory_space<vmem>>, %arg20: memref<64x8xf32, #tpu.memory_space<vmem>>, %arg21: memref<64x128xf32, #tpu.memory_space<vmem>>, %arg22: memref<64x128xf32, #tpu.memory_space<vmem>>, %arg23: memref<64x128xf32, #tpu.memory_space<vmem>>, %arg24: memref<64x128xf32, #tpu.memory_space<vmem>>, %arg25: memref<10240x8xf32, #tpu.memory_space<vmem_shared>>, %arg26: memref<10240x128xf32, #tpu.memory_space<vmem_shared>>, %arg27: memref<!tpu.dma_semaphore, #tpu.memory_space<semaphore_mem>>, %arg28: memref<!tpu.dma_semaphore, #tpu.memory_space<semaphore_mem>>, %arg29: memref<!tpu.dma_semaphore, #tpu.memory_space<semaphore_mem>>, %arg30: memref<!tpu.dma_semaphore, #tpu.memory_space<semaphore_mem>>, %arg31: memref<!tpu.dma_semaphore, #tpu.memory_space<semaphore_mem>>, %arg32: memref<!tpu.dma_semaphore, #tpu.memory_space<semaphore_mem>>) attributes {dimension_semantics = [#tpu.dimension_semantics<core_parallel>, #tpu.dimension_semantics<subcore_parallel>], iteration_bounds = array<i64: 2, 16>, scalar_prefetch = 0 : i64, scratch_operands = 24 : i64, tpu.core_type = #tpu.core_type<sc_vector_subcore>, window_params = [{transform_indices = #map}, {transform_indices = #map}, {transform_indices = #map1}, {transform_indices = #map1}, {transform_indices = #map1}, {transform_indices = #map2}, {transform_indices = #map2}]} {
    %mul3A = arith.constant 640 : i32
    %mul3A_0 = arith.muli %arg1, %mul3A : i32
    %mul3A_1 = arith.constant 163840 : i32
    %mul3A_2 = arith.muli %arg0, %mul3A_1 : i32
    %mul3A_3 = arith.constant 10240 : i32
    %mul3A_4 = arith.muli %arg1, %mul3A_3 : i32
    %add3A = arith.addi %mul3A_2, %mul3A_4 : i32
    %broadcast_in_dim3A = arith.constant 0.000000e+00 : f32
    %broadcast_in_dim3A_5 = vector.broadcast %broadcast_in_dim3A : f32 to vector<16xf32>
    %scan3A = arith.constant 0 : i32
    %scan3A_6 = arith.constant 0 : i32
    %scan3A_7 = arith.constant 64 : i32
    %scan3A_8 = arith.addi %scan3A_6, %scan3A_7 : i32
    %scan3A_9 = arith.constant 1 : i32
    scf.for %scan3A_101 = %scan3A_6 to %scan3A_8 step %scan3A_9  : i32 {
      %swap3A = arith.index_cast %scan3A_101 : i32 to index
      %swap3A_102 = arith.constant 0 : index
      %swap3A_103 = tpu.vector_load %arg23[%swap3A, %swap3A_102] {strides = array<i32>} : memref<64x128xf32, #tpu.memory_space<vmem>>, vector<16xf32>,
      tpu.vector_store %arg23[%swap3A, %swap3A_102], %broadcast_in_dim3A_5 {strides = array<i32>} : memref<64x128xf32, #tpu.memory_space<vmem>>, vector<16xf32>,
      %swap3A_104 = arith.index_cast %scan3A_101 : i32 to index
      %swap3A_105 = arith.constant 16 : index
      %swap3A_106 = tpu.vector_load %arg23[%swap3A_104, %swap3A_105] {strides = array<i32>} : memref<64x128xf32, #tpu.memory_space<vmem>>, vector<16xf32>,
      tpu.vector_store %arg23[%swap3A_104, %swap3A_105], %broadcast_in_dim3A_5 {strides = array<i32>} : memref<64x128xf32, #tpu.memory_space<vmem>>, vector<16xf32>,
      %swap3A_107 = arith.index_cast %scan3A_101 : i32 to index
      %swap3A_108 = arith.constant 32 : index
      %swap3A_109 = tpu.vector_load %arg23[%swap3A_107, %swap3A_108] {strides = array<i32>} : memref<64x128xf32, #tpu.memory_space<vmem>>, vector<16xf32>,
      tpu.vector_store %arg23[%swap3A_107, %swap3A_108], %broadcast_in_dim3A_5 {strides = array<i32>} : memref<64x128xf32, #tpu.memory_space<vmem>>, vector<16xf32>,
      %swap3A_110 = arith.index_cast %scan3A_101 : i32 to index
      %swap3A_111 = arith.constant 48 : index
      %swap3A_112 = tpu.vector_load %arg23[%swap3A_110, %swap3A_111] {strides = array<i32>} : memref<64x128xf32, #tpu.memory_space<vmem>>, vector<16xf32>,
      tpu.vector_store %arg23[%swap3A_110, %swap3A_111], %broadcast_in_dim3A_5 {strides = array<i32>} : memref<64x128xf32, #tpu.memory_space<vmem>>, vector<16xf32>,
      %swap3A_113 = arith.index_cast %scan3A_101 : i32 to index
      %swap3A_114 = arith.constant 64 : index
      %swap3A_115 = tpu.vector_load %arg23[%swap3A_113, %swap3A_114] {strides = array<i32>} : memref<64x128xf32, #tpu.memory_space<vmem>>, vector<16xf32>,
      tpu.vector_store %arg23[%swap3A_113, %swap3A_114], %broadcast_in_dim3A_5 {strides = array<i32>} : memref<64x128xf32, #tpu.memory_space<vmem>>, vector<16xf32>,
      %swap3A_116 = arith.index_cast %scan3A_101 : i32 to index
      %swap3A_117 = arith.constant 80 : index
      %swap3A_118 = tpu.vector_load %arg23[%swap3A_116, %swap3A_117] {strides = array<i32>} : memref<64x128xf32, #tpu.memory_space<vmem>>, vector<16xf32>,
      tpu.vector_store %arg23[%swap3A_116, %swap3A_117], %broadcast_in_dim3A_5 {strides = array<i32>} : memref<64x128xf32, #tpu.memory_space<vmem>>, vector<16xf32>,
      %swap3A_119 = arith.index_cast %scan3A_101 : i32 to index
      %swap3A_120 = arith.constant 96 : index
      %swap3A_121 = tpu.vector_load %arg23[%swap3A_119, %swap3A_120] {strides = array<i32>} : memref<64x128xf32, #tpu.memory_space<vmem>>, vector<16xf32>,
      tpu.vector_store %arg23[%swap3A_119, %swap3A_120], %broadcast_in_dim3A_5 {strides = array<i32>} : memref<64x128xf32, #tpu.memory_space<vmem>>, vector<16xf32>,
      %swap3A_122 = arith.index_cast %scan3A_101 : i32 to index
      %swap3A_123 = arith.constant 112 : index
      %swap3A_124 = tpu.vector_load %arg23[%swap3A_122, %swap3A_123] {strides = array<i32>} : memref<64x128xf32, #tpu.memory_space<vmem>>, vector<16xf32>,
      tpu.vector_store %arg23[%swap3A_122, %swap3A_123], %broadcast_in_dim3A_5 {strides = array<i32>} : memref<64x128xf32, #tpu.memory_space<vmem>>, vector<16xf32>,
    }
    %scan3A_10 = arith.constant 64 : i32
    %scan3A_11 = arith.constant 0 : i32
    %scan3A_12 = arith.constant 0 : i32
    %scan3A_13 = arith.constant 32 : i32
    %scan3A_14 = arith.addi %scan3A_12, %scan3A_13 : i32
    %scan3A_15 = arith.constant 1 : i32
    scf.for %scan3A_101 = %scan3A_12 to %scan3A_14 step %scan3A_15  : i32 {
      %mul3A_102 = arith.constant 16 : i32
      %mul3A_103 = arith.muli %scan3A_101, %mul3A_102 : i32
      %iota3A = tpu.iota {dimensions = array<i32: 0>} : vector<16xi32>
      %add3A_104 = vector.broadcast %mul3A_103 : i32 to vector<16xi32>
      %add3A_105 = arith.addi %add3A_104, %iota3A : vector<16xi32>
      %jit3A = arith.constant 8 : i32
      %div3A = vector.broadcast %jit3A : i32 to vector<16xi32>
      %div3A_106 = arith.divsi %add3A_105, %div3A : vector<16xi32>
      %sign3A = arith.constant 0 : i32
      %sign3A_107 = vector.broadcast %sign3A : i32 to vector<16xi32>
      %sign3A_108 = arith.cmpi sgt, %add3A_105, %sign3A_107 : vector<16xi32>
      %sign3A_109 = arith.extui %sign3A_108 : vector<16xi1> to vector<16xi32>
      %sign3A_110 = arith.constant 0 : i32
      %sign3A_111 = vector.broadcast %sign3A_110 : i32 to vector<16xi32>
      %sign3A_112 = arith.cmpi slt, %add3A_105, %sign3A_111 : vector<16xi32>
      %sign3A_113 = arith.extui %sign3A_112 : vector<16xi1> to vector<16xi32>
      %sign3A_114 = arith.subi %sign3A_109, %sign3A_113 : vector<16xi32>
      %sign3A_115 = arith.constant 0 : i32
      %sign3A_116 = arith.cmpi sgt, %jit3A, %sign3A_115 : i32
      %sign3A_117 = arith.extui %sign3A_116 : i1 to i32
      %sign3A_118 = arith.constant 0 : i32
      %sign3A_119 = arith.cmpi slt, %jit3A, %sign3A_118 : i32
      %sign3A_120 = arith.extui %sign3A_119 : i1 to i32
      %sign3A_121 = arith.subi %sign3A_117, %sign3A_120 : i32
      %ne3A = vector.broadcast %sign3A_121 : i32 to vector<16xi32>
      %ne3A_122 = arith.cmpi ne, %sign3A_114, %ne3A : vector<16xi32>
      %rem3A = vector.broadcast %jit3A : i32 to vector<16xi32>
      %rem3A_123 = arith.remsi %add3A_105, %rem3A : vector<16xi32>
      %ne3A_124 = arith.constant 0 : i32
      %ne3A_125 = vector.broadcast %ne3A_124 : i32 to vector<16xi32>
      %ne3A_126 = arith.cmpi ne, %rem3A_123, %ne3A_125 : vector<16xi32>
      %and3A = arith.andi %ne3A_122, %ne3A_126 : vector<16xi1>
      %sub3A = arith.constant 1 : i32
      %sub3A_127 = vector.broadcast %sub3A : i32 to vector<16xi32>
      %sub3A_128 = arith.subi %div3A_106, %sub3A_127 : vector<16xi32>
      %select_n3A = arith.select %and3A, %sub3A_128, %div3A_106 : vector<16xi1>, vector<16xi32>
      %jit3A_129 = arith.constant 8 : i32
      %eq3A = arith.constant 0 : i32
      %eq3A_130 = arith.cmpi eq, %jit3A_129, %eq3A : i32
      %jit3A_131 = arith.constant 1 : i32
      %select_n3A_132 = arith.select %eq3A_130, %jit3A_131, %jit3A_129 : i32
      %rem3A_133 = vector.broadcast %select_n3A_132 : i32 to vector<16xi32>
      %rem3A_134 = arith.remsi %add3A_105, %rem3A_133 : vector<16xi32>
      %ne3A_135 = arith.constant 0 : i32
      %ne3A_136 = vector.broadcast %ne3A_135 : i32 to vector<16xi32>
      %ne3A_137 = arith.cmpi ne, %rem3A_134, %ne3A_136 : vector<16xi32>
      %lt3A = arith.constant 0 : i32
      %lt3A_138 = vector.broadcast %lt3A : i32 to vector<16xi32>
      %lt3A_139 = arith.cmpi slt, %rem3A_134, %lt3A_138 : vector<16xi32>
      %lt3A_140 = arith.constant 0 : i32
      %lt3A_141 = arith.cmpi slt, %select_n3A_132, %lt3A_140 : i32
      %ne3A_142 = vector.broadcast %lt3A_141 : i1 to vector<16xi1>
      %ne3A_143 = vector.broadcast %ne3A_142 : vector<16xi1> to vector<16xi1>
      %ne3A_144 = arith.xori %lt3A_139, %ne3A_143 : vector<16xi1>
      %and3A_145 = arith.andi %ne3A_144, %ne3A_137 : vector<16xi1>
      %add3A_146 = vector.broadcast %select_n3A_132 : i32 to vector<16xi32>
      %add3A_147 = arith.addi %rem3A_134, %add3A_146 : vector<16xi32>
      %select_n3A_148 = arith.select %and3A_145, %add3A_147, %rem3A_134 : vector<16xi1>, vector<16xi32>
      tpu.vector_store_idx %arg19[%select_n3A, %select_n3A_148], %broadcast_in_dim3A_5 : memref<64x8xf32, #tpu.memory_space<vmem>>[vector<16xi32>, vector<16xi32>], vector<16xf32>,
    }
    %scan3A_16 = arith.constant 32 : i32
    %add3A_17 = arith.constant 0 : i32
    %add3A_18 = arith.addi %mul3A_0, %add3A_17 : i32
    "tpu.region"() ({
      %run_scoped3A = tpu.sem_alloc : memref<!tpu.dma_semaphore, #tpu.memory_space<semaphore_mem>>
      %dma_start3A_101 = arith.constant 0 : i32
      %dma_start3A_102 = tpu.memref_slice %arg26[%add3A_18, %dma_start3A_101] : memref<10240x128xf32, #tpu.memory_space<vmem_shared>> -> memref<64x128xf32, #tpu.memory_space<vmem_shared>>
      %dma_start3A_103 = arith.constant 0 : i32
      %dma_start3A_104 = tpu.memref_slice %arg26[%add3A_18, %dma_start3A_103] : memref<10240x128xf32, #tpu.memory_space<vmem_shared>> -> memref<64x128xf32, #tpu.memory_space<vmem_shared>>
      tpu.enqueue_dma source(%arg23 : memref<64x128xf32, #tpu.memory_space<vmem>>) target(%dma_start3A_104 : memref<64x128xf32, #tpu.memory_space<vmem_shared>>) target_semaphore(%run_scoped3A : memref<!tpu.dma_semaphore, #tpu.memory_space<semaphore_mem>>)
      %dma_wait3A_105 = arith.constant 0 : i32
      %dma_wait3A_106 = tpu.memref_slice %arg26[%add3A_18, %dma_wait3A_105] : memref<10240x128xf32, #tpu.memory_space<vmem_shared>> -> memref<64x128xf32, #tpu.memory_space<vmem_shared>>
      %dma_wait3A_107 = arith.constant 0 : i32
      %dma_wait3A_108 = tpu.memref_slice %arg26[%add3A_18, %dma_wait3A_107] : memref<10240x128xf32, #tpu.memory_space<vmem_shared>> -> memref<64x128xf32, #tpu.memory_space<vmem_shared>>
      tpu.wait_dma2 semaphore(%run_scoped3A : memref<!tpu.dma_semaphore, #tpu.memory_space<semaphore_mem>>) src(%arg23 : memref<64x128xf32, #tpu.memory_space<vmem>>) dst(%dma_wait3A_108 : memref<64x128xf32, #tpu.memory_space<vmem_shared>>)
      tpu.yield
    }) : () -> ()
    %add3A_19 = arith.constant 0 : i32
    %add3A_20 = arith.addi %mul3A_0, %add3A_19 : i32
    "tpu.region"() ({
      %run_scoped3A = tpu.sem_alloc : memref<!tpu.dma_semaphore, #tpu.memory_space<semaphore_mem>>
      %dma_start3A_101 = arith.constant 0 : i32
      %dma_start3A_102 = tpu.memref_slice %arg25[%add3A_20, %dma_start3A_101] : memref<10240x8xf32, #tpu.memory_space<vmem_shared>> -> memref<64x8xf32, #tpu.memory_space<vmem_shared>>
      %dma_start3A_103 = arith.constant 0 : i32
      %dma_start3A_104 = tpu.memref_slice %arg25[%add3A_20, %dma_start3A_103] : memref<10240x8xf32, #tpu.memory_space<vmem_shared>> -> memref<64x8xf32, #tpu.memory_space<vmem_shared>>
      tpu.enqueue_dma source(%arg19 : memref<64x8xf32, #tpu.memory_space<vmem>>) target(%dma_start3A_104 : memref<64x8xf32, #tpu.memory_space<vmem_shared>>) target_semaphore(%run_scoped3A : memref<!tpu.dma_semaphore, #tpu.memory_space<semaphore_mem>>)
      %dma_wait3A_105 = arith.constant 0 : i32
      %dma_wait3A_106 = tpu.memref_slice %arg25[%add3A_20, %dma_wait3A_105] : memref<10240x8xf32, #tpu.memory_space<vmem_shared>> -> memref<64x8xf32, #tpu.memory_space<vmem_shared>>
      %dma_wait3A_107 = arith.constant 0 : i32
      %dma_wait3A_108 = tpu.memref_slice %arg25[%add3A_20, %dma_wait3A_107] : memref<10240x8xf32, #tpu.memory_space<vmem_shared>> -> memref<64x8xf32, #tpu.memory_space<vmem_shared>>
      tpu.wait_dma2 semaphore(%run_scoped3A : memref<!tpu.dma_semaphore, #tpu.memory_space<semaphore_mem>>) src(%arg19 : memref<64x8xf32, #tpu.memory_space<vmem>>) dst(%dma_wait3A_108 : memref<64x8xf32, #tpu.memory_space<vmem_shared>>)
      tpu.yield
    }) : () -> ()
    %add3A_21 = arith.constant 64 : i32
    %add3A_22 = arith.addi %mul3A_0, %add3A_21 : i32
    "tpu.region"() ({
      %run_scoped3A = tpu.sem_alloc : memref<!tpu.dma_semaphore, #tpu.memory_space<semaphore_mem>>
      %dma_start3A_101 = arith.constant 0 : i32
      %dma_start3A_102 = tpu.memref_slice %arg26[%add3A_22, %dma_start3A_101] : memref<10240x128xf32, #tpu.memory_space<vmem_shared>> -> memref<64x128xf32, #tpu.memory_space<vmem_shared>>
      %dma_start3A_103 = arith.constant 0 : i32
      %dma_start3A_104 = tpu.memref_slice %arg26[%add3A_22, %dma_start3A_103] : memref<10240x128xf32, #tpu.memory_space<vmem_shared>> -> memref<64x128xf32, #tpu.memory_space<vmem_shared>>
      tpu.enqueue_dma source(%arg23 : memref<64x128xf32, #tpu.memory_space<vmem>>) target(%dma_start3A_104 : memref<64x128xf32, #tpu.memory_space<vmem_shared>>) target_semaphore(%run_scoped3A : memref<!tpu.dma_semaphore, #tpu.memory_space<semaphore_mem>>)
      %dma_wait3A_105 = arith.constant 0 : i32
      %dma_wait3A_106 = tpu.memref_slice %arg26[%add3A_22, %dma_wait3A_105] : memref<10240x128xf32, #tpu.memory_space<vmem_shared>> -> memref<64x128xf32, #tpu.memory_space<vmem_shared>>
      %dma_wait3A_107 = arith.constant 0 : i32
      %dma_wait3A_108 = tpu.memref_slice %arg26[%add3A_22, %dma_wait3A_107] : memref<10240x128xf32, #tpu.memory_space<vmem_shared>> -> memref<64x128xf32, #tpu.memory_space<vmem_shared>>
      tpu.wait_dma2 semaphore(%run_scoped3A : memref<!tpu.dma_semaphore, #tpu.memory_space<semaphore_mem>>) src(%arg23 : memref<64x128xf32, #tpu.memory_space<vmem>>) dst(%dma_wait3A_108 : memref<64x128xf32, #tpu.memory_space<vmem_shared>>)
      tpu.yield
    }) : () -> ()
    %add3A_23 = arith.constant 64 : i32
    %add3A_24 = arith.addi %mul3A_0, %add3A_23 : i32
    "tpu.region"() ({
      %run_scoped3A = tpu.sem_alloc : memref<!tpu.dma_semaphore, #tpu.memory_space<semaphore_mem>>
      %dma_start3A_101 = arith.constant 0 : i32
      %dma_start3A_102 = tpu.memref_slice %arg25[%add3A_24, %dma_start3A_101] : memref<10240x8xf32, #tpu.memory_space<vmem_shared>> -> memref<64x8xf32, #tpu.memory_space<vmem_shared>>
      %dma_start3A_103 = arith.constant 0 : i32
      %dma_start3A_104 = tpu.memref_slice %arg25[%add3A_24, %dma_start3A_103] : memref<10240x8xf32, #tpu.memory_space<vmem_shared>> -> memref<64x8xf32, #tpu.memory_space<vmem_shared>>
      tpu.enqueue_dma source(%arg19 : memref<64x8xf32, #tpu.memory_space<vmem>>) target(%dma_start3A_104 : memref<64x8xf32, #tpu.memory_space<vmem_shared>>) target_semaphore(%run_scoped3A : memref<!tpu.dma_semaphore, #tpu.memory_space<semaphore_mem>>)
      %dma_wait3A_105 = arith.constant 0 : i32
      %dma_wait3A_106 = tpu.memref_slice %arg25[%add3A_24, %dma_wait3A_105] : memref<10240x8xf32, #tpu.memory_space<vmem_shared>> -> memref<64x8xf32, #tpu.memory_space<vmem_shared>>
      %dma_wait3A_107 = arith.constant 0 : i32
      %dma_wait3A_108 = tpu.memref_slice %arg25[%add3A_24, %dma_wait3A_107] : memref<10240x8xf32, #tpu.memory_space<vmem_shared>> -> memref<64x8xf32, #tpu.memory_space<vmem_shared>>
      tpu.wait_dma2 semaphore(%run_scoped3A : memref<!tpu.dma_semaphore, #tpu.memory_space<semaphore_mem>>) src(%arg19 : memref<64x8xf32, #tpu.memory_space<vmem>>) dst(%dma_wait3A_108 : memref<64x8xf32, #tpu.memory_space<vmem_shared>>)
      tpu.yield
    }) : () -> ()
    %add3A_25 = arith.constant 128 : i32
    %add3A_26 = arith.addi %mul3A_0, %add3A_25 : i32
    "tpu.region"() ({
      %run_scoped3A = tpu.sem_alloc : memref<!tpu.dma_semaphore, #tpu.memory_space<semaphore_mem>>
      %dma_start3A_101 = arith.constant 0 : i32
      %dma_start3A_102 = tpu.memref_slice %arg26[%add3A_26, %dma_start3A_101] : memref<10240x128xf32, #tpu.memory_space<vmem_shared>> -> memref<64x128xf32, #tpu.memory_space<vmem_shared>>
      %dma_start3A_103 = arith.constant 0 : i32
      %dma_start3A_104 = tpu.memref_slice %arg26[%add3A_26, %dma_start3A_103] : memref<10240x128xf32, #tpu.memory_space<vmem_shared>> -> memref<64x128xf32, #tpu.memory_space<vmem_shared>>
      tpu.enqueue_dma source(%arg23 : memref<64x128xf32, #tpu.memory_space<vmem>>) target(%dma_start3A_104 : memref<64x128xf32, #tpu.memory_space<vmem_shared>>) target_semaphore(%run_scoped3A : memref<!tpu.dma_semaphore, #tpu.memory_space<semaphore_mem>>)
      %dma_wait3A_105 = arith.constant 0 : i32
      %dma_wait3A_106 = tpu.memref_slice %arg26[%add3A_26, %dma_wait3A_105] : memref<10240x128xf32, #tpu.memory_space<vmem_shared>> -> memref<64x128xf32, #tpu.memory_space<vmem_shared>>
      %dma_wait3A_107 = arith.constant 0 : i32
      %dma_wait3A_108 = tpu.memref_slice %arg26[%add3A_26, %dma_wait3A_107] : memref<10240x128xf32, #tpu.memory_space<vmem_shared>> -> memref<64x128xf32, #tpu.memory_space<vmem_shared>>
      tpu.wait_dma2 semaphore(%run_scoped3A : memref<!tpu.dma_semaphore, #tpu.memory_space<semaphore_mem>>) src(%arg23 : memref<64x128xf32, #tpu.memory_space<vmem>>) dst(%dma_wait3A_108 : memref<64x128xf32, #tpu.memory_space<vmem_shared>>)
      tpu.yield
    }) : () -> ()
    %add3A_27 = arith.constant 128 : i32
    %add3A_28 = arith.addi %mul3A_0, %add3A_27 : i32
    "tpu.region"() ({
      %run_scoped3A = tpu.sem_alloc : memref<!tpu.dma_semaphore, #tpu.memory_space<semaphore_mem>>
      %dma_start3A_101 = arith.constant 0 : i32
      %dma_start3A_102 = tpu.memref_slice %arg25[%add3A_28, %dma_start3A_101] : memref<10240x8xf32, #tpu.memory_space<vmem_shared>> -> memref<64x8xf32, #tpu.memory_space<vmem_shared>>
      %dma_start3A_103 = arith.constant 0 : i32
      %dma_start3A_104 = tpu.memref_slice %arg25[%add3A_28, %dma_start3A_103] : memref<10240x8xf32, #tpu.memory_space<vmem_shared>> -> memref<64x8xf32, #tpu.memory_space<vmem_shared>>
      tpu.enqueue_dma source(%arg19 : memref<64x8xf32, #tpu.memory_space<vmem>>) target(%dma_start3A_104 : memref<64x8xf32, #tpu.memory_space<vmem_shared>>) target_semaphore(%run_scoped3A : memref<!tpu.dma_semaphore, #tpu.memory_space<semaphore_mem>>)
      %dma_wait3A_105 = arith.constant 0 : i32
      %dma_wait3A_106 = tpu.memref_slice %arg25[%add3A_28, %dma_wait3A_105] : memref<10240x8xf32, #tpu.memory_space<vmem_shared>> -> memref<64x8xf32, #tpu.memory_space<vmem_shared>>
      %dma_wait3A_107 = arith.constant 0 : i32
      %dma_wait3A_108 = tpu.memref_slice %arg25[%add3A_28, %dma_wait3A_107] : memref<10240x8xf32, #tpu.memory_space<vmem_shared>> -> memref<64x8xf32, #tpu.memory_space<vmem_shared>>
      tpu.wait_dma2 semaphore(%run_scoped3A : memref<!tpu.dma_semaphore, #tpu.memory_space<semaphore_mem>>) src(%arg19 : memref<64x8xf32, #tpu.memory_space<vmem>>) dst(%dma_wait3A_108 : memref<64x8xf32, #tpu.memory_space<vmem_shared>>)
      tpu.yield
    }) : () -> ()
    %add3A_29 = arith.constant 192 : i32
    %add3A_30 = arith.addi %mul3A_0, %add3A_29 : i32
    "tpu.region"() ({
      %run_scoped3A = tpu.sem_alloc : memref<!tpu.dma_semaphore, #tpu.memory_space<semaphore_mem>>
      %dma_start3A_101 = arith.constant 0 : i32
      %dma_start3A_102 = tpu.memref_slice %arg26[%add3A_30, %dma_start3A_101] : memref<10240x128xf32, #tpu.memory_space<vmem_shared>> -> memref<64x128xf32, #tpu.memory_space<vmem_shared>>
      %dma_start3A_103 = arith.constant 0 : i32
      %dma_start3A_104 = tpu.memref_slice %arg26[%add3A_30, %dma_start3A_103] : memref<10240x128xf32, #tpu.memory_space<vmem_shared>> -> memref<64x128xf32, #tpu.memory_space<vmem_shared>>
      tpu.enqueue_dma source(%arg23 : memref<64x128xf32, #tpu.memory_space<vmem>>) target(%dma_start3A_104 : memref<64x128xf32, #tpu.memory_space<vmem_shared>>) target_semaphore(%run_scoped3A : memref<!tpu.dma_semaphore, #tpu.memory_space<semaphore_mem>>)
      %dma_wait3A_105 = arith.constant 0 : i32
      %dma_wait3A_106 = tpu.memref_slice %arg26[%add3A_30, %dma_wait3A_105] : memref<10240x128xf32, #tpu.memory_space<vmem_shared>> -> memref<64x128xf32, #tpu.memory_space<vmem_shared>>
      %dma_wait3A_107 = arith.constant 0 : i32
      %dma_wait3A_108 = tpu.memref_slice %arg26[%add3A_30, %dma_wait3A_107] : memref<10240x128xf32, #tpu.memory_space<vmem_shared>> -> memref<64x128xf32, #tpu.memory_space<vmem_shared>>
      tpu.wait_dma2 semaphore(%run_scoped3A : memref<!tpu.dma_semaphore, #tpu.memory_space<semaphore_mem>>) src(%arg23 : memref<64x128xf32, #tpu.memory_space<vmem>>) dst(%dma_wait3A_108 : memref<64x128xf32, #tpu.memory_space<vmem_shared>>)
      tpu.yield
    }) : () -> ()
    %add3A_31 = arith.constant 192 : i32
    %add3A_32 = arith.addi %mul3A_0, %add3A_31 : i32
    "tpu.region"() ({
      %run_scoped3A = tpu.sem_alloc : memref<!tpu.dma_semaphore, #tpu.memory_space<semaphore_mem>>
      %dma_start3A_101 = arith.constant 0 : i32
      %dma_start3A_102 = tpu.memref_slice %arg25[%add3A_32, %dma_start3A_101] : memref<10240x8xf32, #tpu.memory_space<vmem_shared>> -> memref<64x8xf32, #tpu.memory_space<vmem_shared>>
      %dma_start3A_103 = arith.constant 0 : i32
      %dma_start3A_104 = tpu.memref_slice %arg25[%add3A_32, %dma_start3A_103] : memref<10240x8xf32, #tpu.memory_space<vmem_shared>> -> memref<64x8xf32, #tpu.memory_space<vmem_shared>>
      tpu.enqueue_dma source(%arg19 : memref<64x8xf32, #tpu.memory_space<vmem>>) target(%dma_start3A_104 : memref<64x8xf32, #tpu.memory_space<vmem_shared>>) target_semaphore(%run_scoped3A : memref<!tpu.dma_semaphore, #tpu.memory_space<semaphore_mem>>)
      %dma_wait3A_105 = arith.constant 0 : i32
      %dma_wait3A_106 = tpu.memref_slice %arg25[%add3A_32, %dma_wait3A_105] : memref<10240x8xf32, #tpu.memory_space<vmem_shared>> -> memref<64x8xf32, #tpu.memory_space<vmem_shared>>
      %dma_wait3A_107 = arith.constant 0 : i32
      %dma_wait3A_108 = tpu.memref_slice %arg25[%add3A_32, %dma_wait3A_107] : memref<10240x8xf32, #tpu.memory_space<vmem_shared>> -> memref<64x8xf32, #tpu.memory_space<vmem_shared>>
      tpu.wait_dma2 semaphore(%run_scoped3A : memref<!tpu.dma_semaphore, #tpu.memory_space<semaphore_mem>>) src(%arg19 : memref<64x8xf32, #tpu.memory_space<vmem>>) dst(%dma_wait3A_108 : memref<64x8xf32, #tpu.memory_space<vmem_shared>>)
      tpu.yield
    }) : () -> ()
    %add3A_33 = arith.constant 256 : i32
    %add3A_34 = arith.addi %mul3A_0, %add3A_33 : i32
    "tpu.region"() ({
      %run_scoped3A = tpu.sem_alloc : memref<!tpu.dma_semaphore, #tpu.memory_space<semaphore_mem>>
      %dma_start3A_101 = arith.constant 0 : i32
      %dma_start3A_102 = tpu.memref_slice %arg26[%add3A_34, %dma_start3A_101] : memref<10240x128xf32, #tpu.memory_space<vmem_shared>> -> memref<64x128xf32, #tpu.memory_space<vmem_shared>>
      %dma_start3A_103 = arith.constant 0 : i32
      %dma_start3A_104 = tpu.memref_slice %arg26[%add3A_34, %dma_start3A_103] : memref<10240x128xf32, #tpu.memory_space<vmem_shared>> -> memref<64x128xf32, #tpu.memory_space<vmem_shared>>
      tpu.enqueue_dma source(%arg23 : memref<64x128xf32, #tpu.memory_space<vmem>>) target(%dma_start3A_104 : memref<64x128xf32, #tpu.memory_space<vmem_shared>>) target_semaphore(%run_scoped3A : memref<!tpu.dma_semaphore, #tpu.memory_space<semaphore_mem>>)
      %dma_wait3A_105 = arith.constant 0 : i32
      %dma_wait3A_106 = tpu.memref_slice %arg26[%add3A_34, %dma_wait3A_105] : memref<10240x128xf32, #tpu.memory_space<vmem_shared>> -> memref<64x128xf32, #tpu.memory_space<vmem_shared>>
      %dma_wait3A_107 = arith.constant 0 : i32
      %dma_wait3A_108 = tpu.memref_slice %arg26[%add3A_34, %dma_wait3A_107] : memref<10240x128xf32, #tpu.memory_space<vmem_shared>> -> memref<64x128xf32, #tpu.memory_space<vmem_shared>>
      tpu.wait_dma2 semaphore(%run_scoped3A : memref<!tpu.dma_semaphore, #tpu.memory_space<semaphore_mem>>) src(%arg23 : memref<64x128xf32, #tpu.memory_space<vmem>>) dst(%dma_wait3A_108 : memref<64x128xf32, #tpu.memory_space<vmem_shared>>)
      tpu.yield
    }) : () -> ()
    %add3A_35 = arith.constant 256 : i32
    %add3A_36 = arith.addi %mul3A_0, %add3A_35 : i32
    "tpu.region"() ({
      %run_scoped3A = tpu.sem_alloc : memref<!tpu.dma_semaphore, #tpu.memory_space<semaphore_mem>>
      %dma_start3A_101 = arith.constant 0 : i32
      %dma_start3A_102 = tpu.memref_slice %arg25[%add3A_36, %dma_start3A_101] : memref<10240x8xf32, #tpu.memory_space<vmem_shared>> -> memref<64x8xf32, #tpu.memory_space<vmem_shared>>
      %dma_start3A_103 = arith.constant 0 : i32
      %dma_start3A_104 = tpu.memref_slice %arg25[%add3A_36, %dma_start3A_103] : memref<10240x8xf32, #tpu.memory_space<vmem_shared>> -> memref<64x8xf32, #tpu.memory_space<vmem_shared>>
      tpu.enqueue_dma source(%arg19 : memref<64x8xf32, #tpu.memory_space<vmem>>) target(%dma_start3A_104 : memref<64x8xf32, #tpu.memory_space<vmem_shared>>) target_semaphore(%run_scoped3A : memref<!tpu.dma_semaphore, #tpu.memory_space<semaphore_mem>>)
      %dma_wait3A_105 = arith.constant 0 : i32
      %dma_wait3A_106 = tpu.memref_slice %arg25[%add3A_36, %dma_wait3A_105] : memref<10240x8xf32, #tpu.memory_space<vmem_shared>> -> memref<64x8xf32, #tpu.memory_space<vmem_shared>>
      %dma_wait3A_107 = arith.constant 0 : i32
      %dma_wait3A_108 = tpu.memref_slice %arg25[%add3A_36, %dma_wait3A_107] : memref<10240x8xf32, #tpu.memory_space<vmem_shared>> -> memref<64x8xf32, #tpu.memory_space<vmem_shared>>
      tpu.wait_dma2 semaphore(%run_scoped3A : memref<!tpu.dma_semaphore, #tpu.memory_space<semaphore_mem>>) src(%arg19 : memref<64x8xf32, #tpu.memory_space<vmem>>) dst(%dma_wait3A_108 : memref<64x8xf32, #tpu.memory_space<vmem_shared>>)
      tpu.yield
    }) : () -> ()
    %add3A_37 = arith.constant 320 : i32
    %add3A_38 = arith.addi %mul3A_0, %add3A_37 : i32
    "tpu.region"() ({
      %run_scoped3A = tpu.sem_alloc : memref<!tpu.dma_semaphore, #tpu.memory_space<semaphore_mem>>
      %dma_start3A_101 = arith.constant 0 : i32
      %dma_start3A_102 = tpu.memref_slice %arg26[%add3A_38, %dma_start3A_101] : memref<10240x128xf32, #tpu.memory_space<vmem_shared>> -> memref<64x128xf32, #tpu.memory_space<vmem_shared>>
      %dma_start3A_103 = arith.constant 0 : i32
      %dma_start3A_104 = tpu.memref_slice %arg26[%add3A_38, %dma_start3A_103] : memref<10240x128xf32, #tpu.memory_space<vmem_shared>> -> memref<64x128xf32, #tpu.memory_space<vmem_shared>>
      tpu.enqueue_dma source(%arg23 : memref<64x128xf32, #tpu.memory_space<vmem>>) target(%dma_start3A_104 : memref<64x128xf32, #tpu.memory_space<vmem_shared>>) target_semaphore(%run_scoped3A : memref<!tpu.dma_semaphore, #tpu.memory_space<semaphore_mem>>)
      %dma_wait3A_105 = arith.constant 0 : i32
      %dma_wait3A_106 = tpu.memref_slice %arg26[%add3A_38, %dma_wait3A_105] : memref<10240x128xf32, #tpu.memory_space<vmem_shared>> -> memref<64x128xf32, #tpu.memory_space<vmem_shared>>
      %dma_wait3A_107 = arith.constant 0 : i32
      %dma_wait3A_108 = tpu.memref_slice %arg26[%add3A_38, %dma_wait3A_107] : memref<10240x128xf32, #tpu.memory_space<vmem_shared>> -> memref<64x128xf32, #tpu.memory_space<vmem_shared>>
      tpu.wait_dma2 semaphore(%run_scoped3A : memref<!tpu.dma_semaphore, #tpu.memory_space<semaphore_mem>>) src(%arg23 : memref<64x128xf32, #tpu.memory_space<vmem>>) dst(%dma_wait3A_108 : memref<64x128xf32, #tpu.memory_space<vmem_shared>>)
      tpu.yield
    }) : () -> ()
    %add3A_39 = arith.constant 320 : i32
    %add3A_40 = arith.addi %mul3A_0, %add3A_39 : i32
    "tpu.region"() ({
      %run_scoped3A = tpu.sem_alloc : memref<!tpu.dma_semaphore, #tpu.memory_space<semaphore_mem>>
      %dma_start3A_101 = arith.constant 0 : i32
      %dma_start3A_102 = tpu.memref_slice %arg25[%add3A_40, %dma_start3A_101] : memref<10240x8xf32, #tpu.memory_space<vmem_shared>> -> memref<64x8xf32, #tpu.memory_space<vmem_shared>>
      %dma_start3A_103 = arith.constant 0 : i32
      %dma_start3A_104 = tpu.memref_slice %arg25[%add3A_40, %dma_start3A_103] : memref<10240x8xf32, #tpu.memory_space<vmem_shared>> -> memref<64x8xf32, #tpu.memory_space<vmem_shared>>
      tpu.enqueue_dma source(%arg19 : memref<64x8xf32, #tpu.memory_space<vmem>>) target(%dma_start3A_104 : memref<64x8xf32, #tpu.memory_space<vmem_shared>>) target_semaphore(%run_scoped3A : memref<!tpu.dma_semaphore, #tpu.memory_space<semaphore_mem>>)
      %dma_wait3A_105 = arith.constant 0 : i32
      %dma_wait3A_106 = tpu.memref_slice %arg25[%add3A_40, %dma_wait3A_105] : memref<10240x8xf32, #tpu.memory_space<vmem_shared>> -> memref<64x8xf32, #tpu.memory_space<vmem_shared>>
      %dma_wait3A_107 = arith.constant 0 : i32
      %dma_wait3A_108 = tpu.memref_slice %arg25[%add3A_40, %dma_wait3A_107] : memref<10240x8xf32, #tpu.memory_space<vmem_shared>> -> memref<64x8xf32, #tpu.memory_space<vmem_shared>>
      tpu.wait_dma2 semaphore(%run_scoped3A : memref<!tpu.dma_semaphore, #tpu.memory_space<semaphore_mem>>) src(%arg19 : memref<64x8xf32, #tpu.memory_space<vmem>>) dst(%dma_wait3A_108 : memref<64x8xf32, #tpu.memory_space<vmem_shared>>)
      tpu.yield
    }) : () -> ()
    %add3A_41 = arith.constant 384 : i32
    %add3A_42 = arith.addi %mul3A_0, %add3A_41 : i32
    "tpu.region"() ({
      %run_scoped3A = tpu.sem_alloc : memref<!tpu.dma_semaphore, #tpu.memory_space<semaphore_mem>>
      %dma_start3A_101 = arith.constant 0 : i32
      %dma_start3A_102 = tpu.memref_slice %arg26[%add3A_42, %dma_start3A_101] : memref<10240x128xf32, #tpu.memory_space<vmem_shared>> -> memref<64x128xf32, #tpu.memory_space<vmem_shared>>
      %dma_start3A_103 = arith.constant 0 : i32
      %dma_start3A_104 = tpu.memref_slice %arg26[%add3A_42, %dma_start3A_103] : memref<10240x128xf32, #tpu.memory_space<vmem_shared>> -> memref<64x128xf32, #tpu.memory_space<vmem_shared>>
      tpu.enqueue_dma source(%arg23 : memref<64x128xf32, #tpu.memory_space<vmem>>) target(%dma_start3A_104 : memref<64x128xf32, #tpu.memory_space<vmem_shared>>) target_semaphore(%run_scoped3A : memref<!tpu.dma_semaphore, #tpu.memory_space<semaphore_mem>>)
      %dma_wait3A_105 = arith.constant 0 : i32
      %dma_wait3A_106 = tpu.memref_slice %arg26[%add3A_42, %dma_wait3A_105] : memref<10240x128xf32, #tpu.memory_space<vmem_shared>> -> memref<64x128xf32, #tpu.memory_space<vmem_shared>>
      %dma_wait3A_107 = arith.constant 0 : i32
      %dma_wait3A_108 = tpu.memref_slice %arg26[%add3A_42, %dma_wait3A_107] : memref<10240x128xf32, #tpu.memory_space<vmem_shared>> -> memref<64x128xf32, #tpu.memory_space<vmem_shared>>
      tpu.wait_dma2 semaphore(%run_scoped3A : memref<!tpu.dma_semaphore, #tpu.memory_space<semaphore_mem>>) src(%arg23 : memref<64x128xf32, #tpu.memory_space<vmem>>) dst(%dma_wait3A_108 : memref<64x128xf32, #tpu.memory_space<vmem_shared>>)
      tpu.yield
    }) : () -> ()
    %add3A_43 = arith.constant 384 : i32
    %add3A_44 = arith.addi %mul3A_0, %add3A_43 : i32
    "tpu.region"() ({
      %run_scoped3A = tpu.sem_alloc : memref<!tpu.dma_semaphore, #tpu.memory_space<semaphore_mem>>
      %dma_start3A_101 = arith.constant 0 : i32
      %dma_start3A_102 = tpu.memref_slice %arg25[%add3A_44, %dma_start3A_101] : memref<10240x8xf32, #tpu.memory_space<vmem_shared>> -> memref<64x8xf32, #tpu.memory_space<vmem_shared>>
      %dma_start3A_103 = arith.constant 0 : i32
      %dma_start3A_104 = tpu.memref_slice %arg25[%add3A_44, %dma_start3A_103] : memref<10240x8xf32, #tpu.memory_space<vmem_shared>> -> memref<64x8xf32, #tpu.memory_space<vmem_shared>>
      tpu.enqueue_dma source(%arg19 : memref<64x8xf32, #tpu.memory_space<vmem>>) target(%dma_start3A_104 : memref<64x8xf32, #tpu.memory_space<vmem_shared>>) target_semaphore(%run_scoped3A : memref<!tpu.dma_semaphore, #tpu.memory_space<semaphore_mem>>)
      %dma_wait3A_105 = arith.constant 0 : i32
      %dma_wait3A_106 = tpu.memref_slice %arg25[%add3A_44, %dma_wait3A_105] : memref<10240x8xf32, #tpu.memory_space<vmem_shared>> -> memref<64x8xf32, #tpu.memory_space<vmem_shared>>
      %dma_wait3A_107 = arith.constant 0 : i32
      %dma_wait3A_108 = tpu.memref_slice %arg25[%add3A_44, %dma_wait3A_107] : memref<10240x8xf32, #tpu.memory_space<vmem_shared>> -> memref<64x8xf32, #tpu.memory_space<vmem_shared>>
      tpu.wait_dma2 semaphore(%run_scoped3A : memref<!tpu.dma_semaphore, #tpu.memory_space<semaphore_mem>>) src(%arg19 : memref<64x8xf32, #tpu.memory_space<vmem>>) dst(%dma_wait3A_108 : memref<64x8xf32, #tpu.memory_space<vmem_shared>>)
      tpu.yield
    }) : () -> ()
    %add3A_45 = arith.constant 448 : i32
    %add3A_46 = arith.addi %mul3A_0, %add3A_45 : i32
    "tpu.region"() ({
      %run_scoped3A = tpu.sem_alloc : memref<!tpu.dma_semaphore, #tpu.memory_space<semaphore_mem>>
      %dma_start3A_101 = arith.constant 0 : i32
      %dma_start3A_102 = tpu.memref_slice %arg26[%add3A_46, %dma_start3A_101] : memref<10240x128xf32, #tpu.memory_space<vmem_shared>> -> memref<64x128xf32, #tpu.memory_space<vmem_shared>>
      %dma_start3A_103 = arith.constant 0 : i32
      %dma_start3A_104 = tpu.memref_slice %arg26[%add3A_46, %dma_start3A_103] : memref<10240x128xf32, #tpu.memory_space<vmem_shared>> -> memref<64x128xf32, #tpu.memory_space<vmem_shared>>
      tpu.enqueue_dma source(%arg23 : memref<64x128xf32, #tpu.memory_space<vmem>>) target(%dma_start3A_104 : memref<64x128xf32, #tpu.memory_space<vmem_shared>>) target_semaphore(%run_scoped3A : memref<!tpu.dma_semaphore, #tpu.memory_space<semaphore_mem>>)
      %dma_wait3A_105 = arith.constant 0 : i32
      %dma_wait3A_106 = tpu.memref_slice %arg26[%add3A_46, %dma_wait3A_105] : memref<10240x128xf32, #tpu.memory_space<vmem_shared>> -> memref<64x128xf32, #tpu.memory_space<vmem_shared>>
      %dma_wait3A_107 = arith.constant 0 : i32
      %dma_wait3A_108 = tpu.memref_slice %arg26[%add3A_46, %dma_wait3A_107] : memref<10240x128xf32, #tpu.memory_space<vmem_shared>> -> memref<64x128xf32, #tpu.memory_space<vmem_shared>>
      tpu.wait_dma2 semaphore(%run_scoped3A : memref<!tpu.dma_semaphore, #tpu.memory_space<semaphore_mem>>) src(%arg23 : memref<64x128xf32, #tpu.memory_space<vmem>>) dst(%dma_wait3A_108 : memref<64x128xf32, #tpu.memory_space<vmem_shared>>)
      tpu.yield
    }) : () -> ()
    %add3A_47 = arith.constant 448 : i32
    %add3A_48 = arith.addi %mul3A_0, %add3A_47 : i32
    "tpu.region"() ({
      %run_scoped3A = tpu.sem_alloc : memref<!tpu.dma_semaphore, #tpu.memory_space<semaphore_mem>>
      %dma_start3A_101 = arith.constant 0 : i32
      %dma_start3A_102 = tpu.memref_slice %arg25[%add3A_48, %dma_start3A_101] : memref<10240x8xf32, #tpu.memory_space<vmem_shared>> -> memref<64x8xf32, #tpu.memory_space<vmem_shared>>
      %dma_start3A_103 = arith.constant 0 : i32
      %dma_start3A_104 = tpu.memref_slice %arg25[%add3A_48, %dma_start3A_103] : memref<10240x8xf32, #tpu.memory_space<vmem_shared>> -> memref<64x8xf32, #tpu.memory_space<vmem_shared>>
      tpu.enqueue_dma source(%arg19 : memref<64x8xf32, #tpu.memory_space<vmem>>) target(%dma_start3A_104 : memref<64x8xf32, #tpu.memory_space<vmem_shared>>) target_semaphore(%run_scoped3A : memref<!tpu.dma_semaphore, #tpu.memory_space<semaphore_mem>>)
      %dma_wait3A_105 = arith.constant 0 : i32
      %dma_wait3A_106 = tpu.memref_slice %arg25[%add3A_48, %dma_wait3A_105] : memref<10240x8xf32, #tpu.memory_space<vmem_shared>> -> memref<64x8xf32, #tpu.memory_space<vmem_shared>>
      %dma_wait3A_107 = arith.constant 0 : i32
      %dma_wait3A_108 = tpu.memref_slice %arg25[%add3A_48, %dma_wait3A_107] : memref<10240x8xf32, #tpu.memory_space<vmem_shared>> -> memref<64x8xf32, #tpu.memory_space<vmem_shared>>
      tpu.wait_dma2 semaphore(%run_scoped3A : memref<!tpu.dma_semaphore, #tpu.memory_space<semaphore_mem>>) src(%arg19 : memref<64x8xf32, #tpu.memory_space<vmem>>) dst(%dma_wait3A_108 : memref<64x8xf32, #tpu.memory_space<vmem_shared>>)
      tpu.yield
    }) : () -> ()
    %add3A_49 = arith.constant 512 : i32
    %add3A_50 = arith.addi %mul3A_0, %add3A_49 : i32
    "tpu.region"() ({
      %run_scoped3A = tpu.sem_alloc : memref<!tpu.dma_semaphore, #tpu.memory_space<semaphore_mem>>
      %dma_start3A_101 = arith.constant 0 : i32
      %dma_start3A_102 = tpu.memref_slice %arg26[%add3A_50, %dma_start3A_101] : memref<10240x128xf32, #tpu.memory_space<vmem_shared>> -> memref<64x128xf32, #tpu.memory_space<vmem_shared>>
      %dma_start3A_103 = arith.constant 0 : i32
      %dma_start3A_104 = tpu.memref_slice %arg26[%add3A_50, %dma_start3A_103] : memref<10240x128xf32, #tpu.memory_space<vmem_shared>> -> memref<64x128xf32, #tpu.memory_space<vmem_shared>>
      tpu.enqueue_dma source(%arg23 : memref<64x128xf32, #tpu.memory_space<vmem>>) target(%dma_start3A_104 : memref<64x128xf32, #tpu.memory_space<vmem_shared>>) target_semaphore(%run_scoped3A : memref<!tpu.dma_semaphore, #tpu.memory_space<semaphore_mem>>)
      %dma_wait3A_105 = arith.constant 0 : i32
      %dma_wait3A_106 = tpu.memref_slice %arg26[%add3A_50, %dma_wait3A_105] : memref<10240x128xf32, #tpu.memory_space<vmem_shared>> -> memref<64x128xf32, #tpu.memory_space<vmem_shared>>
      %dma_wait3A_107 = arith.constant 0 : i32
      %dma_wait3A_108 = tpu.memref_slice %arg26[%add3A_50, %dma_wait3A_107] : memref<10240x128xf32, #tpu.memory_space<vmem_shared>> -> memref<64x128xf32, #tpu.memory_space<vmem_shared>>
      tpu.wait_dma2 semaphore(%run_scoped3A : memref<!tpu.dma_semaphore, #tpu.memory_space<semaphore_mem>>) src(%arg23 : memref<64x128xf32, #tpu.memory_space<vmem>>) dst(%dma_wait3A_108 : memref<64x128xf32, #tpu.memory_space<vmem_shared>>)
      tpu.yield
    }) : () -> ()
    %add3A_51 = arith.constant 512 : i32
    %add3A_52 = arith.addi %mul3A_0, %add3A_51 : i32
    "tpu.region"() ({
      %run_scoped3A = tpu.sem_alloc : memref<!tpu.dma_semaphore, #tpu.memory_space<semaphore_mem>>
      %dma_start3A_101 = arith.constant 0 : i32
      %dma_start3A_102 = tpu.memref_slice %arg25[%add3A_52, %dma_start3A_101] : memref<10240x8xf32, #tpu.memory_space<vmem_shared>> -> memref<64x8xf32, #tpu.memory_space<vmem_shared>>
      %dma_start3A_103 = arith.constant 0 : i32
      %dma_start3A_104 = tpu.memref_slice %arg25[%add3A_52, %dma_start3A_103] : memref<10240x8xf32, #tpu.memory_space<vmem_shared>> -> memref<64x8xf32, #tpu.memory_space<vmem_shared>>
      tpu.enqueue_dma source(%arg19 : memref<64x8xf32, #tpu.memory_space<vmem>>) target(%dma_start3A_104 : memref<64x8xf32, #tpu.memory_space<vmem_shared>>) target_semaphore(%run_scoped3A : memref<!tpu.dma_semaphore, #tpu.memory_space<semaphore_mem>>)
      %dma_wait3A_105 = arith.constant 0 : i32
      %dma_wait3A_106 = tpu.memref_slice %arg25[%add3A_52, %dma_wait3A_105] : memref<10240x8xf32, #tpu.memory_space<vmem_shared>> -> memref<64x8xf32, #tpu.memory_space<vmem_shared>>
      %dma_wait3A_107 = arith.constant 0 : i32
      %dma_wait3A_108 = tpu.memref_slice %arg25[%add3A_52, %dma_wait3A_107] : memref<10240x8xf32, #tpu.memory_space<vmem_shared>> -> memref<64x8xf32, #tpu.memory_space<vmem_shared>>
      tpu.wait_dma2 semaphore(%run_scoped3A : memref<!tpu.dma_semaphore, #tpu.memory_space<semaphore_mem>>) src(%arg19 : memref<64x8xf32, #tpu.memory_space<vmem>>) dst(%dma_wait3A_108 : memref<64x8xf32, #tpu.memory_space<vmem_shared>>)
      tpu.yield
    }) : () -> ()
    %add3A_53 = arith.constant 576 : i32
    %add3A_54 = arith.addi %mul3A_0, %add3A_53 : i32
    "tpu.region"() ({
      %run_scoped3A = tpu.sem_alloc : memref<!tpu.dma_semaphore, #tpu.memory_space<semaphore_mem>>
      %dma_start3A_101 = arith.constant 0 : i32
      %dma_start3A_102 = tpu.memref_slice %arg26[%add3A_54, %dma_start3A_101] : memref<10240x128xf32, #tpu.memory_space<vmem_shared>> -> memref<64x128xf32, #tpu.memory_space<vmem_shared>>
      %dma_start3A_103 = arith.constant 0 : i32
      %dma_start3A_104 = tpu.memref_slice %arg26[%add3A_54, %dma_start3A_103] : memref<10240x128xf32, #tpu.memory_space<vmem_shared>> -> memref<64x128xf32, #tpu.memory_space<vmem_shared>>
      tpu.enqueue_dma source(%arg23 : memref<64x128xf32, #tpu.memory_space<vmem>>) target(%dma_start3A_104 : memref<64x128xf32, #tpu.memory_space<vmem_shared>>) target_semaphore(%run_scoped3A : memref<!tpu.dma_semaphore, #tpu.memory_space<semaphore_mem>>)
      %dma_wait3A_105 = arith.constant 0 : i32
      %dma_wait3A_106 = tpu.memref_slice %arg26[%add3A_54, %dma_wait3A_105] : memref<10240x128xf32, #tpu.memory_space<vmem_shared>> -> memref<64x128xf32, #tpu.memory_space<vmem_shared>>
      %dma_wait3A_107 = arith.constant 0 : i32
      %dma_wait3A_108 = tpu.memref_slice %arg26[%add3A_54, %dma_wait3A_107] : memref<10240x128xf32, #tpu.memory_space<vmem_shared>> -> memref<64x128xf32, #tpu.memory_space<vmem_shared>>
      tpu.wait_dma2 semaphore(%run_scoped3A : memref<!tpu.dma_semaphore, #tpu.memory_space<semaphore_mem>>) src(%arg23 : memref<64x128xf32, #tpu.memory_space<vmem>>) dst(%dma_wait3A_108 : memref<64x128xf32, #tpu.memory_space<vmem_shared>>)
      tpu.yield
    }) : () -> ()
    %add3A_55 = arith.constant 576 : i32
    %add3A_56 = arith.addi %mul3A_0, %add3A_55 : i32
    "tpu.region"() ({
      %run_scoped3A = tpu.sem_alloc : memref<!tpu.dma_semaphore, #tpu.memory_space<semaphore_mem>>
      %dma_start3A_101 = arith.constant 0 : i32
      %dma_start3A_102 = tpu.memref_slice %arg25[%add3A_56, %dma_start3A_101] : memref<10240x8xf32, #tpu.memory_space<vmem_shared>> -> memref<64x8xf32, #tpu.memory_space<vmem_shared>>
      %dma_start3A_103 = arith.constant 0 : i32
      %dma_start3A_104 = tpu.memref_slice %arg25[%add3A_56, %dma_start3A_103] : memref<10240x8xf32, #tpu.memory_space<vmem_shared>> -> memref<64x8xf32, #tpu.memory_space<vmem_shared>>
      tpu.enqueue_dma source(%arg19 : memref<64x8xf32, #tpu.memory_space<vmem>>) target(%dma_start3A_104 : memref<64x8xf32, #tpu.memory_space<vmem_shared>>) target_semaphore(%run_scoped3A : memref<!tpu.dma_semaphore, #tpu.memory_space<semaphore_mem>>)
      %dma_wait3A_105 = arith.constant 0 : i32
      %dma_wait3A_106 = tpu.memref_slice %arg25[%add3A_56, %dma_wait3A_105] : memref<10240x8xf32, #tpu.memory_space<vmem_shared>> -> memref<64x8xf32, #tpu.memory_space<vmem_shared>>
      %dma_wait3A_107 = arith.constant 0 : i32
      %dma_wait3A_108 = tpu.memref_slice %arg25[%add3A_56, %dma_wait3A_107] : memref<10240x8xf32, #tpu.memory_space<vmem_shared>> -> memref<64x8xf32, #tpu.memory_space<vmem_shared>>
      tpu.wait_dma2 semaphore(%run_scoped3A : memref<!tpu.dma_semaphore, #tpu.memory_space<semaphore_mem>>) src(%arg19 : memref<64x8xf32, #tpu.memory_space<vmem>>) dst(%dma_wait3A_108 : memref<64x8xf32, #tpu.memory_space<vmem_shared>>)
      tpu.yield
    }) : () -> ()
    %barrier3A = arith.constant 0 : index
    tpu.barrier barrier_id(%barrier3A)
    %dma_start3A = tpu.memref_slice %arg2[%add3A] : memref<327680xi32, #tpu.memory_space<hbm>> -> memref<64xi32, #tpu.memory_space<hbm>>
    %dma_start3A_57 = tpu.memref_slice %arg2[%add3A] : memref<327680xi32, #tpu.memory_space<hbm>> -> memref<64xi32, #tpu.memory_space<hbm>>
    tpu.enqueue_dma source(%dma_start3A_57 : memref<64xi32, #tpu.memory_space<hbm>>) target(%arg9 : memref<64xi32, #tpu.memory_space<vmem>>) target_semaphore(%arg27 : memref<!tpu.dma_semaphore, #tpu.memory_space<semaphore_mem>>)
    %dma_start3A_58 = tpu.memref_slice %arg3[%add3A] : memref<327680xi32, #tpu.memory_space<hbm>> -> memref<64xi32, #tpu.memory_space<hbm>>
    %dma_start3A_59 = tpu.memref_slice %arg3[%add3A] : memref<327680xi32, #tpu.memory_space<hbm>> -> memref<64xi32, #tpu.memory_space<hbm>>
    tpu.enqueue_dma source(%dma_start3A_59 : memref<64xi32, #tpu.memory_space<hbm>>) target(%arg11 : memref<64xi32, #tpu.memory_space<vmem>>) target_semaphore(%arg27 : memref<!tpu.dma_semaphore, #tpu.memory_space<semaphore_mem>>)
    %dma_wait3A = arith.constant 0 : i32
    %dma_wait3A_60 = tpu.memref_slice %arg2[%dma_wait3A] : memref<327680xi32, #tpu.memory_space<hbm>> -> memref<64xi32, #tpu.memory_space<hbm>>
    %dma_wait3A_61 = arith.constant 0 : i32
    %dma_wait3A_62 = tpu.memref_slice %arg2[%dma_wait3A_61] : memref<327680xi32, #tpu.memory_space<hbm>> -> memref<64xi32, #tpu.memory_space<hbm>>
    tpu.wait_dma2 semaphore(%arg27 : memref<!tpu.dma_semaphore, #tpu.memory_space<semaphore_mem>>) src(%dma_wait3A_62 : memref<64xi32, #tpu.memory_space<hbm>>) dst(%arg9 : memref<64xi32, #tpu.memory_space<vmem>>)
    %dma_wait3A_63 = arith.constant 0 : i32
    %dma_wait3A_64 = tpu.memref_slice %arg3[%dma_wait3A_63] : memref<327680xi32, #tpu.memory_space<hbm>> -> memref<64xi32, #tpu.memory_space<hbm>>
    %dma_wait3A_65 = arith.constant 0 : i32
    %dma_wait3A_66 = tpu.memref_slice %arg3[%dma_wait3A_65] : memref<327680xi32, #tpu.memory_space<hbm>> -> memref<64xi32, #tpu.memory_space<hbm>>
    tpu.wait_dma2 semaphore(%arg27 : memref<!tpu.dma_semaphore, #tpu.memory_space<semaphore_mem>>) src(%dma_wait3A_66 : memref<64xi32, #tpu.memory_space<hbm>>) dst(%arg11 : memref<64xi32, #tpu.memory_space<vmem>>)
    %dma_start3A_67 = arith.constant 0 : i32
    %dma_start3A_68 = arith.constant 0 : i32
    %dma_start3A_69 = tpu.memref_slice %arg4[%dma_start3A_67, %dma_start3A_68] : memref<10240x8xf32, #tpu.memory_space<hbm>> -> memref<10240x8xf32, #tpu.memory_space<hbm>>
    tpu.enqueue_indirect_dma source(%dma_start3A_69 : memref<10240x8xf32, #tpu.memory_space<hbm>>) target(%arg15 : memref<64x8xf32, #tpu.memory_space<vmem>>) offsets(%arg9 : memref<64xi32, #tpu.memory_space<vmem>>) semaphore(%arg29 : memref<!tpu.dma_semaphore, #tpu.memory_space<semaphore_mem>>)
    %dma_start3A_70 = arith.constant 0 : i32
    %dma_start3A_71 = arith.constant 0 : i32
    %dma_start3A_72 = tpu.memref_slice %arg5[%dma_start3A_70, %dma_start3A_71] : memref<10240x8xf32, #tpu.memory_space<hbm>> -> memref<10240x8xf32, #tpu.memory_space<hbm>>
    tpu.enqueue_indirect_dma source(%dma_start3A_72 : memref<10240x8xf32, #tpu.memory_space<hbm>>) target(%arg17 : memref<64x8xf32, #tpu.memory_space<vmem>>) offsets(%arg11 : memref<64xi32, #tpu.memory_space<vmem>>) semaphore(%arg29 : memref<!tpu.dma_semaphore, #tpu.memory_space<semaphore_mem>>)
    %dma_start3A_73 = arith.constant 0 : i32
    %dma_start3A_74 = arith.constant 0 : i32
    %dma_start3A_75 = tpu.memref_slice %arg6[%dma_start3A_73, %dma_start3A_74] : memref<10240x128xf32, #tpu.memory_space<hbm>> -> memref<10240x128xf32, #tpu.memory_space<hbm>>
    tpu.enqueue_indirect_dma source(%dma_start3A_75 : memref<10240x128xf32, #tpu.memory_space<hbm>>) target(%arg21 : memref<64x128xf32, #tpu.memory_space<vmem>>) offsets(%arg9 : memref<64xi32, #tpu.memory_space<vmem>>) semaphore(%arg29 : memref<!tpu.dma_semaphore, #tpu.memory_space<semaphore_mem>>)
    %add3A_76 = arith.constant 64 : i32
    %add3A_77 = arith.addi %add3A, %add3A_76 : i32
    %dma_start3A_78 = tpu.memref_slice %arg2[%add3A_77] : memref<327680xi32, #tpu.memory_space<hbm>> -> memref<64xi32, #tpu.memory_space<hbm>>
    %dma_start3A_79 = tpu.memref_slice %arg2[%add3A_77] : memref<327680xi32, #tpu.memory_space<hbm>> -> memref<64xi32, #tpu.memory_space<hbm>>
    tpu.enqueue_dma source(%dma_start3A_79 : memref<64xi32, #tpu.memory_space<hbm>>) target(%arg10 : memref<64xi32, #tpu.memory_space<vmem>>) target_semaphore(%arg28 : memref<!tpu.dma_semaphore, #tpu.memory_space<semaphore_mem>>)
    %dma_start3A_80 = tpu.memref_slice %arg3[%add3A_77] : memref<327680xi32, #tpu.memory_space<hbm>> -> memref<64xi32, #tpu.memory_space<hbm>>
    %dma_start3A_81 = tpu.memref_slice %arg3[%add3A_77] : memref<327680xi32, #tpu.memory_space<hbm>> -> memref<64xi32, #tpu.memory_space<hbm>>
    tpu.enqueue_dma source(%dma_start3A_81 : memref<64xi32, #tpu.memory_space<hbm>>) target(%arg12 : memref<64xi32, #tpu.memory_space<vmem>>) target_semaphore(%arg28 : memref<!tpu.dma_semaphore, #tpu.memory_space<semaphore_mem>>)
    %scan3A_82 = arith.constant 0 : i32
    %scan3A_83 = arith.constant 0 : i32
    %scan3A_84 = arith.constant 80 : i32
    %scan3A_85 = arith.addi %scan3A_83, %scan3A_84 : i32
    %scan3A_86 = arith.constant 1 : i32
    scf.for %scan3A_101 = %scan3A_83 to %scan3A_85 step %scan3A_86  : i32 {
      %mul3A_102 = arith.constant 2 : i32
      %mul3A_103 = arith.muli %mul3A_102, %scan3A_101 : i32
      %le3A = arith.constant 78 : i32
      %le3A_104 = arith.cmpi sle, %scan3A_101, %le3A : i32
      %dma_wait3A_105 = arith.constant 0 : i32
      %dma_wait3A_106 = tpu.memref_slice %arg2[%dma_wait3A_105] : memref<327680xi32, #tpu.memory_space<hbm>> -> memref<64xi32, #tpu.memory_space<hbm>>
      %dma_wait3A_107 = arith.constant 0 : i32
      %dma_wait3A_108 = tpu.memref_slice %arg2[%dma_wait3A_107] : memref<327680xi32, #tpu.memory_space<hbm>> -> memref<64xi32, #tpu.memory_space<hbm>>
      tpu.wait_dma2 semaphore(%arg28 : memref<!tpu.dma_semaphore, #tpu.memory_space<semaphore_mem>>) src(%dma_wait3A_108 : memref<64xi32, #tpu.memory_space<hbm>>) dst(%arg10 : memref<64xi32, #tpu.memory_space<vmem>>)
      %dma_wait3A_109 = arith.constant 0 : i32
      %dma_wait3A_110 = tpu.memref_slice %arg3[%dma_wait3A_109] : memref<327680xi32, #tpu.memory_space<hbm>> -> memref<64xi32, #tpu.memory_space<hbm>>
      %dma_wait3A_111 = arith.constant 0 : i32
      %dma_wait3A_112 = tpu.memref_slice %arg3[%dma_wait3A_111] : memref<327680xi32, #tpu.memory_space<hbm>> -> memref<64xi32, #tpu.memory_space<hbm>>
      tpu.wait_dma2 semaphore(%arg28 : memref<!tpu.dma_semaphore, #tpu.memory_space<semaphore_mem>>) src(%dma_wait3A_112 : memref<64xi32, #tpu.memory_space<hbm>>) dst(%arg12 : memref<64xi32, #tpu.memory_space<vmem>>)
      %dma_start3A_113 = arith.constant 0 : i32
      %dma_start3A_114 = arith.constant 0 : i32
      %dma_start3A_115 = tpu.memref_slice %arg4[%dma_start3A_113, %dma_start3A_114] : memref<10240x8xf32, #tpu.memory_space<hbm>> -> memref<10240x8xf32, #tpu.memory_space<hbm>>
      tpu.enqueue_indirect_dma source(%dma_start3A_115 : memref<10240x8xf32, #tpu.memory_space<hbm>>) target(%arg16 : memref<64x8xf32, #tpu.memory_space<vmem>>) offsets(%arg10 : memref<64xi32, #tpu.memory_space<vmem>>) semaphore(%arg30 : memref<!tpu.dma_semaphore, #tpu.memory_space<semaphore_mem>>)
      %dma_start3A_116 = arith.constant 0 : i32
      %dma_start3A_117 = arith.constant 0 : i32
      %dma_start3A_118 = tpu.memref_slice %arg5[%dma_start3A_116, %dma_start3A_117] : memref<10240x8xf32, #tpu.memory_space<hbm>> -> memref<10240x8xf32, #tpu.memory_space<hbm>>
      tpu.enqueue_indirect_dma source(%dma_start3A_118 : memref<10240x8xf32, #tpu.memory_space<hbm>>) target(%arg18 : memref<64x8xf32, #tpu.memory_space<vmem>>) offsets(%arg12 : memref<64xi32, #tpu.memory_space<vmem>>) semaphore(%arg30 : memref<!tpu.dma_semaphore, #tpu.memory_space<semaphore_mem>>)
      %dma_start3A_119 = arith.constant 0 : i32
      %dma_start3A_120 = arith.constant 0 : i32
      %dma_start3A_121 = tpu.memref_slice %arg6[%dma_start3A_119, %dma_start3A_120] : memref<10240x128xf32, #tpu.memory_space<hbm>> -> memref<10240x128xf32, #tpu.memory_space<hbm>>
      tpu.enqueue_indirect_dma source(%dma_start3A_121 : memref<10240x128xf32, #tpu.memory_space<hbm>>) target(%arg22 : memref<64x128xf32, #tpu.memory_space<vmem>>) offsets(%arg10 : memref<64xi32, #tpu.memory_space<vmem>>) semaphore(%arg30 : memref<!tpu.dma_semaphore, #tpu.memory_space<semaphore_mem>>)
      %dma_wait3A_122 = arith.constant 0 : i32
      %dma_wait3A_123 = arith.constant 0 : i32
      %dma_wait3A_124 = tpu.memref_slice %arg4[%dma_wait3A_122, %dma_wait3A_123] : memref<10240x8xf32, #tpu.memory_space<hbm>> -> memref<10240x8xf32, #tpu.memory_space<hbm>>
      tpu.wait_indirect_dma semaphore(%arg29 : memref<!tpu.dma_semaphore, #tpu.memory_space<semaphore_mem>>) src(%dma_wait3A_124 : memref<10240x8xf32, #tpu.memory_space<hbm>>) dst(%arg15 : memref<64x8xf32, #tpu.memory_space<vmem>>)
      %dma_wait3A_125 = arith.constant 0 : i32
      %dma_wait3A_126 = arith.constant 0 : i32
      %dma_wait3A_127 = tpu.memref_slice %arg5[%dma_wait3A_125, %dma_wait3A_126] : memref<10240x8xf32, #tpu.memory_space<hbm>> -> memref<10240x8xf32, #tpu.memory_space<hbm>>
      tpu.wait_indirect_dma semaphore(%arg29 : memref<!tpu.dma_semaphore, #tpu.memory_space<semaphore_mem>>) src(%dma_wait3A_127 : memref<10240x8xf32, #tpu.memory_space<hbm>>) dst(%arg17 : memref<64x8xf32, #tpu.memory_space<vmem>>)
      %dma_wait3A_128 = arith.constant 0 : i32
      %dma_wait3A_129 = arith.constant 0 : i32
      %dma_wait3A_130 = tpu.memref_slice %arg6[%dma_wait3A_128, %dma_wait3A_129] : memref<10240x128xf32, #tpu.memory_space<hbm>> -> memref<10240x128xf32, #tpu.memory_space<hbm>>
      tpu.wait_indirect_dma semaphore(%arg29 : memref<!tpu.dma_semaphore, #tpu.memory_space<semaphore_mem>>) src(%dma_wait3A_130 : memref<10240x128xf32, #tpu.memory_space<hbm>>) dst(%arg21 : memref<64x128xf32, #tpu.memory_space<vmem>>)
      %ge3A = arith.constant 1 : i32
      %ge3A_131 = arith.cmpi sge, %scan3A_101, %ge3A : i32
      %convert_element_type3A = arith.extui %ge3A_131 : i1 to i32
      %cond3A = arith.constant 0 : i32
      %cond3A_132 = arith.cmpi ne, %convert_element_type3A, %cond3A : i32
      scf.if %cond3A_132 {
        %dma_wait3A_209 = arith.constant 0 : i32
        %dma_wait3A_210 = arith.constant 0 : i32
        %dma_wait3A_211 = tpu.memref_slice %arg26[%dma_wait3A_209, %dma_wait3A_210] : memref<10240x128xf32, #tpu.memory_space<vmem_shared>> -> memref<10240x128xf32, #tpu.memory_space<vmem_shared>>
        tpu.wait_indirect_dma semaphore(%arg31 : memref<!tpu.dma_semaphore, #tpu.memory_space<semaphore_mem>>) src(%arg23 : memref<64x128xf32, #tpu.memory_space<vmem>>) dst(%dma_wait3A_211 : memref<10240x128xf32, #tpu.memory_space<vmem_shared>>)
        %dma_wait3A_212 = arith.constant 0 : i32
        %dma_wait3A_213 = arith.constant 0 : i32
        %dma_wait3A_214 = tpu.memref_slice %arg25[%dma_wait3A_212, %dma_wait3A_213] : memref<10240x8xf32, #tpu.memory_space<vmem_shared>> -> memref<10240x8xf32, #tpu.memory_space<vmem_shared>>
        tpu.wait_indirect_dma semaphore(%arg31 : memref<!tpu.dma_semaphore, #tpu.memory_space<semaphore_mem>>) src(%arg19 : memref<64x8xf32, #tpu.memory_space<vmem>>) dst(%dma_wait3A_214 : memref<10240x8xf32, #tpu.memory_space<vmem_shared>>)
      } else {
      }
      %get3A = arith.constant 0 : index
      %get3A_133 = tpu.vector_load %arg11[%get3A] {strides = array<i32>} : memref<64xi32, #tpu.memory_space<vmem>>, vector<16xi32>,
      %swap3A = arith.constant 0 : index
      %swap3A_134 = tpu.vector_load %arg13[%swap3A] {strides = array<i32>} : memref<64xi32, #tpu.memory_space<vmem>>, vector<16xi32>,
      tpu.vector_store %arg13[%swap3A], %get3A_133 {strides = array<i32>} : memref<64xi32, #tpu.memory_space<vmem>>, vector<16xi32>,
      %get3A_135 = arith.constant 16 : index
      %get3A_136 = tpu.vector_load %arg11[%get3A_135] {strides = array<i32>} : memref<64xi32, #tpu.memory_space<vmem>>, vector<16xi32>,
      %swap3A_137 = arith.constant 16 : index
      %swap3A_138 = tpu.vector_load %arg13[%swap3A_137] {strides = array<i32>} : memref<64xi32, #tpu.memory_space<vmem>>, vector<16xi32>,
      tpu.vector_store %arg13[%swap3A_137], %get3A_136 {strides = array<i32>} : memref<64xi32, #tpu.memory_space<vmem>>, vector<16xi32>,
      %get3A_139 = arith.constant 32 : index
      %get3A_140 = tpu.vector_load %arg11[%get3A_139] {strides = array<i32>} : memref<64xi32, #tpu.memory_space<vmem>>, vector<16xi32>,
      %swap3A_141 = arith.constant 32 : index
      %swap3A_142 = tpu.vector_load %arg13[%swap3A_141] {strides = array<i32>} : memref<64xi32, #tpu.memory_space<vmem>>, vector<16xi32>,
      tpu.vector_store %arg13[%swap3A_141], %get3A_140 {strides = array<i32>} : memref<64xi32, #tpu.memory_space<vmem>>, vector<16xi32>,
      %get3A_143 = arith.constant 48 : index
      %get3A_144 = tpu.vector_load %arg11[%get3A_143] {strides = array<i32>} : memref<64xi32, #tpu.memory_space<vmem>>, vector<16xi32>,
      %swap3A_145 = arith.constant 48 : index
      %swap3A_146 = tpu.vector_load %arg13[%swap3A_145] {strides = array<i32>} : memref<64xi32, #tpu.memory_space<vmem>>, vector<16xi32>,
      tpu.vector_store %arg13[%swap3A_145], %get3A_144 {strides = array<i32>} : memref<64xi32, #tpu.memory_space<vmem>>, vector<16xi32>,
      %convert_element_type3A_147 = arith.extui %le3A_104 : i1 to i32
      %cond3A_148 = arith.constant 0 : i32
      %cond3A_149 = arith.cmpi ne, %convert_element_type3A_147, %cond3A_148 : i32
      scf.if %cond3A_149 {
        %add3A_209 = arith.constant 2 : i32
        %add3A_210 = arith.addi %mul3A_103, %add3A_209 : i32
        %mul3A_211 = arith.constant 64 : i32
        %mul3A_212 = arith.muli %add3A_210, %mul3A_211 : i32
        %add3A_213 = arith.addi %add3A, %mul3A_212 : i32
        %dma_start3A_214 = tpu.memref_slice %arg2[%add3A_213] : memref<327680xi32, #tpu.memory_space<hbm>> -> memref<64xi32, #tpu.memory_space<hbm>>
        %dma_start3A_215 = tpu.memref_slice %arg2[%add3A_213] : memref<327680xi32, #tpu.memory_space<hbm>> -> memref<64xi32, #tpu.memory_space<hbm>>
        tpu.enqueue_dma source(%dma_start3A_215 : memref<64xi32, #tpu.memory_space<hbm>>) target(%arg9 : memref<64xi32, #tpu.memory_space<vmem>>) target_semaphore(%arg27 : memref<!tpu.dma_semaphore, #tpu.memory_space<semaphore_mem>>)
        %dma_start3A_216 = tpu.memref_slice %arg3[%add3A_213] : memref<327680xi32, #tpu.memory_space<hbm>> -> memref<64xi32, #tpu.memory_space<hbm>>
        %dma_start3A_217 = tpu.memref_slice %arg3[%add3A_213] : memref<327680xi32, #tpu.memory_space<hbm>> -> memref<64xi32, #tpu.memory_space<hbm>>
        tpu.enqueue_dma source(%dma_start3A_217 : memref<64xi32, #tpu.memory_space<hbm>>) target(%arg11 : memref<64xi32, #tpu.memory_space<vmem>>) target_semaphore(%arg27 : memref<!tpu.dma_semaphore, #tpu.memory_space<semaphore_mem>>)
      } else {
      }
      %parallel_loop3A = arith.constant 0 : i32
      %parallel_loop3A_150 = arith.constant 32 : i32
      %parallel_loop3A_151 = arith.constant 1 : i32
      scf.for %parallel_loop3A_209 = %parallel_loop3A to %parallel_loop3A_150 step %parallel_loop3A_151  : i32 {
        %parallel_loop3A_210 = arith.constant 16 : i32
        %parallel_loop3A_211 = arith.muli %parallel_loop3A_209, %parallel_loop3A_210 : i32
        %parallel_loop3A_212 = tpu.iota {dimensions = array<i32: 0>} : vector<16xi32>
        %parallel_loop3A_213 = vector.broadcast %parallel_loop3A_211 : i32 to vector<16xi32>
        %parallel_loop3A_214 = arith.addi %parallel_loop3A_213, %parallel_loop3A_212 : vector<16xi32>
        %parallel_loop3A_215 = arith.constant 8 : i32
        %parallel_loop3A_216 = vector.broadcast %parallel_loop3A_215 : i32 to vector<16xi32>
        %parallel_loop3A_217 = arith.divsi %parallel_loop3A_214, %parallel_loop3A_216 : vector<16xi32>
        %parallel_loop3A_218 = arith.constant 0 : i32
        %parallel_loop3A_219 = vector.broadcast %parallel_loop3A_218 : i32 to vector<16xi32>
        %parallel_loop3A_220 = arith.cmpi sgt, %parallel_loop3A_214, %parallel_loop3A_219 : vector<16xi32>
        %parallel_loop3A_221 = arith.extui %parallel_loop3A_220 : vector<16xi1> to vector<16xi32>
        %parallel_loop3A_222 = arith.constant 0 : i32
        %parallel_loop3A_223 = vector.broadcast %parallel_loop3A_222 : i32 to vector<16xi32>
        %parallel_loop3A_224 = arith.cmpi slt, %parallel_loop3A_214, %parallel_loop3A_223 : vector<16xi32>
        %parallel_loop3A_225 = arith.extui %parallel_loop3A_224 : vector<16xi1> to vector<16xi32>
        %parallel_loop3A_226 = arith.subi %parallel_loop3A_221, %parallel_loop3A_225 : vector<16xi32>
        %parallel_loop3A_227 = arith.constant 0 : i32
        %parallel_loop3A_228 = arith.cmpi sgt, %parallel_loop3A_215, %parallel_loop3A_227 : i32
        %parallel_loop3A_229 = arith.extui %parallel_loop3A_228 : i1 to i32
        %parallel_loop3A_230 = arith.constant 0 : i32
        %parallel_loop3A_231 = arith.cmpi slt, %parallel_loop3A_215, %parallel_loop3A_230 : i32
        %parallel_loop3A_232 = arith.extui %parallel_loop3A_231 : i1 to i32
        %parallel_loop3A_233 = arith.subi %parallel_loop3A_229, %parallel_loop3A_232 : i32
        %parallel_loop3A_234 = vector.broadcast %parallel_loop3A_233 : i32 to vector<16xi32>
        %parallel_loop3A_235 = arith.cmpi ne, %parallel_loop3A_226, %parallel_loop3A_234 : vector<16xi32>
        %parallel_loop3A_236 = vector.broadcast %parallel_loop3A_215 : i32 to vector<16xi32>
        %parallel_loop3A_237 = arith.remsi %parallel_loop3A_214, %parallel_loop3A_236 : vector<16xi32>
        %parallel_loop3A_238 = arith.constant 0 : i32
        %parallel_loop3A_239 = vector.broadcast %parallel_loop3A_238 : i32 to vector<16xi32>
        %parallel_loop3A_240 = arith.cmpi ne, %parallel_loop3A_237, %parallel_loop3A_239 : vector<16xi32>
        %parallel_loop3A_241 = arith.andi %parallel_loop3A_235, %parallel_loop3A_240 : vector<16xi1>
        %parallel_loop3A_242 = arith.constant 1 : i32
        %parallel_loop3A_243 = vector.broadcast %parallel_loop3A_242 : i32 to vector<16xi32>
        %parallel_loop3A_244 = arith.subi %parallel_loop3A_217, %parallel_loop3A_243 : vector<16xi32>
        %parallel_loop3A_245 = arith.select %parallel_loop3A_241, %parallel_loop3A_244, %parallel_loop3A_217 : vector<16xi1>, vector<16xi32>
        %parallel_loop3A_246 = arith.constant 8 : i32
        %parallel_loop3A_247 = arith.constant 0 : i32
        %parallel_loop3A_248 = arith.cmpi eq, %parallel_loop3A_246, %parallel_loop3A_247 : i32
        %parallel_loop3A_249 = arith.constant 1 : i32
        %parallel_loop3A_250 = arith.select %parallel_loop3A_248, %parallel_loop3A_249, %parallel_loop3A_246 : i32
        %parallel_loop3A_251 = vector.broadcast %parallel_loop3A_250 : i32 to vector<16xi32>
        %parallel_loop3A_252 = arith.remsi %parallel_loop3A_214, %parallel_loop3A_251 : vector<16xi32>
        %parallel_loop3A_253 = arith.constant 0 : i32
        %parallel_loop3A_254 = vector.broadcast %parallel_loop3A_253 : i32 to vector<16xi32>
        %parallel_loop3A_255 = arith.cmpi ne, %parallel_loop3A_252, %parallel_loop3A_254 : vector<16xi32>
        %parallel_loop3A_256 = arith.constant 0 : i32
        %parallel_loop3A_257 = vector.broadcast %parallel_loop3A_256 : i32 to vector<16xi32>
        %parallel_loop3A_258 = arith.cmpi slt, %parallel_loop3A_252, %parallel_loop3A_257 : vector<16xi32>
        %parallel_loop3A_259 = arith.constant 0 : i32
        %parallel_loop3A_260 = arith.cmpi slt, %parallel_loop3A_250, %parallel_loop3A_259 : i32
        %parallel_loop3A_261 = vector.broadcast %parallel_loop3A_260 : i1 to vector<16xi1>
        %parallel_loop3A_262 = vector.broadcast %parallel_loop3A_261 : vector<16xi1> to vector<16xi1>
        %parallel_loop3A_263 = arith.xori %parallel_loop3A_258, %parallel_loop3A_262 : vector<16xi1>
        %parallel_loop3A_264 = arith.andi %parallel_loop3A_263, %parallel_loop3A_255 : vector<16xi1>
        %parallel_loop3A_265 = vector.broadcast %parallel_loop3A_250 : i32 to vector<16xi32>
        %parallel_loop3A_266 = arith.addi %parallel_loop3A_252, %parallel_loop3A_265 : vector<16xi32>
        %parallel_loop3A_267 = arith.select %parallel_loop3A_264, %parallel_loop3A_266, %parallel_loop3A_252 : vector<16xi1>, vector<16xi32>
        %parallel_loop3A_268 = tpu.vector_load_idx %arg15[%parallel_loop3A_245, %parallel_loop3A_267] : memref<64x8xf32, #tpu.memory_space<vmem>>[vector<16xi32>, vector<16xi32>], vector<16xf32>,
        %parallel_loop3A_269 = tpu.vector_load_idx %arg17[%parallel_loop3A_245, %parallel_loop3A_267] : memref<64x8xf32, #tpu.memory_space<vmem>>[vector<16xi32>, vector<16xi32>], vector<16xf32>,
        %parallel_loop3A_270 = arith.addf %parallel_loop3A_268, %parallel_loop3A_269 : vector<16xf32>
        %parallel_loop3A_271 = arith.constant 0.000000e+00 : f32
        %parallel_loop3A_272 = vector.broadcast %parallel_loop3A_271 : f32 to vector<16xf32>
        %parallel_loop3A_273 = arith.cmpf ogt, %parallel_loop3A_270, %parallel_loop3A_272 : vector<16xf32>
        %parallel_loop3A_274 = arith.constant 2.000000e-01 : f32
        %parallel_loop3A_275 = vector.broadcast %parallel_loop3A_274 : f32 to vector<16xf32>
        %parallel_loop3A_276 = arith.mulf %parallel_loop3A_275, %parallel_loop3A_270 : vector<16xf32>
        %parallel_loop3A_277 = arith.select %parallel_loop3A_273, %parallel_loop3A_270, %parallel_loop3A_276 : vector<16xi1>, vector<16xf32>
        %parallel_loop3A_278 = math.exp %parallel_loop3A_277 : vector<16xf32>
        tpu.vector_store_idx %arg19[%parallel_loop3A_245, %parallel_loop3A_267], %parallel_loop3A_278 : memref<64x8xf32, #tpu.memory_space<vmem>>[vector<16xi32>, vector<16xi32>], vector<16xf32>,
      } {sc.loop_unroll_factor = 4 : i64, sc.parallel_access}
      %parallel_loop3A_152 = arith.constant 0 : i32
      %parallel_loop3A_153 = arith.constant 64 : i32
      %parallel_loop3A_154 = arith.constant 1 : i32
      scf.for %parallel_loop3A_209 = %parallel_loop3A_152 to %parallel_loop3A_153 step %parallel_loop3A_154  : i32 {
        %parallel_loop3A_210 = arith.constant 0 : i32
        %parallel_loop3A_211 = vector.broadcast %parallel_loop3A_210 : i32 to vector<16xi32>
        %parallel_loop3A_212 = vector.broadcast %parallel_loop3A_209 : i32 to vector<16xi32>
        %parallel_loop3A_213 = arith.addi %parallel_loop3A_211, %parallel_loop3A_212 : vector<16xi32>
        %parallel_loop3A_214 = arith.constant 0 : i32
        %parallel_loop3A_215 = vector.broadcast %parallel_loop3A_214 : i32 to vector<16xi32>
        %parallel_loop3A_216 = tpu.vector_load_idx %arg19[%parallel_loop3A_213, %parallel_loop3A_215] : memref<64x8xf32, #tpu.memory_space<vmem>>[vector<16xi32>, vector<16xi32>], vector<16xf32>,
        %parallel_loop3A_217 = arith.index_cast %parallel_loop3A_209 : i32 to index
        %parallel_loop3A_218 = arith.constant 0 : index
        %parallel_loop3A_219 = tpu.vector_load %arg21[%parallel_loop3A_217, %parallel_loop3A_218] {strides = array<i32>} : memref<64x128xf32, #tpu.memory_space<vmem>>, vector<16xf32>,
        %parallel_loop3A_220 = arith.mulf %parallel_loop3A_219, %parallel_loop3A_216 : vector<16xf32>
        %parallel_loop3A_221 = arith.index_cast %parallel_loop3A_209 : i32 to index
        %parallel_loop3A_222 = arith.constant 0 : index
        %parallel_loop3A_223 = tpu.vector_load %arg23[%parallel_loop3A_221, %parallel_loop3A_222] {strides = array<i32>} : memref<64x128xf32, #tpu.memory_space<vmem>>, vector<16xf32>,
        tpu.vector_store %arg23[%parallel_loop3A_221, %parallel_loop3A_222], %parallel_loop3A_220 {strides = array<i32>} : memref<64x128xf32, #tpu.memory_space<vmem>>, vector<16xf32>,
        %parallel_loop3A_224 = arith.constant 1 : i32
        %parallel_loop3A_225 = vector.broadcast %parallel_loop3A_224 : i32 to vector<16xi32>
        %parallel_loop3A_226 = tpu.vector_load_idx %arg19[%parallel_loop3A_213, %parallel_loop3A_225] : memref<64x8xf32, #tpu.memory_space<vmem>>[vector<16xi32>, vector<16xi32>], vector<16xf32>,
        %parallel_loop3A_227 = arith.index_cast %parallel_loop3A_209 : i32 to index
        %parallel_loop3A_228 = arith.constant 16 : index
        %parallel_loop3A_229 = tpu.vector_load %arg21[%parallel_loop3A_227, %parallel_loop3A_228] {strides = array<i32>} : memref<64x128xf32, #tpu.memory_space<vmem>>, vector<16xf32>,
        %parallel_loop3A_230 = arith.mulf %parallel_loop3A_229, %parallel_loop3A_226 : vector<16xf32>
        %parallel_loop3A_231 = arith.index_cast %parallel_loop3A_209 : i32 to index
        %parallel_loop3A_232 = arith.constant 16 : index
        %parallel_loop3A_233 = tpu.vector_load %arg23[%parallel_loop3A_231, %parallel_loop3A_232] {strides = array<i32>} : memref<64x128xf32, #tpu.memory_space<vmem>>, vector<16xf32>,
        tpu.vector_store %arg23[%parallel_loop3A_231, %parallel_loop3A_232], %parallel_loop3A_230 {strides = array<i32>} : memref<64x128xf32, #tpu.memory_space<vmem>>, vector<16xf32>,
        %parallel_loop3A_234 = arith.constant 2 : i32
        %parallel_loop3A_235 = vector.broadcast %parallel_loop3A_234 : i32 to vector<16xi32>
        %parallel_loop3A_236 = tpu.vector_load_idx %arg19[%parallel_loop3A_213, %parallel_loop3A_235] : memref<64x8xf32, #tpu.memory_space<vmem>>[vector<16xi32>, vector<16xi32>], vector<16xf32>,
        %parallel_loop3A_237 = arith.index_cast %parallel_loop3A_209 : i32 to index
        %parallel_loop3A_238 = arith.constant 32 : index
        %parallel_loop3A_239 = tpu.vector_load %arg21[%parallel_loop3A_237, %parallel_loop3A_238] {strides = array<i32>} : memref<64x128xf32, #tpu.memory_space<vmem>>, vector<16xf32>,
        %parallel_loop3A_240 = arith.mulf %parallel_loop3A_239, %parallel_loop3A_236 : vector<16xf32>
        %parallel_loop3A_241 = arith.index_cast %parallel_loop3A_209 : i32 to index
        %parallel_loop3A_242 = arith.constant 32 : index
        %parallel_loop3A_243 = tpu.vector_load %arg23[%parallel_loop3A_241, %parallel_loop3A_242] {strides = array<i32>} : memref<64x128xf32, #tpu.memory_space<vmem>>, vector<16xf32>,
        tpu.vector_store %arg23[%parallel_loop3A_241, %parallel_loop3A_242], %parallel_loop3A_240 {strides = array<i32>} : memref<64x128xf32, #tpu.memory_space<vmem>>, vector<16xf32>,
        %parallel_loop3A_244 = arith.constant 3 : i32
        %parallel_loop3A_245 = vector.broadcast %parallel_loop3A_244 : i32 to vector<16xi32>
        %parallel_loop3A_246 = tpu.vector_load_idx %arg19[%parallel_loop3A_213, %parallel_loop3A_245] : memref<64x8xf32, #tpu.memory_space<vmem>>[vector<16xi32>, vector<16xi32>], vector<16xf32>,
        %parallel_loop3A_247 = arith.index_cast %parallel_loop3A_209 : i32 to index
        %parallel_loop3A_248 = arith.constant 48 : index
        %parallel_loop3A_249 = tpu.vector_load %arg21[%parallel_loop3A_247, %parallel_loop3A_248] {strides = array<i32>} : memref<64x128xf32, #tpu.memory_space<vmem>>, vector<16xf32>,
        %parallel_loop3A_250 = arith.mulf %parallel_loop3A_249, %parallel_loop3A_246 : vector<16xf32>
        %parallel_loop3A_251 = arith.index_cast %parallel_loop3A_209 : i32 to index
        %parallel_loop3A_252 = arith.constant 48 : index
        %parallel_loop3A_253 = tpu.vector_load %arg23[%parallel_loop3A_251, %parallel_loop3A_252] {strides = array<i32>} : memref<64x128xf32, #tpu.memory_space<vmem>>, vector<16xf32>,
        tpu.vector_store %arg23[%parallel_loop3A_251, %parallel_loop3A_252], %parallel_loop3A_250 {strides = array<i32>} : memref<64x128xf32, #tpu.memory_space<vmem>>, vector<16xf32>,
        %parallel_loop3A_254 = arith.constant 4 : i32
        %parallel_loop3A_255 = vector.broadcast %parallel_loop3A_254 : i32 to vector<16xi32>
        %parallel_loop3A_256 = tpu.vector_load_idx %arg19[%parallel_loop3A_213, %parallel_loop3A_255] : memref<64x8xf32, #tpu.memory_space<vmem>>[vector<16xi32>, vector<16xi32>], vector<16xf32>,
        %parallel_loop3A_257 = arith.index_cast %parallel_loop3A_209 : i32 to index
        %parallel_loop3A_258 = arith.constant 64 : index
        %parallel_loop3A_259 = tpu.vector_load %arg21[%parallel_loop3A_257, %parallel_loop3A_258] {strides = array<i32>} : memref<64x128xf32, #tpu.memory_space<vmem>>, vector<16xf32>,
        %parallel_loop3A_260 = arith.mulf %parallel_loop3A_259, %parallel_loop3A_256 : vector<16xf32>
        %parallel_loop3A_261 = arith.index_cast %parallel_loop3A_209 : i32 to index
        %parallel_loop3A_262 = arith.constant 64 : index
        %parallel_loop3A_263 = tpu.vector_load %arg23[%parallel_loop3A_261, %parallel_loop3A_262] {strides = array<i32>} : memref<64x128xf32, #tpu.memory_space<vmem>>, vector<16xf32>,
        tpu.vector_store %arg23[%parallel_loop3A_261, %parallel_loop3A_262], %parallel_loop3A_260 {strides = array<i32>} : memref<64x128xf32, #tpu.memory_space<vmem>>, vector<16xf32>,
        %parallel_loop3A_264 = arith.constant 5 : i32
        %parallel_loop3A_265 = vector.broadcast %parallel_loop3A_264 : i32 to vector<16xi32>
        %parallel_loop3A_266 = tpu.vector_load_idx %arg19[%parallel_loop3A_213, %parallel_loop3A_265] : memref<64x8xf32, #tpu.memory_space<vmem>>[vector<16xi32>, vector<16xi32>], vector<16xf32>,
        %parallel_loop3A_267 = arith.index_cast %parallel_loop3A_209 : i32 to index
        %parallel_loop3A_268 = arith.constant 80 : index
        %parallel_loop3A_269 = tpu.vector_load %arg21[%parallel_loop3A_267, %parallel_loop3A_268] {strides = array<i32>} : memref<64x128xf32, #tpu.memory_space<vmem>>, vector<16xf32>,
        %parallel_loop3A_270 = arith.mulf %parallel_loop3A_269, %parallel_loop3A_266 : vector<16xf32>
        %parallel_loop3A_271 = arith.index_cast %parallel_loop3A_209 : i32 to index
        %parallel_loop3A_272 = arith.constant 80 : index
        %parallel_loop3A_273 = tpu.vector_load %arg23[%parallel_loop3A_271, %parallel_loop3A_272] {strides = array<i32>} : memref<64x128xf32, #tpu.memory_space<vmem>>, vector<16xf32>,
        tpu.vector_store %arg23[%parallel_loop3A_271, %parallel_loop3A_272], %parallel_loop3A_270 {strides = array<i32>} : memref<64x128xf32, #tpu.memory_space<vmem>>, vector<16xf32>,
        %parallel_loop3A_274 = arith.constant 6 : i32
        %parallel_loop3A_275 = vector.broadcast %parallel_loop3A_274 : i32 to vector<16xi32>
        %parallel_loop3A_276 = tpu.vector_load_idx %arg19[%parallel_loop3A_213, %parallel_loop3A_275] : memref<64x8xf32, #tpu.memory_space<vmem>>[vector<16xi32>, vector<16xi32>], vector<16xf32>,
        %parallel_loop3A_277 = arith.index_cast %parallel_loop3A_209 : i32 to index
        %parallel_loop3A_278 = arith.constant 96 : index
        %parallel_loop3A_279 = tpu.vector_load %arg21[%parallel_loop3A_277, %parallel_loop3A_278] {strides = array<i32>} : memref<64x128xf32, #tpu.memory_space<vmem>>, vector<16xf32>,
        %parallel_loop3A_280 = arith.mulf %parallel_loop3A_279, %parallel_loop3A_276 : vector<16xf32>
        %parallel_loop3A_281 = arith.index_cast %parallel_loop3A_209 : i32 to index
        %parallel_loop3A_282 = arith.constant 96 : index
        %parallel_loop3A_283 = tpu.vector_load %arg23[%parallel_loop3A_281, %parallel_loop3A_282] {strides = array<i32>} : memref<64x128xf32, #tpu.memory_space<vmem>>, vector<16xf32>,
        tpu.vector_store %arg23[%parallel_loop3A_281, %parallel_loop3A_282], %parallel_loop3A_280 {strides = array<i32>} : memref<64x128xf32, #tpu.memory_space<vmem>>, vector<16xf32>,
        %parallel_loop3A_284 = arith.constant 7 : i32
        %parallel_loop3A_285 = vector.broadcast %parallel_loop3A_284 : i32 to vector<16xi32>
        %parallel_loop3A_286 = tpu.vector_load_idx %arg19[%parallel_loop3A_213, %parallel_loop3A_285] : memref<64x8xf32, #tpu.memory_space<vmem>>[vector<16xi32>, vector<16xi32>], vector<16xf32>,
        %parallel_loop3A_287 = arith.index_cast %parallel_loop3A_209 : i32 to index
        %parallel_loop3A_288 = arith.constant 112 : index
        %parallel_loop3A_289 = tpu.vector_load %arg21[%parallel_loop3A_287, %parallel_loop3A_288] {strides = array<i32>} : memref<64x128xf32, #tpu.memory_space<vmem>>, vector<16xf32>,
        %parallel_loop3A_290 = arith.mulf %parallel_loop3A_289, %parallel_loop3A_286 : vector<16xf32>
        %parallel_loop3A_291 = arith.index_cast %parallel_loop3A_209 : i32 to index
        %parallel_loop3A_292 = arith.constant 112 : index
        %parallel_loop3A_293 = tpu.vector_load %arg23[%parallel_loop3A_291, %parallel_loop3A_292] {strides = array<i32>} : memref<64x128xf32, #tpu.memory_space<vmem>>, vector<16xf32>,
        tpu.vector_store %arg23[%parallel_loop3A_291, %parallel_loop3A_292], %parallel_loop3A_290 {strides = array<i32>} : memref<64x128xf32, #tpu.memory_space<vmem>>, vector<16xf32>,
      } {sc.loop_unroll_factor = 2 : i64, sc.parallel_access}
      %dma_start3A_155 = arith.constant 0 : i32
      %dma_start3A_156 = arith.constant 0 : i32
      %dma_start3A_157 = tpu.memref_slice %arg26[%dma_start3A_155, %dma_start3A_156] : memref<10240x128xf32, #tpu.memory_space<vmem_shared>> -> memref<10240x128xf32, #tpu.memory_space<vmem_shared>>
      tpu.enqueue_indirect_dma source(%arg23 : memref<64x128xf32, #tpu.memory_space<vmem>>) target(%dma_start3A_157 : memref<10240x128xf32, #tpu.memory_space<vmem_shared>>) offsets(%arg13 : memref<64xi32, #tpu.memory_space<vmem>>) semaphore(%arg31 : memref<!tpu.dma_semaphore, #tpu.memory_space<semaphore_mem>>) {add = true}
      %dma_start3A_158 = arith.constant 0 : i32
      %dma_start3A_159 = arith.constant 0 : i32
      %dma_start3A_160 = tpu.memref_slice %arg25[%dma_start3A_158, %dma_start3A_159] : memref<10240x8xf32, #tpu.memory_space<vmem_shared>> -> memref<10240x8xf32, #tpu.memory_space<vmem_shared>>
      tpu.enqueue_indirect_dma source(%arg19 : memref<64x8xf32, #tpu.memory_space<vmem>>) target(%dma_start3A_160 : memref<10240x8xf32, #tpu.memory_space<vmem_shared>>) offsets(%arg13 : memref<64xi32, #tpu.memory_space<vmem>>) semaphore(%arg31 : memref<!tpu.dma_semaphore, #tpu.memory_space<semaphore_mem>>) {add = true}
      %convert_element_type3A_161 = arith.extui %le3A_104 : i1 to i32
      %cond3A_162 = arith.constant 0 : i32
      %cond3A_163 = arith.cmpi ne, %convert_element_type3A_161, %cond3A_162 : i32
      scf.if %cond3A_163 {
        %dma_wait3A_209 = arith.constant 0 : i32
        %dma_wait3A_210 = tpu.memref_slice %arg2[%dma_wait3A_209] : memref<327680xi32, #tpu.memory_space<hbm>> -> memref<64xi32, #tpu.memory_space<hbm>>
        %dma_wait3A_211 = arith.constant 0 : i32
        %dma_wait3A_212 = tpu.memref_slice %arg2[%dma_wait3A_211] : memref<327680xi32, #tpu.memory_space<hbm>> -> memref<64xi32, #tpu.memory_space<hbm>>
        tpu.wait_dma2 semaphore(%arg27 : memref<!tpu.dma_semaphore, #tpu.memory_space<semaphore_mem>>) src(%dma_wait3A_212 : memref<64xi32, #tpu.memory_space<hbm>>) dst(%arg9 : memref<64xi32, #tpu.memory_space<vmem>>)
        %dma_wait3A_213 = arith.constant 0 : i32
        %dma_wait3A_214 = tpu.memref_slice %arg3[%dma_wait3A_213] : memref<327680xi32, #tpu.memory_space<hbm>> -> memref<64xi32, #tpu.memory_space<hbm>>
        %dma_wait3A_215 = arith.constant 0 : i32
        %dma_wait3A_216 = tpu.memref_slice %arg3[%dma_wait3A_215] : memref<327680xi32, #tpu.memory_space<hbm>> -> memref<64xi32, #tpu.memory_space<hbm>>
        tpu.wait_dma2 semaphore(%arg27 : memref<!tpu.dma_semaphore, #tpu.memory_space<semaphore_mem>>) src(%dma_wait3A_216 : memref<64xi32, #tpu.memory_space<hbm>>) dst(%arg11 : memref<64xi32, #tpu.memory_space<vmem>>)
        %dma_start3A_217 = arith.constant 0 : i32
        %dma_start3A_218 = arith.constant 0 : i32
        %dma_start3A_219 = tpu.memref_slice %arg4[%dma_start3A_217, %dma_start3A_218] : memref<10240x8xf32, #tpu.memory_space<hbm>> -> memref<10240x8xf32, #tpu.memory_space<hbm>>
        tpu.enqueue_indirect_dma source(%dma_start3A_219 : memref<10240x8xf32, #tpu.memory_space<hbm>>) target(%arg15 : memref<64x8xf32, #tpu.memory_space<vmem>>) offsets(%arg9 : memref<64xi32, #tpu.memory_space<vmem>>) semaphore(%arg29 : memref<!tpu.dma_semaphore, #tpu.memory_space<semaphore_mem>>)
        %dma_start3A_220 = arith.constant 0 : i32
        %dma_start3A_221 = arith.constant 0 : i32
        %dma_start3A_222 = tpu.memref_slice %arg5[%dma_start3A_220, %dma_start3A_221] : memref<10240x8xf32, #tpu.memory_space<hbm>> -> memref<10240x8xf32, #tpu.memory_space<hbm>>
        tpu.enqueue_indirect_dma source(%dma_start3A_222 : memref<10240x8xf32, #tpu.memory_space<hbm>>) target(%arg17 : memref<64x8xf32, #tpu.memory_space<vmem>>) offsets(%arg11 : memref<64xi32, #tpu.memory_space<vmem>>) semaphore(%arg29 : memref<!tpu.dma_semaphore, #tpu.memory_space<semaphore_mem>>)
        %dma_start3A_223 = arith.constant 0 : i32
        %dma_start3A_224 = arith.constant 0 : i32
        %dma_start3A_225 = tpu.memref_slice %arg6[%dma_start3A_223, %dma_start3A_224] : memref<10240x128xf32, #tpu.memory_space<hbm>> -> memref<10240x128xf32, #tpu.memory_space<hbm>>
        tpu.enqueue_indirect_dma source(%dma_start3A_225 : memref<10240x128xf32, #tpu.memory_space<hbm>>) target(%arg21 : memref<64x128xf32, #tpu.memory_space<vmem>>) offsets(%arg9 : memref<64xi32, #tpu.memory_space<vmem>>) semaphore(%arg29 : memref<!tpu.dma_semaphore, #tpu.memory_space<semaphore_mem>>)
      } else {
      }
      %dma_wait3A_164 = arith.constant 0 : i32
      %dma_wait3A_165 = arith.constant 0 : i32
      %dma_wait3A_166 = tpu.memref_slice %arg4[%dma_wait3A_164, %dma_wait3A_165] : memref<10240x8xf32, #tpu.memory_space<hbm>> -> memref<10240x8xf32, #tpu.memory_space<hbm>>
      tpu.wait_indirect_dma semaphore(%arg30 : memref<!tpu.dma_semaphore, #tpu.memory_space<semaphore_mem>>) src(%dma_wait3A_166 : memref<10240x8xf32, #tpu.memory_space<hbm>>) dst(%arg16 : memref<64x8xf32, #tpu.memory_space<vmem>>)
      %dma_wait3A_167 = arith.constant 0 : i32
      %dma_wait3A_168 = arith.constant 0 : i32
      %dma_wait3A_169 = tpu.memref_slice %arg5[%dma_wait3A_167, %dma_wait3A_168] : memref<10240x8xf32, #tpu.memory_space<hbm>> -> memref<10240x8xf32, #tpu.memory_space<hbm>>
      tpu.wait_indirect_dma semaphore(%arg30 : memref<!tpu.dma_semaphore, #tpu.memory_space<semaphore_mem>>) src(%dma_wait3A_169 : memref<10240x8xf32, #tpu.memory_space<hbm>>) dst(%arg18 : memref<64x8xf32, #tpu.memory_space<vmem>>)
      %dma_wait3A_170 = arith.constant 0 : i32
      %dma_wait3A_171 = arith.constant 0 : i32
      %dma_wait3A_172 = tpu.memref_slice %arg6[%dma_wait3A_170, %dma_wait3A_171] : memref<10240x128xf32, #tpu.memory_space<hbm>> -> memref<10240x128xf32, #tpu.memory_space<hbm>>
      tpu.wait_indirect_dma semaphore(%arg30 : memref<!tpu.dma_semaphore, #tpu.memory_space<semaphore_mem>>) src(%dma_wait3A_172 : memref<10240x128xf32, #tpu.memory_space<hbm>>) dst(%arg22 : memref<64x128xf32, #tpu.memory_space<vmem>>)
      %ge3A_173 = arith.constant 1 : i32
      %ge3A_174 = arith.cmpi sge, %scan3A_101, %ge3A_173 : i32
      %convert_element_type3A_175 = arith.extui %ge3A_174 : i1 to i32
      %cond3A_176 = arith.constant 0 : i32
      %cond3A_177 = arith.cmpi ne, %convert_element_type3A_175, %cond3A_176 : i32
      scf.if %cond3A_177 {
        %dma_wait3A_209 = arith.constant 0 : i32
        %dma_wait3A_210 = arith.constant 0 : i32
        %dma_wait3A_211 = tpu.memref_slice %arg26[%dma_wait3A_209, %dma_wait3A_210] : memref<10240x128xf32, #tpu.memory_space<vmem_shared>> -> memref<10240x128xf32, #tpu.memory_space<vmem_shared>>
        tpu.wait_indirect_dma semaphore(%arg32 : memref<!tpu.dma_semaphore, #tpu.memory_space<semaphore_mem>>) src(%arg24 : memref<64x128xf32, #tpu.memory_space<vmem>>) dst(%dma_wait3A_211 : memref<10240x128xf32, #tpu.memory_space<vmem_shared>>)
        %dma_wait3A_212 = arith.constant 0 : i32
        %dma_wait3A_213 = arith.constant 0 : i32
        %dma_wait3A_214 = tpu.memref_slice %arg25[%dma_wait3A_212, %dma_wait3A_213] : memref<10240x8xf32, #tpu.memory_space<vmem_shared>> -> memref<10240x8xf32, #tpu.memory_space<vmem_shared>>
        tpu.wait_indirect_dma semaphore(%arg32 : memref<!tpu.dma_semaphore, #tpu.memory_space<semaphore_mem>>) src(%arg20 : memref<64x8xf32, #tpu.memory_space<vmem>>) dst(%dma_wait3A_214 : memref<10240x8xf32, #tpu.memory_space<vmem_shared>>)
      } else {
      }
      %get3A_178 = arith.constant 0 : index
      %get3A_179 = tpu.vector_load %arg12[%get3A_178] {strides = array<i32>} : memref<64xi32, #tpu.memory_space<vmem>>, vector<16xi32>,
      %swap3A_180 = arith.constant 0 : index
      %swap3A_181 = tpu.vector_load %arg14[%swap3A_180] {strides = array<i32>} : memref<64xi32, #tpu.memory_space<vmem>>, vector<16xi32>,
      tpu.vector_store %arg14[%swap3A_180], %get3A_179 {strides = array<i32>} : memref<64xi32, #tpu.memory_space<vmem>>, vector<16xi32>,
      %get3A_182 = arith.constant 16 : index
      %get3A_183 = tpu.vector_load %arg12[%get3A_182] {strides = array<i32>} : memref<64xi32, #tpu.memory_space<vmem>>, vector<16xi32>,
      %swap3A_184 = arith.constant 16 : index
      %swap3A_185 = tpu.vector_load %arg14[%swap3A_184] {strides = array<i32>} : memref<64xi32, #tpu.memory_space<vmem>>, vector<16xi32>,
      tpu.vector_store %arg14[%swap3A_184], %get3A_183 {strides = array<i32>} : memref<64xi32, #tpu.memory_space<vmem>>, vector<16xi32>,
      %get3A_186 = arith.constant 32 : index
      %get3A_187 = tpu.vector_load %arg12[%get3A_186] {strides = array<i32>} : memref<64xi32, #tpu.memory_space<vmem>>, vector<16xi32>,
      %swap3A_188 = arith.constant 32 : index
      %swap3A_189 = tpu.vector_load %arg14[%swap3A_188] {strides = array<i32>} : memref<64xi32, #tpu.memory_space<vmem>>, vector<16xi32>,
      tpu.vector_store %arg14[%swap3A_188], %get3A_187 {strides = array<i32>} : memref<64xi32, #tpu.memory_space<vmem>>, vector<16xi32>,
      %get3A_190 = arith.constant 48 : index
      %get3A_191 = tpu.vector_load %arg12[%get3A_190] {strides = array<i32>} : memref<64xi32, #tpu.memory_space<vmem>>, vector<16xi32>,
      %swap3A_192 = arith.constant 48 : index
      %swap3A_193 = tpu.vector_load %arg14[%swap3A_192] {strides = array<i32>} : memref<64xi32, #tpu.memory_space<vmem>>, vector<16xi32>,
      tpu.vector_store %arg14[%swap3A_192], %get3A_191 {strides = array<i32>} : memref<64xi32, #tpu.memory_space<vmem>>, vector<16xi32>,
      %convert_element_type3A_194 = arith.extui %le3A_104 : i1 to i32
      %cond3A_195 = arith.constant 0 : i32
      %cond3A_196 = arith.cmpi ne, %convert_element_type3A_194, %cond3A_195 : i32
      scf.if %cond3A_196 {
        %add3A_209 = arith.constant 3 : i32
        %add3A_210 = arith.addi %mul3A_103, %add3A_209 : i32
        %mul3A_211 = arith.constant 64 : i32
        %mul3A_212 = arith.muli %add3A_210, %mul3A_211 : i32
        %add3A_213 = arith.addi %add3A, %mul3A_212 : i32
        %dma_start3A_214 = tpu.memref_slice %arg2[%add3A_213] : memref<327680xi32, #tpu.memory_space<hbm>> -> memref<64xi32, #tpu.memory_space<hbm>>
        %dma_start3A_215 = tpu.memref_slice %arg2[%add3A_213] : memref<327680xi32, #tpu.memory_space<hbm>> -> memref<64xi32, #tpu.memory_space<hbm>>
        tpu.enqueue_dma source(%dma_start3A_215 : memref<64xi32, #tpu.memory_space<hbm>>) target(%arg10 : memref<64xi32, #tpu.memory_space<vmem>>) target_semaphore(%arg28 : memref<!tpu.dma_semaphore, #tpu.memory_space<semaphore_mem>>)
        %dma_start3A_216 = tpu.memref_slice %arg3[%add3A_213] : memref<327680xi32, #tpu.memory_space<hbm>> -> memref<64xi32, #tpu.memory_space<hbm>>
        %dma_start3A_217 = tpu.memref_slice %arg3[%add3A_213] : memref<327680xi32, #tpu.memory_space<hbm>> -> memref<64xi32, #tpu.memory_space<hbm>>
        tpu.enqueue_dma source(%dma_start3A_217 : memref<64xi32, #tpu.memory_space<hbm>>) target(%arg12 : memref<64xi32, #tpu.memory_space<vmem>>) target_semaphore(%arg28 : memref<!tpu.dma_semaphore, #tpu.memory_space<semaphore_mem>>)
      } else {
      }
      %parallel_loop3A_197 = arith.constant 0 : i32
      %parallel_loop3A_198 = arith.constant 32 : i32
      %parallel_loop3A_199 = arith.constant 1 : i32
      scf.for %parallel_loop3A_209 = %parallel_loop3A_197 to %parallel_loop3A_198 step %parallel_loop3A_199  : i32 {
        %parallel_loop3A_210 = arith.constant 16 : i32
        %parallel_loop3A_211 = arith.muli %parallel_loop3A_209, %parallel_loop3A_210 : i32
        %parallel_loop3A_212 = tpu.iota {dimensions = array<i32: 0>} : vector<16xi32>
        %parallel_loop3A_213 = vector.broadcast %parallel_loop3A_211 : i32 to vector<16xi32>
        %parallel_loop3A_214 = arith.addi %parallel_loop3A_213, %parallel_loop3A_212 : vector<16xi32>
        %parallel_loop3A_215 = arith.constant 8 : i32
        %parallel_loop3A_216 = vector.broadcast %parallel_loop3A_215 : i32 to vector<16xi32>
        %parallel_loop3A_217 = arith.divsi %parallel_loop3A_214, %parallel_loop3A_216 : vector<16xi32>
        %parallel_loop3A_218 = arith.constant 0 : i32
        %parallel_loop3A_219 = vector.broadcast %parallel_loop3A_218 : i32 to vector<16xi32>
        %parallel_loop3A_220 = arith.cmpi sgt, %parallel_loop3A_214, %parallel_loop3A_219 : vector<16xi32>
        %parallel_loop3A_221 = arith.extui %parallel_loop3A_220 : vector<16xi1> to vector<16xi32>
        %parallel_loop3A_222 = arith.constant 0 : i32
        %parallel_loop3A_223 = vector.broadcast %parallel_loop3A_222 : i32 to vector<16xi32>
        %parallel_loop3A_224 = arith.cmpi slt, %parallel_loop3A_214, %parallel_loop3A_223 : vector<16xi32>
        %parallel_loop3A_225 = arith.extui %parallel_loop3A_224 : vector<16xi1> to vector<16xi32>
        %parallel_loop3A_226 = arith.subi %parallel_loop3A_221, %parallel_loop3A_225 : vector<16xi32>
        %parallel_loop3A_227 = arith.constant 0 : i32
        %parallel_loop3A_228 = arith.cmpi sgt, %parallel_loop3A_215, %parallel_loop3A_227 : i32
        %parallel_loop3A_229 = arith.extui %parallel_loop3A_228 : i1 to i32
        %parallel_loop3A_230 = arith.constant 0 : i32
        %parallel_loop3A_231 = arith.cmpi slt, %parallel_loop3A_215, %parallel_loop3A_230 : i32
        %parallel_loop3A_232 = arith.extui %parallel_loop3A_231 : i1 to i32
        %parallel_loop3A_233 = arith.subi %parallel_loop3A_229, %parallel_loop3A_232 : i32
        %parallel_loop3A_234 = vector.broadcast %parallel_loop3A_233 : i32 to vector<16xi32>
        %parallel_loop3A_235 = arith.cmpi ne, %parallel_loop3A_226, %parallel_loop3A_234 : vector<16xi32>
        %parallel_loop3A_236 = vector.broadcast %parallel_loop3A_215 : i32 to vector<16xi32>
        %parallel_loop3A_237 = arith.remsi %parallel_loop3A_214, %parallel_loop3A_236 : vector<16xi32>
        %parallel_loop3A_238 = arith.constant 0 : i32
        %parallel_loop3A_239 = vector.broadcast %parallel_loop3A_238 : i32 to vector<16xi32>
        %parallel_loop3A_240 = arith.cmpi ne, %parallel_loop3A_237, %parallel_loop3A_239 : vector<16xi32>
        %parallel_loop3A_241 = arith.andi %parallel_loop3A_235, %parallel_loop3A_240 : vector<16xi1>
        %parallel_loop3A_242 = arith.constant 1 : i32
        %parallel_loop3A_243 = vector.broadcast %parallel_loop3A_242 : i32 to vector<16xi32>
        %parallel_loop3A_244 = arith.subi %parallel_loop3A_217, %parallel_loop3A_243 : vector<16xi32>
        %parallel_loop3A_245 = arith.select %parallel_loop3A_241, %parallel_loop3A_244, %parallel_loop3A_217 : vector<16xi1>, vector<16xi32>
        %parallel_loop3A_246 = arith.constant 8 : i32
        %parallel_loop3A_247 = arith.constant 0 : i32
        %parallel_loop3A_248 = arith.cmpi eq, %parallel_loop3A_246, %parallel_loop3A_247 : i32
        %parallel_loop3A_249 = arith.constant 1 : i32
        %parallel_loop3A_250 = arith.select %parallel_loop3A_248, %parallel_loop3A_249, %parallel_loop3A_246 : i32
        %parallel_loop3A_251 = vector.broadcast %parallel_loop3A_250 : i32 to vector<16xi32>
        %parallel_loop3A_252 = arith.remsi %parallel_loop3A_214, %parallel_loop3A_251 : vector<16xi32>
        %parallel_loop3A_253 = arith.constant 0 : i32
        %parallel_loop3A_254 = vector.broadcast %parallel_loop3A_253 : i32 to vector<16xi32>
        %parallel_loop3A_255 = arith.cmpi ne, %parallel_loop3A_252, %parallel_loop3A_254 : vector<16xi32>
        %parallel_loop3A_256 = arith.constant 0 : i32
        %parallel_loop3A_257 = vector.broadcast %parallel_loop3A_256 : i32 to vector<16xi32>
        %parallel_loop3A_258 = arith.cmpi slt, %parallel_loop3A_252, %parallel_loop3A_257 : vector<16xi32>
        %parallel_loop3A_259 = arith.constant 0 : i32
        %parallel_loop3A_260 = arith.cmpi slt, %parallel_loop3A_250, %parallel_loop3A_259 : i32
        %parallel_loop3A_261 = vector.broadcast %parallel_loop3A_260 : i1 to vector<16xi1>
        %parallel_loop3A_262 = vector.broadcast %parallel_loop3A_261 : vector<16xi1> to vector<16xi1>
        %parallel_loop3A_263 = arith.xori %parallel_loop3A_258, %parallel_loop3A_262 : vector<16xi1>
        %parallel_loop3A_264 = arith.andi %parallel_loop3A_263, %parallel_loop3A_255 : vector<16xi1>
        %parallel_loop3A_265 = vector.broadcast %parallel_loop3A_250 : i32 to vector<16xi32>
        %parallel_loop3A_266 = arith.addi %parallel_loop3A_252, %parallel_loop3A_265 : vector<16xi32>
        %parallel_loop3A_267 = arith.select %parallel_loop3A_264, %parallel_loop3A_266, %parallel_loop3A_252 : vector<16xi1>, vector<16xi32>
        %parallel_loop3A_268 = tpu.vector_load_idx %arg16[%parallel_loop3A_245, %parallel_loop3A_267] : memref<64x8xf32, #tpu.memory_space<vmem>>[vector<16xi32>, vector<16xi32>], vector<16xf32>,
        %parallel_loop3A_269 = tpu.vector_load_idx %arg18[%parallel_loop3A_245, %parallel_loop3A_267] : memref<64x8xf32, #tpu.memory_space<vmem>>[vector<16xi32>, vector<16xi32>], vector<16xf32>,
        %parallel_loop3A_270 = arith.addf %parallel_loop3A_268, %parallel_loop3A_269 : vector<16xf32>
        %parallel_loop3A_271 = arith.constant 0.000000e+00 : f32
        %parallel_loop3A_272 = vector.broadcast %parallel_loop3A_271 : f32 to vector<16xf32>
        %parallel_loop3A_273 = arith.cmpf ogt, %parallel_loop3A_270, %parallel_loop3A_272 : vector<16xf32>
        %parallel_loop3A_274 = arith.constant 2.000000e-01 : f32
        %parallel_loop3A_275 = vector.broadcast %parallel_loop3A_274 : f32 to vector<16xf32>
        %parallel_loop3A_276 = arith.mulf %parallel_loop3A_275, %parallel_loop3A_270 : vector<16xf32>
        %parallel_loop3A_277 = arith.select %parallel_loop3A_273, %parallel_loop3A_270, %parallel_loop3A_276 : vector<16xi1>, vector<16xf32>
        %parallel_loop3A_278 = math.exp %parallel_loop3A_277 : vector<16xf32>
        tpu.vector_store_idx %arg20[%parallel_loop3A_245, %parallel_loop3A_267], %parallel_loop3A_278 : memref<64x8xf32, #tpu.memory_space<vmem>>[vector<16xi32>, vector<16xi32>], vector<16xf32>,
      } {sc.loop_unroll_factor = 4 : i64, sc.parallel_access}
      %parallel_loop3A_200 = arith.constant 0 : i32
      %parallel_loop3A_201 = arith.constant 64 : i32
      %parallel_loop3A_202 = arith.constant 1 : i32
      scf.for %parallel_loop3A_209 = %parallel_loop3A_200 to %parallel_loop3A_201 step %parallel_loop3A_202  : i32 {
        %parallel_loop3A_210 = arith.constant 0 : i32
        %parallel_loop3A_211 = vector.broadcast %parallel_loop3A_210 : i32 to vector<16xi32>
        %parallel_loop3A_212 = vector.broadcast %parallel_loop3A_209 : i32 to vector<16xi32>
        %parallel_loop3A_213 = arith.addi %parallel_loop3A_211, %parallel_loop3A_212 : vector<16xi32>
        %parallel_loop3A_214 = arith.constant 0 : i32
        %parallel_loop3A_215 = vector.broadcast %parallel_loop3A_214 : i32 to vector<16xi32>
        %parallel_loop3A_216 = tpu.vector_load_idx %arg20[%parallel_loop3A_213, %parallel_loop3A_215] : memref<64x8xf32, #tpu.memory_space<vmem>>[vector<16xi32>, vector<16xi32>], vector<16xf32>,
        %parallel_loop3A_217 = arith.index_cast %parallel_loop3A_209 : i32 to index
        %parallel_loop3A_218 = arith.constant 0 : index
        %parallel_loop3A_219 = tpu.vector_load %arg22[%parallel_loop3A_217, %parallel_loop3A_218] {strides = array<i32>} : memref<64x128xf32, #tpu.memory_space<vmem>>, vector<16xf32>,
        %parallel_loop3A_220 = arith.mulf %parallel_loop3A_219, %parallel_loop3A_216 : vector<16xf32>
        %parallel_loop3A_221 = arith.index_cast %parallel_loop3A_209 : i32 to index
        %parallel_loop3A_222 = arith.constant 0 : index
        %parallel_loop3A_223 = tpu.vector_load %arg24[%parallel_loop3A_221, %parallel_loop3A_222] {strides = array<i32>} : memref<64x128xf32, #tpu.memory_space<vmem>>, vector<16xf32>,
        tpu.vector_store %arg24[%parallel_loop3A_221, %parallel_loop3A_222], %parallel_loop3A_220 {strides = array<i32>} : memref<64x128xf32, #tpu.memory_space<vmem>>, vector<16xf32>,
        %parallel_loop3A_224 = arith.constant 1 : i32
        %parallel_loop3A_225 = vector.broadcast %parallel_loop3A_224 : i32 to vector<16xi32>
        %parallel_loop3A_226 = tpu.vector_load_idx %arg20[%parallel_loop3A_213, %parallel_loop3A_225] : memref<64x8xf32, #tpu.memory_space<vmem>>[vector<16xi32>, vector<16xi32>], vector<16xf32>,
        %parallel_loop3A_227 = arith.index_cast %parallel_loop3A_209 : i32 to index
        %parallel_loop3A_228 = arith.constant 16 : index
        %parallel_loop3A_229 = tpu.vector_load %arg22[%parallel_loop3A_227, %parallel_loop3A_228] {strides = array<i32>} : memref<64x128xf32, #tpu.memory_space<vmem>>, vector<16xf32>,
        %parallel_loop3A_230 = arith.mulf %parallel_loop3A_229, %parallel_loop3A_226 : vector<16xf32>
        %parallel_loop3A_231 = arith.index_cast %parallel_loop3A_209 : i32 to index
        %parallel_loop3A_232 = arith.constant 16 : index
        %parallel_loop3A_233 = tpu.vector_load %arg24[%parallel_loop3A_231, %parallel_loop3A_232] {strides = array<i32>} : memref<64x128xf32, #tpu.memory_space<vmem>>, vector<16xf32>,
        tpu.vector_store %arg24[%parallel_loop3A_231, %parallel_loop3A_232], %parallel_loop3A_230 {strides = array<i32>} : memref<64x128xf32, #tpu.memory_space<vmem>>, vector<16xf32>,
        %parallel_loop3A_234 = arith.constant 2 : i32
        %parallel_loop3A_235 = vector.broadcast %parallel_loop3A_234 : i32 to vector<16xi32>
        %parallel_loop3A_236 = tpu.vector_load_idx %arg20[%parallel_loop3A_213, %parallel_loop3A_235] : memref<64x8xf32, #tpu.memory_space<vmem>>[vector<16xi32>, vector<16xi32>], vector<16xf32>,
        %parallel_loop3A_237 = arith.index_cast %parallel_loop3A_209 : i32 to index
        %parallel_loop3A_238 = arith.constant 32 : index
        %parallel_loop3A_239 = tpu.vector_load %arg22[%parallel_loop3A_237, %parallel_loop3A_238] {strides = array<i32>} : memref<64x128xf32, #tpu.memory_space<vmem>>, vector<16xf32>,
        %parallel_loop3A_240 = arith.mulf %parallel_loop3A_239, %parallel_loop3A_236 : vector<16xf32>
        %parallel_loop3A_241 = arith.index_cast %parallel_loop3A_209 : i32 to index
        %parallel_loop3A_242 = arith.constant 32 : index
        %parallel_loop3A_243 = tpu.vector_load %arg24[%parallel_loop3A_241, %parallel_loop3A_242] {strides = array<i32>} : memref<64x128xf32, #tpu.memory_space<vmem>>, vector<16xf32>,
        tpu.vector_store %arg24[%parallel_loop3A_241, %parallel_loop3A_242], %parallel_loop3A_240 {strides = array<i32>} : memref<64x128xf32, #tpu.memory_space<vmem>>, vector<16xf32>,
        %parallel_loop3A_244 = arith.constant 3 : i32
        %parallel_loop3A_245 = vector.broadcast %parallel_loop3A_244 : i32 to vector<16xi32>
        %parallel_loop3A_246 = tpu.vector_load_idx %arg20[%parallel_loop3A_213, %parallel_loop3A_245] : memref<64x8xf32, #tpu.memory_space<vmem>>[vector<16xi32>, vector<16xi32>], vector<16xf32>,
        %parallel_loop3A_247 = arith.index_cast %parallel_loop3A_209 : i32 to index
        %parallel_loop3A_248 = arith.constant 48 : index
        %parallel_loop3A_249 = tpu.vector_load %arg22[%parallel_loop3A_247, %parallel_loop3A_248] {strides = array<i32>} : memref<64x128xf32, #tpu.memory_space<vmem>>, vector<16xf32>,
        %parallel_loop3A_250 = arith.mulf %parallel_loop3A_249, %parallel_loop3A_246 : vector<16xf32>
        %parallel_loop3A_251 = arith.index_cast %parallel_loop3A_209 : i32 to index
        %parallel_loop3A_252 = arith.constant 48 : index
        %parallel_loop3A_253 = tpu.vector_load %arg24[%parallel_loop3A_251, %parallel_loop3A_252] {strides = array<i32>} : memref<64x128xf32, #tpu.memory_space<vmem>>, vector<16xf32>,
        tpu.vector_store %arg24[%parallel_loop3A_251, %parallel_loop3A_252], %parallel_loop3A_250 {strides = array<i32>} : memref<64x128xf32, #tpu.memory_space<vmem>>, vector<16xf32>,
        %parallel_loop3A_254 = arith.constant 4 : i32
        %parallel_loop3A_255 = vector.broadcast %parallel_loop3A_254 : i32 to vector<16xi32>
        %parallel_loop3A_256 = tpu.vector_load_idx %arg20[%parallel_loop3A_213, %parallel_loop3A_255] : memref<64x8xf32, #tpu.memory_space<vmem>>[vector<16xi32>, vector<16xi32>], vector<16xf32>,
        %parallel_loop3A_257 = arith.index_cast %parallel_loop3A_209 : i32 to index
        %parallel_loop3A_258 = arith.constant 64 : index
        %parallel_loop3A_259 = tpu.vector_load %arg22[%parallel_loop3A_257, %parallel_loop3A_258] {strides = array<i32>} : memref<64x128xf32, #tpu.memory_space<vmem>>, vector<16xf32>,
        %parallel_loop3A_260 = arith.mulf %parallel_loop3A_259, %parallel_loop3A_256 : vector<16xf32>
        %parallel_loop3A_261 = arith.index_cast %parallel_loop3A_209 : i32 to index
        %parallel_loop3A_262 = arith.constant 64 : index
        %parallel_loop3A_263 = tpu.vector_load %arg24[%parallel_loop3A_261, %parallel_loop3A_262] {strides = array<i32>} : memref<64x128xf32, #tpu.memory_space<vmem>>, vector<16xf32>,
        tpu.vector_store %arg24[%parallel_loop3A_261, %parallel_loop3A_262], %parallel_loop3A_260 {strides = array<i32>} : memref<64x128xf32, #tpu.memory_space<vmem>>, vector<16xf32>,
        %parallel_loop3A_264 = arith.constant 5 : i32
        %parallel_loop3A_265 = vector.broadcast %parallel_loop3A_264 : i32 to vector<16xi32>
        %parallel_loop3A_266 = tpu.vector_load_idx %arg20[%parallel_loop3A_213, %parallel_loop3A_265] : memref<64x8xf32, #tpu.memory_space<vmem>>[vector<16xi32>, vector<16xi32>], vector<16xf32>,
        %parallel_loop3A_267 = arith.index_cast %parallel_loop3A_209 : i32 to index
        %parallel_loop3A_268 = arith.constant 80 : index
        %parallel_loop3A_269 = tpu.vector_load %arg22[%parallel_loop3A_267, %parallel_loop3A_268] {strides = array<i32>} : memref<64x128xf32, #tpu.memory_space<vmem>>, vector<16xf32>,
        %parallel_loop3A_270 = arith.mulf %parallel_loop3A_269, %parallel_loop3A_266 : vector<16xf32>
        %parallel_loop3A_271 = arith.index_cast %parallel_loop3A_209 : i32 to index
        %parallel_loop3A_272 = arith.constant 80 : index
        %parallel_loop3A_273 = tpu.vector_load %arg24[%parallel_loop3A_271, %parallel_loop3A_272] {strides = array<i32>} : memref<64x128xf32, #tpu.memory_space<vmem>>, vector<16xf32>,
        tpu.vector_store %arg24[%parallel_loop3A_271, %parallel_loop3A_272], %parallel_loop3A_270 {strides = array<i32>} : memref<64x128xf32, #tpu.memory_space<vmem>>, vector<16xf32>,
        %parallel_loop3A_274 = arith.constant 6 : i32
        %parallel_loop3A_275 = vector.broadcast %parallel_loop3A_274 : i32 to vector<16xi32>
        %parallel_loop3A_276 = tpu.vector_load_idx %arg20[%parallel_loop3A_213, %parallel_loop3A_275] : memref<64x8xf32, #tpu.memory_space<vmem>>[vector<16xi32>, vector<16xi32>], vector<16xf32>,
        %parallel_loop3A_277 = arith.index_cast %parallel_loop3A_209 : i32 to index
        %parallel_loop3A_278 = arith.constant 96 : index
        %parallel_loop3A_279 = tpu.vector_load %arg22[%parallel_loop3A_277, %parallel_loop3A_278] {strides = array<i32>} : memref<64x128xf32, #tpu.memory_space<vmem>>, vector<16xf32>,
        %parallel_loop3A_280 = arith.mulf %parallel_loop3A_279, %parallel_loop3A_276 : vector<16xf32>
        %parallel_loop3A_281 = arith.index_cast %parallel_loop3A_209 : i32 to index
        %parallel_loop3A_282 = arith.constant 96 : index
        %parallel_loop3A_283 = tpu.vector_load %arg24[%parallel_loop3A_281, %parallel_loop3A_282] {strides = array<i32>} : memref<64x128xf32, #tpu.memory_space<vmem>>, vector<16xf32>,
        tpu.vector_store %arg24[%parallel_loop3A_281, %parallel_loop3A_282], %parallel_loop3A_280 {strides = array<i32>} : memref<64x128xf32, #tpu.memory_space<vmem>>, vector<16xf32>,
        %parallel_loop3A_284 = arith.constant 7 : i32
        %parallel_loop3A_285 = vector.broadcast %parallel_loop3A_284 : i32 to vector<16xi32>
        %parallel_loop3A_286 = tpu.vector_load_idx %arg20[%parallel_loop3A_213, %parallel_loop3A_285] : memref<64x8xf32, #tpu.memory_space<vmem>>[vector<16xi32>, vector<16xi32>], vector<16xf32>,
        %parallel_loop3A_287 = arith.index_cast %parallel_loop3A_209 : i32 to index
        %parallel_loop3A_288 = arith.constant 112 : index
        %parallel_loop3A_289 = tpu.vector_load %arg22[%parallel_loop3A_287, %parallel_loop3A_288] {strides = array<i32>} : memref<64x128xf32, #tpu.memory_space<vmem>>, vector<16xf32>,
        %parallel_loop3A_290 = arith.mulf %parallel_loop3A_289, %parallel_loop3A_286 : vector<16xf32>
        %parallel_loop3A_291 = arith.index_cast %parallel_loop3A_209 : i32 to index
        %parallel_loop3A_292 = arith.constant 112 : index
        %parallel_loop3A_293 = tpu.vector_load %arg24[%parallel_loop3A_291, %parallel_loop3A_292] {strides = array<i32>} : memref<64x128xf32, #tpu.memory_space<vmem>>, vector<16xf32>,
        tpu.vector_store %arg24[%parallel_loop3A_291, %parallel_loop3A_292], %parallel_loop3A_290 {strides = array<i32>} : memref<64x128xf32, #tpu.memory_space<vmem>>, vector<16xf32>,
      } {sc.loop_unroll_factor = 2 : i64, sc.parallel_access}
      %dma_start3A_203 = arith.constant 0 : i32
      %dma_start3A_204 = arith.constant 0 : i32
      %dma_start3A_205 = tpu.memref_slice %arg26[%dma_start3A_203, %dma_start3A_204] : memref<10240x128xf32, #tpu.memory_space<vmem_shared>> -> memref<10240x128xf32, #tpu.memory_space<vmem_shared>>
      tpu.enqueue_indirect_dma source(%arg24 : memref<64x128xf32, #tpu.memory_space<vmem>>) target(%dma_start3A_205 : memref<10240x128xf32, #tpu.memory_space<vmem_shared>>) offsets(%arg14 : memref<64xi32, #tpu.memory_space<vmem>>) semaphore(%arg32 : memref<!tpu.dma_semaphore, #tpu.memory_space<semaphore_mem>>) {add = true}
      %dma_start3A_206 = arith.constant 0 : i32
      %dma_start3A_207 = arith.constant 0 : i32
      %dma_start3A_208 = tpu.memref_slice %arg25[%dma_start3A_206, %dma_start3A_207] : memref<10240x8xf32, #tpu.memory_space<vmem_shared>> -> memref<10240x8xf32, #tpu.memory_space<vmem_shared>>
      tpu.enqueue_indirect_dma source(%arg20 : memref<64x8xf32, #tpu.memory_space<vmem>>) target(%dma_start3A_208 : memref<10240x8xf32, #tpu.memory_space<vmem_shared>>) offsets(%arg14 : memref<64xi32, #tpu.memory_space<vmem>>) semaphore(%arg32 : memref<!tpu.dma_semaphore, #tpu.memory_space<semaphore_mem>>) {add = true}
    }
    %scan3A_87 = arith.constant 80 : i32
    %dma_wait3A_88 = arith.constant 0 : i32
    %dma_wait3A_89 = arith.constant 0 : i32
    %dma_wait3A_90 = tpu.memref_slice %arg26[%dma_wait3A_88, %dma_wait3A_89] : memref<10240x128xf32, #tpu.memory_space<vmem_shared>> -> memref<10240x128xf32, #tpu.memory_space<vmem_shared>>
    tpu.wait_indirect_dma semaphore(%arg31 : memref<!tpu.dma_semaphore, #tpu.memory_space<semaphore_mem>>) src(%arg23 : memref<64x128xf32, #tpu.memory_space<vmem>>) dst(%dma_wait3A_90 : memref<10240x128xf32, #tpu.memory_space<vmem_shared>>)
    %dma_wait3A_91 = arith.constant 0 : i32
    %dma_wait3A_92 = arith.constant 0 : i32
    %dma_wait3A_93 = tpu.memref_slice %arg25[%dma_wait3A_91, %dma_wait3A_92] : memref<10240x8xf32, #tpu.memory_space<vmem_shared>> -> memref<10240x8xf32, #tpu.memory_space<vmem_shared>>
    tpu.wait_indirect_dma semaphore(%arg31 : memref<!tpu.dma_semaphore, #tpu.memory_space<semaphore_mem>>) src(%arg19 : memref<64x8xf32, #tpu.memory_space<vmem>>) dst(%dma_wait3A_93 : memref<10240x8xf32, #tpu.memory_space<vmem_shared>>)
    %dma_wait3A_94 = arith.constant 0 : i32
    %dma_wait3A_95 = arith.constant 0 : i32
    %dma_wait3A_96 = tpu.memref_slice %arg26[%dma_wait3A_94, %dma_wait3A_95] : memref<10240x128xf32, #tpu.memory_space<vmem_shared>> -> memref<10240x128xf32, #tpu.memory_space<vmem_shared>>
    tpu.wait_indirect_dma semaphore(%arg32 : memref<!tpu.dma_semaphore, #tpu.memory_space<semaphore_mem>>) src(%arg24 : memref<64x128xf32, #tpu.memory_space<vmem>>) dst(%dma_wait3A_96 : memref<10240x128xf32, #tpu.memory_space<vmem_shared>>)
    %dma_wait3A_97 = arith.constant 0 : i32
    %dma_wait3A_98 = arith.constant 0 : i32
    %dma_wait3A_99 = tpu.memref_slice %arg25[%dma_wait3A_97, %dma_wait3A_98] : memref<10240x8xf32, #tpu.memory_space<vmem_shared>> -> memref<10240x8xf32, #tpu.memory_space<vmem_shared>>
    tpu.wait_indirect_dma semaphore(%arg32 : memref<!tpu.dma_semaphore, #tpu.memory_space<semaphore_mem>>) src(%arg20 : memref<64x8xf32, #tpu.memory_space<vmem>>) dst(%dma_wait3A_99 : memref<10240x8xf32, #tpu.memory_space<vmem_shared>>)
    %barrier3A_100 = arith.constant 0 : index
    tpu.barrier barrier_id(%barrier3A_100)
    "tpu.region"() ({
      %run_scoped3A = tpu.sem_alloc : memref<!tpu.dma_semaphore, #tpu.memory_space<semaphore_mem>>
      %dma_start3A_101 = arith.constant 0 : i32
      %dma_start3A_102 = tpu.memref_slice %arg7[%arg0, %mul3A_0, %dma_start3A_101] : memref<2x10240x128xf32, #tpu.memory_space<hbm>> -> memref<1x640x128xf32, #tpu.memory_space<hbm>>
      %dma_start3A_103 = tpu.memref_squeeze %dma_start3A_102 : memref<1x640x128xf32, #tpu.memory_space<hbm>> -> memref<640x128xf32, #tpu.memory_space<hbm>>
      %dma_start3A_104 = arith.constant 0 : i32
      %dma_start3A_105 = tpu.memref_slice %arg26[%mul3A_0, %dma_start3A_104] : memref<10240x128xf32, #tpu.memory_space<vmem_shared>> -> memref<640x128xf32, #tpu.memory_space<vmem_shared>>
      tpu.enqueue_dma source(%dma_start3A_105 : memref<640x128xf32, #tpu.memory_space<vmem_shared>>) target(%dma_start3A_103 : memref<640x128xf32, #tpu.memory_space<hbm>>) target_semaphore(%run_scoped3A : memref<!tpu.dma_semaphore, #tpu.memory_space<semaphore_mem>>)
      %dma_wait3A_106 = arith.constant 0 : i32
      %dma_wait3A_107 = tpu.memref_slice %arg7[%arg0, %mul3A_0, %dma_wait3A_106] : memref<2x10240x128xf32, #tpu.memory_space<hbm>> -> memref<1x640x128xf32, #tpu.memory_space<hbm>>
      %dma_wait3A_108 = tpu.memref_squeeze %dma_wait3A_107 : memref<1x640x128xf32, #tpu.memory_space<hbm>> -> memref<640x128xf32, #tpu.memory_space<hbm>>
      %dma_wait3A_109 = arith.constant 0 : i32
      %dma_wait3A_110 = tpu.memref_slice %arg26[%mul3A_0, %dma_wait3A_109] : memref<10240x128xf32, #tpu.memory_space<vmem_shared>> -> memref<640x128xf32, #tpu.memory_space<vmem_shared>>
      tpu.wait_dma2 semaphore(%run_scoped3A : memref<!tpu.dma_semaphore, #tpu.memory_space<semaphore_mem>>) src(%dma_wait3A_110 : memref<640x128xf32, #tpu.memory_space<vmem_shared>>) dst(%dma_wait3A_108 : memref<640x128xf32, #tpu.memory_space<hbm>>)
      tpu.yield
    }) : () -> ()
    "tpu.region"() ({
      %run_scoped3A = tpu.sem_alloc : memref<!tpu.dma_semaphore, #tpu.memory_space<semaphore_mem>>
      %dma_start3A_101 = arith.constant 0 : i32
      %dma_start3A_102 = tpu.memref_slice %arg8[%arg0, %mul3A_0, %dma_start3A_101] : memref<2x10240x8xf32, #tpu.memory_space<hbm>> -> memref<1x640x8xf32, #tpu.memory_space<hbm>>
      %dma_start3A_103 = tpu.memref_squeeze %dma_start3A_102 : memref<1x640x8xf32, #tpu.memory_space<hbm>> -> memref<640x8xf32, #tpu.memory_space<hbm>>
      %dma_start3A_104 = arith.constant 0 : i32
      %dma_start3A_105 = tpu.memref_slice %arg25[%mul3A_0, %dma_start3A_104] : memref<10240x8xf32, #tpu.memory_space<vmem_shared>> -> memref<640x8xf32, #tpu.memory_space<vmem_shared>>
      tpu.enqueue_dma source(%dma_start3A_105 : memref<640x8xf32, #tpu.memory_space<vmem_shared>>) target(%dma_start3A_103 : memref<640x8xf32, #tpu.memory_space<hbm>>) target_semaphore(%run_scoped3A : memref<!tpu.dma_semaphore, #tpu.memory_space<semaphore_mem>>)
      %dma_wait3A_106 = arith.constant 0 : i32
      %dma_wait3A_107 = tpu.memref_slice %arg8[%arg0, %mul3A_0, %dma_wait3A_106] : memref<2x10240x8xf32, #tpu.memory_space<hbm>> -> memref<1x640x8xf32, #tpu.memory_space<hbm>>
      %dma_wait3A_108 = tpu.memref_squeeze %dma_wait3A_107 : memref<1x640x8xf32, #tpu.memory_space<hbm>> -> memref<640x8xf32, #tpu.memory_space<hbm>>
      %dma_wait3A_109 = arith.constant 0 : i32
      %dma_wait3A_110 = tpu.memref_slice %arg25[%mul3A_0, %dma_wait3A_109] : memref<10240x8xf32, #tpu.memory_space<vmem_shared>> -> memref<640x8xf32, #tpu.memory_space<vmem_shared>>
      tpu.wait_dma2 semaphore(%run_scoped3A : memref<!tpu.dma_semaphore, #tpu.memory_space<semaphore_mem>>) src(%dma_wait3A_110 : memref<640x8xf32, #tpu.memory_space<vmem_shared>>) dst(%dma_wait3A_108 : memref<640x8xf32, #tpu.memory_space<hbm>>)
      tpu.yield
    }) : () -> ()
    return
  }
}

module attributes {stable_mosaic.version = 14 : i64} {
  func.func @_dense_body(%arg0: i32, %arg1: memref<512x128xf32, #tpu.memory_space<vmem>>, %arg2: memref<1x64xf32, #tpu.memory_space<vmem>>, %arg3: memref<128x128xf32, #tpu.memory_space<vmem>>, %arg4: memref<128x128xf32, #tpu.memory_space<vmem>>, %arg5: memref<64x256xf32, #tpu.memory_space<vmem>>, %arg6: memref<512x128xf32, #tpu.memory_space<vmem>>, %arg7: memref<512x8xf32, #tpu.memory_space<vmem>>, %arg8: memref<512x8xf32, #tpu.memory_space<vmem>>) attributes {dimension_semantics = [#tpu.dimension_semantics<arbitrary>], iteration_bounds = array<i64: 20>, scalar_prefetch = 0 : i64, scratch_operands = 0 : i64, tpu.core_type = #tpu.core_type<tc>, window_params = [{transform_indices = @transform_0, window_bounds = array<i64: 512, 128>}, {pipeline_mode = #tpu.pipeline_mode<synchronous>, transform_indices = @transform_1, window_bounds = array<i64: 1, 64>}, {pipeline_mode = #tpu.pipeline_mode<synchronous>, transform_indices = @transform_2, window_bounds = array<i64: 128, 128>}, {pipeline_mode = #tpu.pipeline_mode<synchronous>, transform_indices = @transform_3, window_bounds = array<i64: 128, 128>}, {pipeline_mode = #tpu.pipeline_mode<synchronous>, transform_indices = @transform_4, window_bounds = array<i64: 64, 256>}, {transform_indices = @transform_5, window_bounds = array<i64: 512, 128>}, {transform_indices = @transform_6, window_bounds = array<i64: 512, 8>}, {transform_indices = @transform_7, window_bounds = array<i64: 512, 8>}]} {
    %get3A = arith.constant 0 : index
    %get3A_0 = arith.constant 0 : index
    %get3A_1 = vector.load %arg1[%get3A, %get3A_0] : memref<512x128xf32, #tpu.memory_space<vmem>>, vector<512x128xf32>
    %get3A_2 = arith.constant 0 : index
    %get3A_3 = arith.constant 0 : index
    %get3A_4 = vector.load %arg3[%get3A_2, %get3A_3] : memref<128x128xf32, #tpu.memory_space<vmem>>, vector<128x128xf32>
    %dot_general3A = arith.constant dense<0.000000e+00> : vector<512x128xf32>
    %dot_general3A_5 = tpu.matmul %get3A_1, %get3A_4, %dot_general3A {dimension_numbers = #tpu.dot_dimension_numbers<[1], [0], [0], [1], [0, 0, 1, 1], [], []>, transpose_lhs_hint = false} : vector<512x128xf32>, vector<128x128xf32>, vector<512x128xf32> -> vector<512x128xf32>
    %get3A_6 = arith.constant 0 : index
    %get3A_7 = arith.constant 0 : index
    %get3A_8 = vector.load %arg4[%get3A_6, %get3A_7] : memref<128x128xf32, #tpu.memory_space<vmem>>, vector<128x128xf32>
    %dot_general3A_9 = arith.constant dense<0.000000e+00> : vector<512x128xf32>
    %dot_general3A_10 = tpu.matmul %get3A_1, %get3A_8, %dot_general3A_9 {dimension_numbers = #tpu.dot_dimension_numbers<[1], [0], [0], [1], [0, 0, 1, 1], [], []>, transpose_lhs_hint = false} : vector<512x128xf32>, vector<128x128xf32>, vector<512x128xf32> -> vector<512x128xf32>
    %get3A_11 = arith.constant 0 : index
    %get3A_12 = arith.constant 0 : index
    %get3A_13 = vector.load %arg2[%get3A_11, %get3A_12] : memref<1x64xf32, #tpu.memory_space<vmem>>, vector<1x64xf32>
    %get3A_14 = arith.constant 0 : index
    %get3A_15 = arith.constant 0 : index
    %get3A_16 = vector.load %arg5[%get3A_14, %get3A_15] : memref<64x256xf32, #tpu.memory_space<vmem>>, vector<64x256xf32>
    %dot_general3A_17 = arith.constant dense<0.000000e+00> : vector<1x256xf32>
    %dot_general3A_18 = tpu.matmul %get3A_13, %get3A_16, %dot_general3A_17 {dimension_numbers = #tpu.dot_dimension_numbers<[1], [0], [0], [1], [0, 0, 1, 1], [], []>, transpose_lhs_hint = false} : vector<1x64xf32>, vector<64x256xf32>, vector<1x256xf32> -> vector<1x256xf32>
    %iota3A = tpu.iota {dimensions = array<i32: 0>} : vector<256x128xi32>
    %iota3A_19 = tpu.iota {dimensions = array<i32: 1>} : vector<256x128xi32>
    %jit3A = arith.constant 16 : i32
    %div3A = vector.broadcast %jit3A : i32 to vector<256x128xi32>
    %div3A_20 = arith.divsi %iota3A_19, %div3A : vector<256x128xi32>
    %sign3A = arith.constant 0 : i32
    %sign3A_21 = vector.broadcast %sign3A : i32 to vector<256x128xi32>
    %sign3A_22 = arith.cmpi sgt, %iota3A_19, %sign3A_21 : vector<256x128xi32>
    %sign3A_23 = arith.extui %sign3A_22 : vector<256x128xi1> to vector<256x128xi32>
    %sign3A_24 = arith.constant 0 : i32
    %sign3A_25 = vector.broadcast %sign3A_24 : i32 to vector<256x128xi32>
    %sign3A_26 = arith.cmpi slt, %iota3A_19, %sign3A_25 : vector<256x128xi32>
    %sign3A_27 = arith.extui %sign3A_26 : vector<256x128xi1> to vector<256x128xi32>
    %sign3A_28 = arith.subi %sign3A_23, %sign3A_27 : vector<256x128xi32>
    %sign3A_29 = arith.constant 0 : i32
    %sign3A_30 = arith.cmpi sgt, %jit3A, %sign3A_29 : i32
    %sign3A_31 = arith.extui %sign3A_30 : i1 to i32
    %sign3A_32 = arith.constant 0 : i32
    %sign3A_33 = arith.cmpi slt, %jit3A, %sign3A_32 : i32
    %sign3A_34 = arith.extui %sign3A_33 : i1 to i32
    %sign3A_35 = arith.subi %sign3A_31, %sign3A_34 : i32
    %ne3A = vector.broadcast %sign3A_35 : i32 to vector<256x128xi32>
    %ne3A_36 = arith.cmpi ne, %sign3A_28, %ne3A : vector<256x128xi32>
    %rem3A = vector.broadcast %jit3A : i32 to vector<256x128xi32>
    %rem3A_37 = arith.remsi %iota3A_19, %rem3A : vector<256x128xi32>
    %ne3A_38 = arith.constant 0 : i32
    %ne3A_39 = vector.broadcast %ne3A_38 : i32 to vector<256x128xi32>
    %ne3A_40 = arith.cmpi ne, %rem3A_37, %ne3A_39 : vector<256x128xi32>
    %and3A = arith.andi %ne3A_36, %ne3A_40 : vector<256x128xi1>
    %sub3A = arith.constant 1 : i32
    %sub3A_41 = vector.broadcast %sub3A : i32 to vector<256x128xi32>
    %sub3A_42 = arith.subi %div3A_20, %sub3A_41 : vector<256x128xi32>
    %select_n3A = arith.select %and3A, %sub3A_42, %div3A_20 : vector<256x128xi1>, vector<256x128xi32>
    %mul3A = arith.constant 2 : i32
    %mul3A_43 = vector.broadcast %mul3A : i32 to vector<256x128xi32>
    %mul3A_44 = arith.muli %select_n3A, %mul3A_43 : vector<256x128xi32>
    %mul3A_45 = arith.constant 16 : i32
    %mul3A_46 = vector.broadcast %mul3A_45 : i32 to vector<256x128xi32>
    %mul3A_47 = arith.muli %mul3A_44, %mul3A_46 : vector<256x128xi32>
    %jit3A_48 = arith.constant 16 : i32
    %eq3A = arith.constant 0 : i32
    %eq3A_49 = arith.cmpi eq, %jit3A_48, %eq3A : i32
    %jit3A_50 = arith.constant 1 : i32
    %select_n3A_51 = arith.select %eq3A_49, %jit3A_50, %jit3A_48 : i32
    %rem3A_52 = vector.broadcast %select_n3A_51 : i32 to vector<256x128xi32>
    %rem3A_53 = arith.remsi %iota3A_19, %rem3A_52 : vector<256x128xi32>
    %ne3A_54 = arith.constant 0 : i32
    %ne3A_55 = vector.broadcast %ne3A_54 : i32 to vector<256x128xi32>
    %ne3A_56 = arith.cmpi ne, %rem3A_53, %ne3A_55 : vector<256x128xi32>
    %lt3A = arith.constant 0 : i32
    %lt3A_57 = vector.broadcast %lt3A : i32 to vector<256x128xi32>
    %lt3A_58 = arith.cmpi slt, %rem3A_53, %lt3A_57 : vector<256x128xi32>
    %lt3A_59 = arith.constant 0 : i32
    %lt3A_60 = arith.cmpi slt, %select_n3A_51, %lt3A_59 : i32
    %ne3A_61 = vector.broadcast %lt3A_60 : i1 to vector<256x128xi1>
    %ne3A_62 = vector.broadcast %ne3A_61 : vector<256x128xi1> to vector<256x128xi1>
    %ne3A_63 = arith.xori %lt3A_58, %ne3A_62 : vector<256x128xi1>
    %and3A_64 = arith.andi %ne3A_63, %ne3A_56 : vector<256x128xi1>
    %add3A = vector.broadcast %select_n3A_51 : i32 to vector<256x128xi32>
    %add3A_65 = arith.addi %rem3A_53, %add3A : vector<256x128xi32>
    %select_n3A_66 = arith.select %and3A_64, %add3A_65, %rem3A_53 : vector<256x128xi1>, vector<256x128xi32>
    %add3A_67 = arith.addi %mul3A_47, %select_n3A_66 : vector<256x128xi32>
    %eq3A_68 = arith.cmpi eq, %iota3A, %add3A_67 : vector<256x128xi32>
    %jit3A_69 = arith.constant 1.000000e+00 : f32
    %jit3A_70 = arith.constant 0.000000e+00 : f32
    %broadcast_in_dim3A = vector.broadcast %jit3A_69 : f32 to vector<256x128xf32>
    %broadcast_in_dim3A_71 = vector.broadcast %jit3A_70 : f32 to vector<256x128xf32>
    %select_n3A_72 = arith.select %eq3A_68, %broadcast_in_dim3A, %broadcast_in_dim3A_71 : vector<256x128xi1>, vector<256x128xf32>
    %jit3A_73 = arith.constant 16 : i32
    %div3A_74 = vector.broadcast %jit3A_73 : i32 to vector<256x128xi32>
    %div3A_75 = arith.divsi %iota3A_19, %div3A_74 : vector<256x128xi32>
    %sign3A_76 = arith.constant 0 : i32
    %sign3A_77 = vector.broadcast %sign3A_76 : i32 to vector<256x128xi32>
    %sign3A_78 = arith.cmpi sgt, %iota3A_19, %sign3A_77 : vector<256x128xi32>
    %sign3A_79 = arith.extui %sign3A_78 : vector<256x128xi1> to vector<256x128xi32>
    %sign3A_80 = arith.constant 0 : i32
    %sign3A_81 = vector.broadcast %sign3A_80 : i32 to vector<256x128xi32>
    %sign3A_82 = arith.cmpi slt, %iota3A_19, %sign3A_81 : vector<256x128xi32>
    %sign3A_83 = arith.extui %sign3A_82 : vector<256x128xi1> to vector<256x128xi32>
    %sign3A_84 = arith.subi %sign3A_79, %sign3A_83 : vector<256x128xi32>
    %sign3A_85 = arith.constant 0 : i32
    %sign3A_86 = arith.cmpi sgt, %jit3A_73, %sign3A_85 : i32
    %sign3A_87 = arith.extui %sign3A_86 : i1 to i32
    %sign3A_88 = arith.constant 0 : i32
    %sign3A_89 = arith.cmpi slt, %jit3A_73, %sign3A_88 : i32
    %sign3A_90 = arith.extui %sign3A_89 : i1 to i32
    %sign3A_91 = arith.subi %sign3A_87, %sign3A_90 : i32
    %ne3A_92 = vector.broadcast %sign3A_91 : i32 to vector<256x128xi32>
    %ne3A_93 = arith.cmpi ne, %sign3A_84, %ne3A_92 : vector<256x128xi32>
    %rem3A_94 = vector.broadcast %jit3A_73 : i32 to vector<256x128xi32>
    %rem3A_95 = arith.remsi %iota3A_19, %rem3A_94 : vector<256x128xi32>
    %ne3A_96 = arith.constant 0 : i32
    %ne3A_97 = vector.broadcast %ne3A_96 : i32 to vector<256x128xi32>
    %ne3A_98 = arith.cmpi ne, %rem3A_95, %ne3A_97 : vector<256x128xi32>
    %and3A_99 = arith.andi %ne3A_93, %ne3A_98 : vector<256x128xi1>
    %sub3A_100 = arith.constant 1 : i32
    %sub3A_101 = vector.broadcast %sub3A_100 : i32 to vector<256x128xi32>
    %sub3A_102 = arith.subi %div3A_75, %sub3A_101 : vector<256x128xi32>
    %select_n3A_103 = arith.select %and3A_99, %sub3A_102, %div3A_75 : vector<256x128xi1>, vector<256x128xi32>
    %mul3A_104 = arith.constant 2 : i32
    %mul3A_105 = vector.broadcast %mul3A_104 : i32 to vector<256x128xi32>
    %mul3A_106 = arith.muli %select_n3A_103, %mul3A_105 : vector<256x128xi32>
    %mul3A_107 = arith.constant 16 : i32
    %mul3A_108 = vector.broadcast %mul3A_107 : i32 to vector<256x128xi32>
    %mul3A_109 = arith.muli %mul3A_106, %mul3A_108 : vector<256x128xi32>
    %add3A_110 = arith.constant 16 : i32
    %add3A_111 = vector.broadcast %add3A_110 : i32 to vector<256x128xi32>
    %add3A_112 = arith.addi %mul3A_109, %add3A_111 : vector<256x128xi32>
    %jit3A_113 = arith.constant 16 : i32
    %eq3A_114 = arith.constant 0 : i32
    %eq3A_115 = arith.cmpi eq, %jit3A_113, %eq3A_114 : i32
    %jit3A_116 = arith.constant 1 : i32
    %select_n3A_117 = arith.select %eq3A_115, %jit3A_116, %jit3A_113 : i32
    %rem3A_118 = vector.broadcast %select_n3A_117 : i32 to vector<256x128xi32>
    %rem3A_119 = arith.remsi %iota3A_19, %rem3A_118 : vector<256x128xi32>
    %ne3A_120 = arith.constant 0 : i32
    %ne3A_121 = vector.broadcast %ne3A_120 : i32 to vector<256x128xi32>
    %ne3A_122 = arith.cmpi ne, %rem3A_119, %ne3A_121 : vector<256x128xi32>
    %lt3A_123 = arith.constant 0 : i32
    %lt3A_124 = vector.broadcast %lt3A_123 : i32 to vector<256x128xi32>
    %lt3A_125 = arith.cmpi slt, %rem3A_119, %lt3A_124 : vector<256x128xi32>
    %lt3A_126 = arith.constant 0 : i32
    %lt3A_127 = arith.cmpi slt, %select_n3A_117, %lt3A_126 : i32
    %ne3A_128 = vector.broadcast %lt3A_127 : i1 to vector<256x128xi1>
    %ne3A_129 = vector.broadcast %ne3A_128 : vector<256x128xi1> to vector<256x128xi1>
    %ne3A_130 = arith.xori %lt3A_125, %ne3A_129 : vector<256x128xi1>
    %and3A_131 = arith.andi %ne3A_130, %ne3A_122 : vector<256x128xi1>
    %add3A_132 = vector.broadcast %select_n3A_117 : i32 to vector<256x128xi32>
    %add3A_133 = arith.addi %rem3A_119, %add3A_132 : vector<256x128xi32>
    %select_n3A_134 = arith.select %and3A_131, %add3A_133, %rem3A_119 : vector<256x128xi1>, vector<256x128xi32>
    %add3A_135 = arith.addi %add3A_112, %select_n3A_134 : vector<256x128xi32>
    %eq3A_136 = arith.cmpi eq, %iota3A, %add3A_135 : vector<256x128xi32>
    %jit3A_137 = arith.constant 1.000000e+00 : f32
    %jit3A_138 = arith.constant 0.000000e+00 : f32
    %broadcast_in_dim3A_139 = vector.broadcast %jit3A_137 : f32 to vector<256x128xf32>
    %broadcast_in_dim3A_140 = vector.broadcast %jit3A_138 : f32 to vector<256x128xf32>
    %select_n3A_141 = arith.select %eq3A_136, %broadcast_in_dim3A_139, %broadcast_in_dim3A_140 : vector<256x128xi1>, vector<256x128xf32>
    %dot_general3A_142 = arith.constant dense<0.000000e+00> : vector<1x128xf32>
    %dot_general3A_143 = tpu.matmul %dot_general3A_18, %select_n3A_72, %dot_general3A_142 {dimension_numbers = #tpu.dot_dimension_numbers<[1], [0], [0], [1], [0, 0, 1, 1], [], []>, transpose_lhs_hint = false} : vector<1x256xf32>, vector<256x128xf32>, vector<1x128xf32> -> vector<1x128xf32>
    %dot_general3A_144 = arith.constant dense<0.000000e+00> : vector<1x128xf32>
    %dot_general3A_145 = tpu.matmul %dot_general3A_18, %select_n3A_141, %dot_general3A_144 {dimension_numbers = #tpu.dot_dimension_numbers<[1], [0], [0], [1], [0, 0, 1, 1], [], []>, transpose_lhs_hint = false} : vector<1x256xf32>, vector<256x128xf32>, vector<1x128xf32> -> vector<1x128xf32>
    %iota3A_146 = tpu.iota {dimensions = array<i32: 0>} : vector<128x8xi32>
    %iota3A_147 = tpu.iota {dimensions = array<i32: 1>} : vector<128x8xi32>
    %jit3A_148 = arith.constant 16 : i32
    %div3A_149 = vector.broadcast %jit3A_148 : i32 to vector<128x8xi32>
    %div3A_150 = arith.divsi %iota3A_146, %div3A_149 : vector<128x8xi32>
    %sign3A_151 = arith.constant 0 : i32
    %sign3A_152 = vector.broadcast %sign3A_151 : i32 to vector<128x8xi32>
    %sign3A_153 = arith.cmpi sgt, %iota3A_146, %sign3A_152 : vector<128x8xi32>
    %sign3A_154 = arith.extui %sign3A_153 : vector<128x8xi1> to vector<128x8xi32>
    %sign3A_155 = arith.constant 0 : i32
    %sign3A_156 = vector.broadcast %sign3A_155 : i32 to vector<128x8xi32>
    %sign3A_157 = arith.cmpi slt, %iota3A_146, %sign3A_156 : vector<128x8xi32>
    %sign3A_158 = arith.extui %sign3A_157 : vector<128x8xi1> to vector<128x8xi32>
    %sign3A_159 = arith.subi %sign3A_154, %sign3A_158 : vector<128x8xi32>
    %sign3A_160 = arith.constant 0 : i32
    %sign3A_161 = arith.cmpi sgt, %jit3A_148, %sign3A_160 : i32
    %sign3A_162 = arith.extui %sign3A_161 : i1 to i32
    %sign3A_163 = arith.constant 0 : i32
    %sign3A_164 = arith.cmpi slt, %jit3A_148, %sign3A_163 : i32
    %sign3A_165 = arith.extui %sign3A_164 : i1 to i32
    %sign3A_166 = arith.subi %sign3A_162, %sign3A_165 : i32
    %ne3A_167 = vector.broadcast %sign3A_166 : i32 to vector<128x8xi32>
    %ne3A_168 = arith.cmpi ne, %sign3A_159, %ne3A_167 : vector<128x8xi32>
    %rem3A_169 = vector.broadcast %jit3A_148 : i32 to vector<128x8xi32>
    %rem3A_170 = arith.remsi %iota3A_146, %rem3A_169 : vector<128x8xi32>
    %ne3A_171 = arith.constant 0 : i32
    %ne3A_172 = vector.broadcast %ne3A_171 : i32 to vector<128x8xi32>
    %ne3A_173 = arith.cmpi ne, %rem3A_170, %ne3A_172 : vector<128x8xi32>
    %and3A_174 = arith.andi %ne3A_168, %ne3A_173 : vector<128x8xi1>
    %sub3A_175 = arith.constant 1 : i32
    %sub3A_176 = vector.broadcast %sub3A_175 : i32 to vector<128x8xi32>
    %sub3A_177 = arith.subi %div3A_150, %sub3A_176 : vector<128x8xi32>
    %select_n3A_178 = arith.select %and3A_174, %sub3A_177, %div3A_150 : vector<128x8xi1>, vector<128x8xi32>
    %eq3A_179 = arith.cmpi eq, %select_n3A_178, %iota3A_147 : vector<128x8xi32>
    %jit3A_180 = arith.constant 1.000000e+00 : f32
    %jit3A_181 = arith.constant 0.000000e+00 : f32
    %broadcast_in_dim3A_182 = vector.broadcast %jit3A_180 : f32 to vector<128x8xf32>
    %broadcast_in_dim3A_183 = vector.broadcast %jit3A_181 : f32 to vector<128x8xf32>
    %select_n3A_184 = arith.select %eq3A_179, %broadcast_in_dim3A_182, %broadcast_in_dim3A_183 : vector<128x8xi1>, vector<128x8xf32>
    %mul3A_185 = vector.broadcast %dot_general3A_143 : vector<1x128xf32> to vector<512x128xf32>
    %mul3A_186 = arith.mulf %dot_general3A_5, %mul3A_185 : vector<512x128xf32>
    %dot_general3A_187 = arith.constant dense<0.000000e+00> : vector<512x8xf32>
    %dot_general3A_188 = tpu.matmul %mul3A_186, %select_n3A_184, %dot_general3A_187 {dimension_numbers = #tpu.dot_dimension_numbers<[1], [0], [0], [1], [0, 0, 1, 1], [], []>, transpose_lhs_hint = false} : vector<512x128xf32>, vector<128x8xf32>, vector<512x8xf32> -> vector<512x8xf32>
    %mul3A_189 = vector.broadcast %dot_general3A_145 : vector<1x128xf32> to vector<512x128xf32>
    %mul3A_190 = arith.mulf %dot_general3A_10, %mul3A_189 : vector<512x128xf32>
    %dot_general3A_191 = arith.constant dense<0.000000e+00> : vector<512x8xf32>
    %dot_general3A_192 = tpu.matmul %mul3A_190, %select_n3A_184, %dot_general3A_191 {dimension_numbers = #tpu.dot_dimension_numbers<[1], [0], [0], [1], [0, 0, 1, 1], [], []>, transpose_lhs_hint = false} : vector<512x128xf32>, vector<128x8xf32>, vector<512x8xf32> -> vector<512x8xf32>
    %swap3A = arith.constant 0 : index
    %swap3A_193 = arith.constant 0 : index
    %swap3A_194 = vector.load %arg6[%swap3A, %swap3A_193] : memref<512x128xf32, #tpu.memory_space<vmem>>, vector<512x128xf32>
    tpu.vector_store %arg6[%swap3A, %swap3A_193], %dot_general3A_5 {strides = array<i32>} : memref<512x128xf32, #tpu.memory_space<vmem>>, vector<512x128xf32>,
    %swap3A_195 = arith.constant 0 : index
    %swap3A_196 = arith.constant 0 : index
    %swap3A_197 = vector.load %arg7[%swap3A_195, %swap3A_196] : memref<512x8xf32, #tpu.memory_space<vmem>>, vector<512x8xf32>
    tpu.vector_store %arg7[%swap3A_195, %swap3A_196], %dot_general3A_188 {strides = array<i32>} : memref<512x8xf32, #tpu.memory_space<vmem>>, vector<512x8xf32>,
    %swap3A_198 = arith.constant 0 : index
    %swap3A_199 = arith.constant 0 : index
    %swap3A_200 = vector.load %arg8[%swap3A_198, %swap3A_199] : memref<512x8xf32, #tpu.memory_space<vmem>>, vector<512x8xf32>
    tpu.vector_store %arg8[%swap3A_198, %swap3A_199], %dot_general3A_192 {strides = array<i32>} : memref<512x8xf32, #tpu.memory_space<vmem>>, vector<512x8xf32>,
    return
  }
  func.func @transform_0(%arg0: i32) -> (i32, i32) {
    %c0_i32 = arith.constant 0 : i32
    %c0_i32_0 = arith.constant 0 : i32
    return %arg0, %c0_i32 : i32, i32
  }
  func.func @transform_1(%arg0: i32) -> (i32, i32) {
    %c0_i32 = arith.constant 0 : i32
    %c0_i32_0 = arith.constant 0 : i32
    %c0_i32_1 = arith.constant 0 : i32
    return %c0_i32, %c0_i32_0 : i32, i32
  }
  func.func @transform_2(%arg0: i32) -> (i32, i32) {
    %c0_i32 = arith.constant 0 : i32
    %c0_i32_0 = arith.constant 0 : i32
    %c0_i32_1 = arith.constant 0 : i32
    return %c0_i32, %c0_i32_0 : i32, i32
  }
  func.func @transform_3(%arg0: i32) -> (i32, i32) {
    %c0_i32 = arith.constant 0 : i32
    %c0_i32_0 = arith.constant 0 : i32
    %c0_i32_1 = arith.constant 0 : i32
    return %c0_i32, %c0_i32_0 : i32, i32
  }
  func.func @transform_4(%arg0: i32) -> (i32, i32) {
    %c0_i32 = arith.constant 0 : i32
    %c0_i32_0 = arith.constant 0 : i32
    %c0_i32_1 = arith.constant 0 : i32
    return %c0_i32, %c0_i32_0 : i32, i32
  }
  func.func @transform_5(%arg0: i32) -> (i32, i32) {
    %c0_i32 = arith.constant 0 : i32
    %c0_i32_0 = arith.constant 0 : i32
    return %arg0, %c0_i32 : i32, i32
  }
  func.func @transform_6(%arg0: i32) -> (i32, i32) {
    %c0_i32 = arith.constant 0 : i32
    %c0_i32_0 = arith.constant 0 : i32
    return %arg0, %c0_i32 : i32, i32
  }
  func.func @transform_7(%arg0: i32) -> (i32, i32) {
    %c0_i32 = arith.constant 0 : i32
    %c0_i32_0 = arith.constant 0 : i32
    return %arg0, %c0_i32 : i32, i32
  }
}

module attributes {stable_mosaic.version = 14 : i64} {
  func.func @_norm_body(%arg0: i32, %arg1: memref<2x512x128xf32, #tpu.memory_space<vmem>>, %arg2: memref<2x512x8xf32, #tpu.memory_space<vmem>>, %arg3: memref<512x128xf32, #tpu.memory_space<vmem>>) attributes {dimension_semantics = [#tpu.dimension_semantics<arbitrary>], iteration_bounds = array<i64: 20>, scalar_prefetch = 0 : i64, scratch_operands = 0 : i64, tpu.core_type = #tpu.core_type<tc>, window_params = [{transform_indices = @transform_0, window_bounds = array<i64: 2, 512, 128>}, {transform_indices = @transform_1, window_bounds = array<i64: 2, 512, 8>}, {transform_indices = @transform_2, window_bounds = array<i64: 512, 128>}]} {
    %get3A = arith.constant 0 : index
    %get3A_0 = arith.constant 0 : index
    %get3A_1 = arith.constant 0 : index
    %get3A_2 = vector.load %arg1[%get3A, %get3A_0, %get3A_1] : memref<2x512x128xf32, #tpu.memory_space<vmem>>, vector<1x512x128xf32>
    %get3A_3 = vector.shape_cast %get3A_2 : vector<1x512x128xf32> to vector<512x128xf32>
    %get3A_4 = arith.constant 1 : index
    %get3A_5 = arith.constant 0 : index
    %get3A_6 = arith.constant 0 : index
    %get3A_7 = vector.load %arg1[%get3A_4, %get3A_5, %get3A_6] : memref<2x512x128xf32, #tpu.memory_space<vmem>>, vector<1x512x128xf32>
    %get3A_8 = vector.shape_cast %get3A_7 : vector<1x512x128xf32> to vector<512x128xf32>
    %add3A = arith.addf %get3A_3, %get3A_8 : vector<512x128xf32>
    %get3A_9 = arith.constant 0 : index
    %get3A_10 = arith.constant 0 : index
    %get3A_11 = arith.constant 0 : index
    %get3A_12 = vector.load %arg2[%get3A_9, %get3A_10, %get3A_11] : memref<2x512x8xf32, #tpu.memory_space<vmem>>, vector<1x512x8xf32>
    %get3A_13 = vector.shape_cast %get3A_12 : vector<1x512x8xf32> to vector<512x8xf32>
    %get3A_14 = arith.constant 1 : index
    %get3A_15 = arith.constant 0 : index
    %get3A_16 = arith.constant 0 : index
    %get3A_17 = vector.load %arg2[%get3A_14, %get3A_15, %get3A_16] : memref<2x512x8xf32, #tpu.memory_space<vmem>>, vector<1x512x8xf32>
    %get3A_18 = vector.shape_cast %get3A_17 : vector<1x512x8xf32> to vector<512x8xf32>
    %add3A_19 = arith.addf %get3A_13, %get3A_18 : vector<512x8xf32>
    %iota3A = tpu.iota {dimensions = array<i32: 0>} : vector<8x128xi32>
    %iota3A_20 = tpu.iota {dimensions = array<i32: 1>} : vector<8x128xi32>
    %jit3A = arith.constant 16 : i32
    %div3A = vector.broadcast %jit3A : i32 to vector<8x128xi32>
    %div3A_21 = arith.divsi %iota3A_20, %div3A : vector<8x128xi32>
    %sign3A = arith.constant 0 : i32
    %sign3A_22 = vector.broadcast %sign3A : i32 to vector<8x128xi32>
    %sign3A_23 = arith.cmpi sgt, %iota3A_20, %sign3A_22 : vector<8x128xi32>
    %sign3A_24 = arith.extui %sign3A_23 : vector<8x128xi1> to vector<8x128xi32>
    %sign3A_25 = arith.constant 0 : i32
    %sign3A_26 = vector.broadcast %sign3A_25 : i32 to vector<8x128xi32>
    %sign3A_27 = arith.cmpi slt, %iota3A_20, %sign3A_26 : vector<8x128xi32>
    %sign3A_28 = arith.extui %sign3A_27 : vector<8x128xi1> to vector<8x128xi32>
    %sign3A_29 = arith.subi %sign3A_24, %sign3A_28 : vector<8x128xi32>
    %sign3A_30 = arith.constant 0 : i32
    %sign3A_31 = arith.cmpi sgt, %jit3A, %sign3A_30 : i32
    %sign3A_32 = arith.extui %sign3A_31 : i1 to i32
    %sign3A_33 = arith.constant 0 : i32
    %sign3A_34 = arith.cmpi slt, %jit3A, %sign3A_33 : i32
    %sign3A_35 = arith.extui %sign3A_34 : i1 to i32
    %sign3A_36 = arith.subi %sign3A_32, %sign3A_35 : i32
    %ne3A = vector.broadcast %sign3A_36 : i32 to vector<8x128xi32>
    %ne3A_37 = arith.cmpi ne, %sign3A_29, %ne3A : vector<8x128xi32>
    %rem3A = vector.broadcast %jit3A : i32 to vector<8x128xi32>
    %rem3A_38 = arith.remsi %iota3A_20, %rem3A : vector<8x128xi32>
    %ne3A_39 = arith.constant 0 : i32
    %ne3A_40 = vector.broadcast %ne3A_39 : i32 to vector<8x128xi32>
    %ne3A_41 = arith.cmpi ne, %rem3A_38, %ne3A_40 : vector<8x128xi32>
    %and3A = arith.andi %ne3A_37, %ne3A_41 : vector<8x128xi1>
    %sub3A = arith.constant 1 : i32
    %sub3A_42 = vector.broadcast %sub3A : i32 to vector<8x128xi32>
    %sub3A_43 = arith.subi %div3A_21, %sub3A_42 : vector<8x128xi32>
    %select_n3A = arith.select %and3A, %sub3A_43, %div3A_21 : vector<8x128xi1>, vector<8x128xi32>
    %eq3A = arith.cmpi eq, %select_n3A, %iota3A : vector<8x128xi32>
    %jit3A_44 = arith.constant 1.000000e+00 : f32
    %jit3A_45 = arith.constant 0.000000e+00 : f32
    %broadcast_in_dim3A = vector.broadcast %jit3A_44 : f32 to vector<8x128xf32>
    %broadcast_in_dim3A_46 = vector.broadcast %jit3A_45 : f32 to vector<8x128xf32>
    %select_n3A_47 = arith.select %eq3A, %broadcast_in_dim3A, %broadcast_in_dim3A_46 : vector<8x128xi1>, vector<8x128xf32>
    %dot_general3A = arith.constant dense<0.000000e+00> : vector<512x128xf32>
    %dot_general3A_48 = tpu.matmul %add3A_19, %select_n3A_47, %dot_general3A {dimension_numbers = #tpu.dot_dimension_numbers<[1], [0], [0], [1], [0, 0, 1, 1], [], []>, transpose_lhs_hint = false} : vector<512x8xf32>, vector<8x128xf32>, vector<512x128xf32> -> vector<512x128xf32>
    %gt3A = arith.constant 0.000000e+00 : f32
    %gt3A_49 = vector.broadcast %gt3A : f32 to vector<512x128xf32>
    %gt3A_50 = arith.cmpf ogt, %dot_general3A_48, %gt3A_49 : vector<512x128xf32>
    %jit3A_51 = arith.constant 1.000000e+00 : f32
    %broadcast_in_dim3A_52 = vector.broadcast %jit3A_51 : f32 to vector<512x128xf32>
    %select_n3A_53 = arith.select %gt3A_50, %dot_general3A_48, %broadcast_in_dim3A_52 : vector<512x128xi1>, vector<512x128xf32>
    %max3A = arith.constant 0.000000e+00 : f32
    %max3A_54 = vector.broadcast %max3A : f32 to vector<512x128xf32>
    %max3A_55 = arith.maximumf %add3A, %max3A_54 : vector<512x128xf32>
    %div3A_56 = arith.divf %max3A_55, %select_n3A_53 : vector<512x128xf32>
    %swap3A = arith.constant 0 : index
    %swap3A_57 = arith.constant 0 : index
    %swap3A_58 = vector.load %arg3[%swap3A, %swap3A_57] : memref<512x128xf32, #tpu.memory_space<vmem>>, vector<512x128xf32>
    tpu.vector_store %arg3[%swap3A, %swap3A_57], %div3A_56 {strides = array<i32>} : memref<512x128xf32, #tpu.memory_space<vmem>>, vector<512x128xf32>,
    return
  }
  func.func @transform_0(%arg0: i32) -> (i32, i32, i32) {
    %c0_i32 = arith.constant 0 : i32
    %c0_i32_0 = arith.constant 0 : i32
    %c0_i32_1 = arith.constant 0 : i32
    return %c0_i32, %arg0, %c0_i32_0 : i32, i32, i32
  }
  func.func @transform_1(%arg0: i32) -> (i32, i32, i32) {
    %c0_i32 = arith.constant 0 : i32
    %c0_i32_0 = arith.constant 0 : i32
    %c0_i32_1 = arith.constant 0 : i32
    return %c0_i32, %arg0, %c0_i32_0 : i32, i32, i32
  }
  func.func @transform_2(%arg0: i32) -> (i32, i32) {
    %c0_i32 = arith.constant 0 : i32
    %c0_i32_0 = arith.constant 0 : i32
    return %arg0, %c0_i32 : i32, i32
  }
}

</mosaic_0001>

<sc_bundles>
// kernel: kernel.5.cloned.1.call-start
scs
__scs_entry_jumppad:
0x0: {  	(pc) =	sbr.rel $0x88, $3  }
0x1: {  	(tag) =	ssettag $0x0;
	lr =	simm.s32 $0x1  }
0x2: {  	[smem:$0x3F9B] =	sst lr;
	_ =	strace $0xD0000000  }
0x3: {  	_ = 	snop  }
0x4: {  	_ = 	snop  }
0x5: {  	_ = 	snop  }
0x6: {  	_ = 	snop  }
0x7: {  	_ = 	snop  }
__scs_overlays_trampoline_lowered:
0x8: {  	[smem:$0x3FAA] =	sst s0  }
0x9: {  	[smem:$0x3FAB] =	sst s1  }
0xa: {  	[smem:$0x3FAC] =	sst s2  }
0xb: {  	[smem:$0x3FAD] =	sst s3  }
0xc: {  	[smem:$0x3FAE] =	sst s4  }
0xd: {  	[smem:$0x3FAF] =	sst s5  }
0xe: {  	[smem:$0x3FB0] =	sst s6  }
0xf: {  	[smem:$0x3FB1] =	sst s7  }
0x10: {  	[smem:$0x3FB2] =	sst s8  }
0x11: {  	[smem:$0x3FB3] =	sst s9;
	s0 =	simm.s32 @!p0 $0x0  }
0x12: {  	s1 =	sld [smem:$0x3F99];
	s0 =	simm.s32 @p0 $0x1  }
0x13: {  	[smem:$0x3FB4] =	sst s0;
	s0 =	simm.s32 @!p1 $0x0  }
0x14: {  	s2 =	sld [smem:$0x3F98];
	s0 =	simm.s32 @p1 $0x1  }
0x15: {  	[smem:$0x3FB5] =	sst s0;
	s0 =	simm.s32 @!p2 $0x0  }
0x16: {  	s3 =	sld [smem:$0x3FDB];
	s0 =	simm.s32 @p2 $0x1  }
0x17: {  	s4 =	simm.s32 $0x1BF5;
	[smem:$0x3FB7] =	sst s0  }
0x18: {  	s0 =	sld [smem:$0x3F9A];
	_ =	swait.ge [sflag:s4], $0x0  }
0x19: {  	s7 =	sld [smem:$0x3F9B]  }
0x1a: {  	s8 =	sadd.s32 $0xFFFFE003, lr  }
0x1b: {  	s9 =	sadd.s32 $0xFFFFFEF7, lr;
	s5 =	simm.s32 $0xFFFFFFFF;
	p2 =	slt.u32 s8, $0xFFFFF086  }
0x1c: {  	p1 =	slt.u32 s9, $0xF7A;
	s5 =	simm.s32 @!p2 $0x0  }
0x1d: {  	s5 =	simm.s32 @p1 $0x1;
	p0 =	seq.s32 s7, s2  }
0x1e: {  	s7 =	smul.u32 @!p0 $0xF7A, s2;
	p2 =	seq.s32 @!p0 s5, $0x0  }
0x1f: {  	s9 =	smul.u32 $0xF7A, s1;
	s8 =	simm.s32 @!p0 $0x1BF5;
	p2 =	por !p2, p0  }
0x20: {  	[sflag:s8] =	ssyncset.s32 @!p0 $0xFFFFF086;
	s6 =	sadd.s32 @!p0 s3, s7;
	s7 =	simm.s32 @!p0 $0x108  }
0x21: {  	s3 =	sadd.s32 s3, s9;
	s6 =	sadd.s32 @!p0 $0x88, s6;
	s7 =	simm.s32 @p2 $0x1082  }
0x22: {  	[simem:s7], [sflag:s8] =	dma.local @!p0 [hbm:s6], $0xF7A  }
0x23: {  	s9 =	sor.u32 $0xD0000000, s2;
	s6 =	simm.s32 $0x108;
	_ =	swait.ge @!p0 [sflag:s8], $0x0  }
0x24: {  	s3 =	sadd.s32 $0x88, s3;
	s6 =	simm.s32 @!p1 $0x1082;
	[sflag:s4] =	ssyncset.s32 $0xFFFFF086  }
0x25: {  	[simem:s6], [sflag:s4] =	dma.local [hbm:s3], $0xF7A  }
0x26: {  	[smem:$0x3F9B] =	sst s1;
	(tag) =	ssettag s2;
	_ =	strace s9  }
0x27: {  	s1 =	sld [smem:$0x3FAB]  }
0x28: {  	s2 =	sld [smem:$0x3FAC]  }
0x29: {  	s4 =	sld [smem:$0x3FAE]  }
0x2a: {  	p0 =	seq.s32 s5, $0x0;
	s5 =	sld [smem:$0x3FAF]  }
0x2b: {  	s6 =	sld [smem:$0x3FB0]  }
0x2c: {  	s7 =	sld [smem:$0x3FB1]  }
0x2d: {  	s3 =	simm.s32 $0x108;
	s8 =	sld [smem:$0x3FB2]  }
0x2e: {  	s3 =	simm.s32 @!p0 $0x1082;
	s9 =	sld [smem:$0x3FB3]  }
0x2f: {  	lr =	sadd.s32 s0, s3;
	s0 =	sld [smem:$0x3FAA]  }
0x30: {  	s3 =	sld [smem:$0x3FAD]  }
0x31: {  	[smem:$0x3FB6] =	sst s10  }
0x32: {  	s10 =	sld [smem:$0x3FB4];
	_ =	sdelay $0x3  }
0x33: {  	p0 =	seq.s32 s10, $0x1;
	s10 =	sld [smem:$0x3FB6];
	_ =	sdelay $0x3  }
0x34: {  	[smem:$0x3FB6] =	sst s10  }
0x35: {  	s10 =	sld [smem:$0x3FB5];
	_ =	sdelay $0x3  }
0x36: {  	p1 =	seq.s32 s10, $0x1;
	s10 =	sld [smem:$0x3FB6];
	_ =	sdelay $0x3  }
0x37: {  	[smem:$0x3FB6] =	sst s10  }
0x38: {  	s10 =	sld [smem:$0x3FB7]  }
0x39: {  	_ = 	snop;
	(pc) =	sbr.ind lr, $3  }
0x3a: {  	_ = 	snop  }
0x3b: {  	_ = 	snop  }
0x3c: {  	p2 =	seq.s32 s10, $0x1;
	s10 =	sld [smem:$0x3FB6]  }
0x3d: {  	_ =	shalt  }
0x3e: {  	_ =	shalt  }
0x3f: {  	_ =	shalt  }
0x40: {  	_ =	shalt  }
0x41: {  	_ =	shalt  }
0x42: {  	_ =	shalt  }
0x43: {  	_ =	shalt  }
0x44: {  	_ =	shalt  }
0x45: {  	_ =	shalt  }
0x46: {  	_ =	shalt  }
0x47: {  	_ =	shalt  }
0x48: {  	_ =	shalt  }
0x49: {  	_ =	shalt  }
0x4a: {  	_ =	shalt  }
0x4b: {  	_ =	shalt  }
0x4c: {  	_ =	shalt  }
0x4d: {  	_ =	shalt  }
0x4e: {  	_ =	shalt  }
0x4f: {  	_ =	shalt  }
0x50: {  	_ =	shalt  }
0x51: {  	_ =	shalt  }
0x52: {  	_ =	shalt  }
0x53: {  	_ =	shalt  }
0x54: {  	_ =	shalt  }
0x55: {  	_ =	shalt  }
0x56: {  	_ =	shalt  }
0x57: {  	_ =	shalt  }
0x58: {  	_ =	shalt  }
0x59: {  	_ =	shalt  }
0x5a: {  	_ =	shalt  }
0x5b: {  	_ =	shalt  }
0x5c: {  	_ =	shalt  }
0x5d: {  	_ =	shalt  }
0x5e: {  	_ =	shalt  }
0x5f: {  	_ =	shalt  }
0x60: {  	_ =	shalt  }
0x61: {  	_ =	shalt  }
0x62: {  	_ =	shalt  }
0x63: {  	_ =	shalt  }
0x64: {  	_ =	shalt  }
0x65: {  	_ =	shalt  }
0x66: {  	_ =	shalt  }
0x67: {  	_ =	shalt  }
0x68: {  	_ =	shalt  }
0x69: {  	_ =	shalt  }
0x6a: {  	_ =	shalt  }
0x6b: {  	_ =	shalt  }
0x6c: {  	_ =	shalt  }
0x6d: {  	_ =	shalt  }
0x6e: {  	_ =	shalt  }
0x6f: {  	_ =	shalt  }
0x70: {  	_ =	shalt  }
0x71: {  	_ =	shalt  }
0x72: {  	_ =	shalt  }
0x73: {  	_ =	shalt  }
0x74: {  	_ =	shalt  }
0x75: {  	_ =	shalt  }
0x76: {  	_ =	shalt  }
0x77: {  	_ =	shalt  }
0x78: {  	_ =	shalt  }
0x79: {  	_ =	shalt  }
0x7a: {  	_ =	shalt  }
0x7b: {  	_ =	shalt  }
0x7c: {  	_ =	shalt  }
0x7d: {  	_ =	shalt  }
0x7e: {  	_ =	shalt  }
0x7f: {  	_ =	shalt  }
0x80: {  	_ =	shalt  }
0x81: {  	_ =	shalt  }
0x82: {  	_ =	shalt  }
0x83: {  	_ =	shalt  }
0x84: {  	_ =	shalt  }
0x85: {  	_ =	shalt  }
0x86: {  	_ =	shalt  }
0x87: {  	_ =	shalt  }
.Lfunc_end0:
.L_simem_size_0:
called_computation_lowered:
.L_overlay_start_0:
0x88: {  	s2 =	sld [smem:$0x3FD9]  }
0x89: {  	s3 =	sld [smem:$0x3FFE];
	_ =	sdelay $0x1  }
0x8a: {  	s1 =	srdreg.scid  }
0x8b: {  	s0 =	sand.u32 $0x1, s1  }
0x8c: {  	s17 =	sshll.u32 s0, $0xA;
	s2 =	sadd.s32 s3, s2  }
0x8d: {  	s2 =	sadd.s32 s2, s17  }
0x8e: {  	[smem:$0x3FC2] =	sst s2  }
0x8f: {  	_ = 	snop  }
0x90: {  	s2 =	sld [smem:$0x3FD0];
	(tm) =	ssettm $0x1  }
0x91: {  	s18 =	sld [smem:$0x3FFB];
	_ =	sdelay $0x3  }
0x92: {  	_ =	strace s18  }
0x93: {  	s3 =	sld [smem:$0x3FFC];
	_ =	sdelay $0x3  }
0x94: {  	_ =	strace s3  }
0x95: {  	s3 =	sld [smem:$0x3FFD];
	_ =	sdelay $0x3  }
0x96: {  	_ =	strace s3  }
0x97: {  	_ =	strace $0x8FFFFFFF  }
0x98: {  	s19 =	sld [smem:$0x3FDB];
	_ =	sdelay $0x1  }
0x99: {  	s4 =	simm.s32 $_scs_section_size  }
0x9a: {  	s5 =	simm.s32 $_size__tile_overlayer_lowered;
	s6 =	simm.s32 $_tile_overlayer_lowered  }
0x9b: {  	s22 =	simm.s32 $0x1BFF;
	s21 =	sshll.u32 s6, $0x1;
	s3 =	sadd.s32 s4, s19  }
0x9c: {  	s7 =	simm.s32 $0x0;
	s20 =	sshll.u32 s5, $0x1;
	s5 =	sadd.s32 s21, s3  }
0x9d: {  	[timem:s7], [sflag:s22] =	dma.local [hbm:s5], s20  }
0x9e: {  	_ =	swait.ge [sflag:s22], s20  }
0x9f: {  	s4 =	ssub.s32 $0x0, s20;
	[sflag:s22] =	ssyncset.done $0x0  }
0xa0: {  	[sflag:s22] =	ssyncadd.s32 s4;
	_ =	sdelay $0x1  }
0xa1: {  	s23 =	simm.s32 $0x1B8B  }
0xa2: {  	_ =	swait.ge [sflag:s23], $0x1  }
0xa3: {  	[sflag:s23] =	ssyncset.done $0x0  }
0xa4: {  	s25 =	simm.s32 $0x1B8E;
	s24 =	sld [smem:$0x3FFE];
	[sflag:s23] =	ssyncadd.s32 $0xFFFFFFFF  }
0xa5: {  	s26 =	simm.s32 $execute0_lowered;
	[smem:$0x3FD2] =	sst s25  }
0xa6: {  	s5 =	sshll.u32 s26, $0x1;
	_ =	strace $0x80000046;
	[dreg:$0x1] =	wrdreg $0xFFFFFFFF  }
0xa7: {  	s28 =	simm.s32 $_size_execute0_lowered;
	s3 =	sadd.s32 s3, s5;
	[dreg:$0x0] =	wrdreg $0x0  }
0xa8: {  	s5 =	sshll.u32 s28, $0x1;
	[dreg:$0x2] =	wrdreg s3  }
0xa9: {  	[dreg:$0x3] =	wrdreg s5  }
0xaa: {  	[dreg:$0x4] =	wrdreg $0xC0  }
0xab: {  	_ =	task [dreg:s7], $0x5FFFF  }
0xac: {  	[dreg:$0x1] =	wrdreg $0xFFFFFFFF  }
0xad: {  	[dreg:$0x0] =	wrdreg $0x60  }
0xae: {  	[dreg:$0x2] =	wrdreg s2  }
0xaf: {  	[dreg:$0x3] =	wrdreg s24  }
0xb0: {  	[dreg:$0x4] =	wrdreg $0xA1800  }
0xb1: {  	[dreg:$0x5] =	wrdreg $0x8D800  }
0xb2: {  	[dreg:$0x6] =	wrdreg $0x9  }
0xb3: {  	_ =	task.clear_ibuf [dreg:s7], $0x7FFFF;
	_ =	strace $0x90000046  }
0xb4: {  	s29 =	simm.s32 $0x9;
	_ =	strace $0x80000048  }
0xb5: {  	_ =	swait.ge [sflag:s29], $0x1  }
0xb6: {  	[sflag:s29] =	ssyncadd.s32 $0xFFFFFFFF  }
0xb7: {  	_ =	strace $0x90000048  }
0xb8: {  	_ =	sfence  }
0xb9: {  	s30 =	sld [smem:$0x0];
	_ =	sdelay $0x2  }
0xba: {  	s31 =	sshll.u32 s1, $0xD;
	s1 =	sshrl.u32 s1, $0x2  }
0xbb: {  	s3 =	sand.u32 $0x4000, s31;
	s1 =	sadd.s32 s1, s30  }
0xbc: {  	s0 =	sor.u32 s3, s0;
	s1 =	sshll.u32 s1, $0x11  }
0xbd: {  	s0 =	sor.u32 s1, s0  }
0xbe: {  	s0 =	sadd.s32 $0x8F2B, s0  }
0xbf: {  	[sflag:s0] =	ssyncadd.remote.s32 $0x1  }
0xc0: {  	_ =	sfence.sel $0xFFFF  }
0xc1: {  	[dreg:$0x0] =	wrdreg $0xFFFFFFFF;
	(pc) =	sbr.abs _section_cstart, $3  }
0xc2: {  	[dreg:$0x1] =	wrdreg $0xFFFFFFFF  }
0xc3: {  	_ =	task.clear_ibuf [dreg:s7], $0x2FFFF;
	_ =	strace $0x9FFFFFFF  }
0xc4: {  	(tm) =	ssettm $0x7FFFFFFF  }
0xc5: {  	_ =	shalt  }
tec
execute0_lowered:
.L_overlay_start_1:
0x0: {  	(tag) =	ssettag $0x1  }
0x1: {  	s30 =	rddreg [dreg:$0x0]  }
0x2: {  	s0 =	rddreg [dreg:$0x1]  }
0x3: {  	s14 =	rddreg [dreg:$0x2];
	s13 =	stileid.u32  }
0x4: {  	s15 =	rddreg [dreg:$0x3];
	s16 =	simm.s32 $0x0;
	s2 =	smul.u32 $0x14000, s13  }
0x5: {  	s1 =	srdreg.scid;
	s28 =	simm.s32 $0x380;
	s4 =	smul.u32 $0x1400, s13  }
0x6: {  	s29 =	simm.s32 $0x780;
	s31 =	simm.s32 $0x3;
	s10 =	smul.u32 $0x280, s13  }
0x7: {  	[smem:$0x7FF] =	sst s16;
	s1 =	sand.u32 $0x1, s1;
	s13 =	smul.u32 $0x2800, s13  }
0x8: {  	s6 =	sadd.s32 $0x2E000, s0;
	s7 =	sadd.s32 $0x29000, s0;
	s3 =	smul.u32 $0x140000, s1  }
0x9: {  	s8 =	sadd.s32 $0x2B800, s0;
	s9 =	sadd.s32 $0x1000, s0;
	s5 =	smul.u32 $0x14000, s1  }
0xa: {  	_ =	strace $0x80000047;
	s11 =	ssub.s32 $0x2, s1;
	s1 =	smul.u32 $0x28000, s1  }
0xb: {  	s12 =	sshrl.u32 s11, $0x1;
	s22 =	sor.u32 $0x40, s10;
	s17 =	sadd.s32 s4, s15  }
0xc: {  	s24 =	sadd.s32 $0x80, s10;
	s26 =	sadd.s32 $0xC0, s10;
	s20 =	sadd.s32 $0x140, s10  }
0xd: {  	s3 =	sadd.s32 s2, s3;
	s5 =	sadd.s32 s4, s5;
	s1 =	sadd.s32 s13, s1  }
0xe: {  	s13 =	sadd.s32 s2, s14;
	s23 =	sshll.u32 s22, $0x7;
	s2 =	sshll.u32 s22, $0x3  }
0xf: {  	s25 =	sshll.u32 s24, $0x7;
	s21 =	sshll.u32 s20, $0x7;
	s22 =	sadd.s32 $0x180, s10  }
0x10: {  	[dreg:$0x7] =	wrdreg s17;
	s3 =	sshrl.u32 s3, $0x3;
	s5 =	sshrl.u32 s5, $0x3  }
0x11: {  	s4 =	sadd.s32 s23, s14;
	s2 =	sadd.s32 s2, s15;
	[dreg:$0x6] =	wrdreg s13  }
0x12: {  	s23 =	sshll.u32 s22, $0x7;
	s3 =	sadd.s32 s3, s0;
	[dreg:$0x8] =	wrdreg s4  }
0x13: {  	s0 =	sadd.s32 s5, s0;
	s5 =	ssub.s32 s11, s12;
	[dreg:$0x9] =	wrdreg s2  }
0x14: {  	s2 =	sshll.u32 s24, $0x3;
	s4 =	sadd.s32 s25, s14;
	s11 =	sshll.u32 s26, $0x3  }
0x15: {  	s12 =	sadd.s32 $0x100, s10;
	s24 =	sshll.u32 s22, $0x3;
	s25 =	sadd.s32 $0x1C0, s10  }
0x16: {  	[dreg:$0xa] =	wrdreg s4;
	s2 =	sadd.s32 s2, s15;
	s4 =	sshll.u32 s26, $0x7  }
0x17: {  	s18 =	sshll.u32 s12, $0x7;
	s0 =	sadd.s32 $0x38000, s0;
	[dreg:$0xb] =	wrdreg s2  }
0x18: {  	s26 =	sshll.u32 s25, $0x7;
	s2 =	sadd.s32 s4, s14;
	[smem:$0x7FC] =	sst s0  }
0x19: {  	s4 =	sshll.u32 s12, $0x3;
	[dreg:$0xc] =	wrdreg s2;
	s2 =	sadd.s32 s11, s15  }
0x1a: {  	s0 =	simm.s32 $0x100;
	s19 =	sadd.s32 s4, s15;
	[dreg:$0xd] =	wrdreg s2  }
0x1b: {  	s4 =	sadd.s32 s21, s14;
	s11 =	sadd.s32 $0x200, s10;
	[dreg:$0xf] =	wrdreg s19  }
0x1c: {  	s10 =	sadd.s32 $0x240, s10;
	s2 =	sadd.s32 s18, s14;
	[dreg:$0x10] =	wrdreg s4  }
0x1d: {  	s4 =	sshll.u32 s25, $0x3;
	s25 =	sadd.s32 $0x3D000, s3;
	[dreg:$0xe] =	wrdreg s2  }
0x1e: {  	s2 =	sshll.u32 s20, $0x3;
	s4 =	sadd.s32 s4, s15;
	[smem:$0x7FB] =	sst s25  }
0x1f: {  	s12 =	sshll.u32 s11, $0x7;
	s2 =	sadd.s32 s2, s15;
	[dreg:$0x15] =	wrdreg s4  }
0x20: {  	s20 =	sshrl.u32 s1, $0x3;
	s4 =	sadd.s32 s12, s14;
	[dreg:$0x11] =	wrdreg s2  }
0x21: {  	s18 =	sshll.u32 s10, $0x7;
	s21 =	sadd.s32 s30, s20;
	[dreg:$0x16] =	wrdreg s4  }
0x22: {  	s19 =	sshll.u32 s10, $0x3;
	s2 =	sadd.s32 s23, s14;
	[dreg:$0x1a] =	wrdreg s21  }
0x23: {  	s22 =	sor.u32 $0x8, s20;
	s4 =	sadd.s32 s6, s20;
	[dreg:$0x12] =	wrdreg s2  }
0x24: {  	s3 =	simm.s32 $0x4;
	s23 =	sadd.s32 s30, s22;
	[dreg:$0x1b] =	wrdreg s4  }
0x25: {  	s12 =	simm.s32 $0xB80;
	s2 =	sadd.s32 s24, s15;
	[dreg:$0x1c] =	wrdreg s23  }
0x26: {  	s20 =	simm.s32 $0x7;
	s24 =	sor.u32 $0x80, s1;
	[dreg:$0x13] =	wrdreg s2  }
0x27: {  	s1 =	sor.u32 $0xC0, s1;
	s23 =	simm.s32 $0x180;
	[dreg:$0x1e] =	wrdreg s24  }
0x28: {  	s2 =	sadd.s32 s26, s14;
	[dreg:$0x1f] =	wrdreg s1;
	s26 =	smax.u32 s5, $0x1  }
0x29: {  	s24 =	simm.s32 $0x580;
	[dreg:$0x14] =	wrdreg s2;
	s2 =	sshll.u32 s11, $0x3  }
.Ltmp0:
0x2a: {  	[smem:$0x7FD] =	sst s26;
	s2 =	sadd.s32 s2, s15;
	(pc) =	sbr.rel .LBB2_1-.Ltmp0, $4  }
0x2b: {  	s26 =	simm.s32 $0x2;
	[dreg:$0x17] =	wrdreg s2;
	s2 =	sadd.s32 s18, s14  }
0x2c: {  	v0 =	vimm.f32 $0.0e+00;
	s14 =	smov.u32 s15;
	[dreg:$0x18] =	wrdreg s2;
	s2 =	sadd.s32 s19, s15  }
0x2d: {  	v1 =	vlaneseq.u32;
	vm0 =	vcmask $0x3F24;
	vm1 =	vcmask $0x1F04;
	s18 =	simm.s32 $0x980;
	[dreg:$0x19] =	wrdreg s2;
	s2 =	sadd.s32 s6, s22  }
0x2e: {  	v2 =	vimm.s32 $0x0;
	vm0 =	vmor vm1, vm0;
	v3 =	vand.u32 $0x7, v1;
	s15 =	simm.s32 $0x140;
	s22 =	simm.s32 $0x40;
	[dreg:$0x1d] =	wrdreg s2  }
.LBB2_31:
0x2f: {  	s1 =	simm.s32 $0x5  }
0x30: {  	_ =	swait.ge [sflag:s1], $0x2000  }
0x31: {  	[sflag:s1] =	ssyncset.done $0x0  }
0x32: {  	[sflag:s1] =	ssyncadd.s32 $0xFFFFE000  }
0x33: {  	_ =	swait.ge [sflag:s1], $0x200  }
0x34: {  	[sflag:s1] =	ssyncset.done $0x0  }
0x35: {  	s16 =	simm.s32 $0x6;
	[sflag:s1] =	ssyncadd.s32 $0xFFFFFE00  }
0x36: {  	_ =	swait.ge [sflag:s16], $0x2000  }
0x37: {  	[sflag:s16] =	ssyncset.done $0x0  }
0x38: {  	[sflag:s16] =	ssyncadd.s32 $0xFFFFE000  }
0x39: {  	_ =	swait.ge [sflag:s16], $0x200  }
0x3a: {  	[sflag:s16] =	ssyncset.done $0x0  }
0x3b: {  	[sflag:s16] =	ssyncadd.s32 $0xFFFFFE00  }
0x3c: {  	[bflag:$0x0] =	sbarrier.arrive $0xFFFF  }
0x3d: {  	s17 =	stileid.u32;
	s4 =	sld [smem:$0x7FB]  }
0x3e: {  	s1 =	sshll.u32 s17, $0x6;
	s13 =	rddreg [dreg:$0x6]  }
0x3f: {  	s1 =	sor.u32 $0x1C07, s1;
	s2 =	sshrl.u32 s13, $0x3  }
0x40: {  	[hbm:s4], [sflag:s1] =	dma.local [spmem:s2], $0x2800  }
0x41: {  	_ =	swait.ge [sflag:s20], $0x2800  }
0x42: {  	s21 =	sld [smem:$0x7FC]  }
0x43: {  	[sflag:s20] =	ssyncset.done $0x0;
	s17 =	rddreg [dreg:$0x7]  }
0x44: {  	[sflag:s20] =	ssyncadd.s32 $0xFFFFD800;
	s19 =	sshrl.u32 s17, $0x3  }
0x45: {  	[hbm:s21], [sflag:s1] =	dma.local [spmem:s19], $0x280  }
0x46: {  	_ =	swait.ge [sflag:s20], $0x280  }
0x47: {  	s25 =	sld [smem:$0x7FD]  }
0x48: {  	s16 =	rddreg [dreg:$0x5]  }
0x49: {  	s16 =	sadd.s32 $0x1, s16  }
0x4a: {  	p0 =	sne.s32 s16, s25  }
.Ltmp1:
0x4b: {  	_ = 	snop;
	(pc) =	sbr.rel @!p0 .LBB2_32-.Ltmp1, $3  }
0x4c: {  	_ =	sdelay $0x1  }
0x4d: {  	[sflag:s20] =	ssyncset.done $0x0  }
0x4e: {  	[sflag:s20] =	ssyncadd.s32 $0xFFFFFD80  }
.LBB2_1:
0x4f: {  	s1 =	simm.s32 $0x0;
	s2 =	simm.s32 $0x200  }
.LBB2_2:
0x50: {  	p0 =	sne.s32 s2, $0x7E00;
	[tilespmem:s1+$0x4DF0] =	vst v0  }
0x51: {  	[tilespmem:s1+$0x4D80] =	vst v0  }
0x52: {  	[tilespmem:s1+$0x4D90] =	vst v0  }
.Ltmp2:
0x53: {  	[tilespmem:s1+$0x4DA0] =	vst v0;
	(pc) =	sbr.rel @p0 .LBB2_2-.Ltmp2, $4  }
0x54: {  	[tilespmem:s1+$0x4DB0] =	vst v0  }
0x55: {  	[tilespmem:s1+$0x4DC0] =	vst v0  }
0x56: {  	[tilespmem:s1+$0x4DD0] =	vst v0  }
0x57: {  	[tilespmem:s1+$0x4DE0] =	vst v0;
	s1 =	sshra.s32 s2, $0x2;
	s2 =	sadd.s32 $0x200, s2  }
0x58: {  	s2 =	simm.s32 $0x0  }
0x59: {  	v4 =	vmov s2  }
0x5a: {  	vm1 =	veq.s32 v4, v1  }
0x5b: {  	vm1 =	vmand vm1, vm0  }
0x5c: {  	v4 =	vsel vm1, $0xFFFFFFFF, v2  }
0x5d: {  	[tilespmem:s1+$0x4DF0] =	vst v0;
	v4 =	vshll.u32 v4, $0x3  }
0x5e: {  	[tilespmem:s1+$0x4D80] =	vst v0;
	s4 =	simm.s32 $0x10;
	v4 =	vadd.s32 s2, v4  }
0x5f: {  	[tilespmem:s1+$0x4D90] =	vst v0;
	v5 =	vmov s4;
	v4 =	vadd.s32 v1, v4  }
0x60: {  	[tilespmem:s1+$0x4DA0] =	vst v0;
	vm1 =	veq.s32 v5, v1;
	v4 =	vand.u32 $0xFFFFFFF8, v4  }
0x61: {  	[tilespmem:s1+$0x4DB0] =	vst v0;
	vm1 =	vmand vm1, vm0;
	v4 =	vor.u32 v3, v4  }
0x62: {  	[tilespmem:s1+$0x4DC0] =	vst v0;
	v5 =	vsel vm1, $0xFFFFFFFF, v2  }
0x63: {  	[tilespmem:s1+$0x4DD0] =	vst v0;
	v5 =	vshll.u32 v5, $0x3  }
0x64: {  	[dreg:$0x5] =	wrdreg s16;
	[tilespmem:s1+$0x4DE0] =	vst v0;
	s1 =	simm.s32 $0x20;
	v5 =	vadd.s32 s4, v5  }
.LBB2_4:
0x65: {  	v6 =	vmov s1;
	p0 =	sne.s32 s1, $0x1F0;
	v5 =	vadd.s32 v1, v5;
	s2 =	smov.u32 s1;
	s1 =	sadd.s32 $0x10, s1  }
.Ltmp3:
0x66: {  	vm1 =	veq.s32 v6, v1;
	v5 =	vand.u32 $0xFFFFFFF8, v5;
	[tilespmem:v4+s18+$0x0] =	vst.idx.msk $0xffff, v0;
	(pc) =	sbr.rel @p0 .LBB2_4-.Ltmp3, $4  }
0x67: {  	vm1 =	vmand vm1, vm0;
	v4 =	vor.u32 v3, v5  }
0x68: {  	v5 =	vsel vm1, $0xFFFFFFFF, v2  }
0x69: {  	v5 =	vshll.u32 v5, $0x3  }
0x6a: {  	v5 =	vadd.s32 s2, v5  }
0x6b: {  	v5 =	vadd.s32 v1, v5  }
0x6c: {  	v5 =	vand.u32 $0xFFFFFFF8, v5  }
0x6d: {  	v5 =	vor.u32 v3, v5;
	_ =	sdelay $0x3  }
0x6e: {  	[tilespmem:v4+s18+$0x0] =	vst.idx.msk $0xffff, v0  }
0x6f: {  	s2 =	simm.s32 $0x4D80;
	[tilespmem:v5+s18+$0x0] =	vst.idx.msk $0xffff, v0  }
0x70: {  	[spmem:s13] =	stream.linear.scatter [tilespmem:s2], [sflag:$0x7], $0x2000, $0x38;
	[tilespmem:$0x1E180] =	vst v63  }
0x71: {  	_ =	swait.ge [sflag:s20], $0x2000  }
0x72: {  	[sflag:s20] =	ssyncset.done $0x0  }
0x73: {  	[sflag:s20] =	ssyncadd.s32 $0xFFFFE000  }
0x74: {  	[spmem:s17] =	stream.linear.scatter [tilespmem:s18], [sflag:$0x7], $0x200, $0x38;
	[tilespmem:$0x1E180] =	vst v63  }
0x75: {  	_ =	swait.ge [sflag:s20], $0x200  }
0x76: {  	[sflag:s20] =	ssyncset.done $0x0  }
0x77: {  	s1 =	rddreg [dreg:$0x8];
	[sflag:s20] =	ssyncadd.s32 $0xFFFFFE00  }
0x78: {  	[spmem:s1] =	stream.linear.scatter [tilespmem:s2], [sflag:$0x7], $0x2000, $0x38;
	[tilespmem:$0x1E180] =	vst v63  }
0x79: {  	_ =	swait.ge [sflag:s20], $0x2000  }
0x7a: {  	[sflag:s20] =	ssyncset.done $0x0  }
0x7b: {  	s13 =	rddreg [dreg:$0x9];
	[sflag:s20] =	ssyncadd.s32 $0xFFFFE000  }
0x7c: {  	[spmem:s13] =	stream.linear.scatter [tilespmem:s18], [sflag:$0x7], $0x200, $0x38;
	[tilespmem:$0x1E180] =	vst v63  }
0x7d: {  	_ =	swait.ge [sflag:s20], $0x200  }
0x7e: {  	[sflag:s20] =	ssyncset.done $0x0  }
0x7f: {  	s16 =	rddreg [dreg:$0xa];
	[sflag:s20] =	ssyncadd.s32 $0xFFFFFE00  }
0x80: {  	[spmem:s16] =	stream.linear.scatter [tilespmem:s2], [sflag:$0x7], $0x2000, $0x38;
	[tilespmem:$0x1E180] =	vst v63  }
0x81: {  	_ =	swait.ge [sflag:s20], $0x2000  }
0x82: {  	[sflag:s20] =	ssyncset.done $0x0  }
0x83: {  	s17 =	rddreg [dreg:$0xb];
	[sflag:s20] =	ssyncadd.s32 $0xFFFFE000  }
0x84: {  	[spmem:s17] =	stream.linear.scatter [tilespmem:s18], [sflag:$0x7], $0x200, $0x38;
	[tilespmem:$0x1E180] =	vst v63  }
0x85: {  	_ =	swait.ge [sflag:s20], $0x200  }
0x86: {  	[sflag:s20] =	ssyncset.done $0x0  }
0x87: {  	s19 =	rddreg [dreg:$0xc];
	[sflag:s20] =	ssyncadd.s32 $0xFFFFFE00  }
0x88: {  	[spmem:s19] =	stream.linear.scatter [tilespmem:s2], [sflag:$0x7], $0x2000, $0x38;
	[tilespmem:$0x1E180] =	vst v63  }
0x89: {  	_ =	swait.ge [sflag:s20], $0x2000  }
0x8a: {  	[sflag:s20] =	ssyncset.done $0x0  }
0x8b: {  	s21 =	rddreg [dreg:$0xd];
	[sflag:s20] =	ssyncadd.s32 $0xFFFFE000  }
0x8c: {  	[spmem:s21] =	stream.linear.scatter [tilespmem:s18], [sflag:$0x7], $0x200, $0x38;
	[tilespmem:$0x1E180] =	vst v63  }
0x8d: {  	_ =	swait.ge [sflag:s20], $0x200  }
0x8e: {  	[sflag:s20] =	ssyncset.done $0x0  }
0x8f: {  	s25 =	rddreg [dreg:$0xe];
	[sflag:s20] =	ssyncadd.s32 $0xFFFFFE00  }
0x90: {  	[spmem:s25] =	stream.linear.scatter [tilespmem:s2], [sflag:$0x7], $0x2000, $0x38;
	[tilespmem:$0x1E180] =	vst v63  }
0x91: {  	_ =	swait.ge [sflag:s20], $0x2000  }
0x92: {  	[sflag:s20] =	ssyncset.done $0x0  }
0x93: {  	s4 =	rddreg [dreg:$0xf];
	[sflag:s20] =	ssyncadd.s32 $0xFFFFE000  }
0x94: {  	[spmem:s4] =	stream.linear.scatter [tilespmem:s18], [sflag:$0x7], $0x200, $0x38;
	[tilespmem:$0x1E180] =	vst v63  }
0x95: {  	_ =	swait.ge [sflag:s20], $0x200  }
0x96: {  	[sflag:s20] =	ssyncset.done $0x0  }
0x97: {  	s5 =	rddreg [dreg:$0x10];
	[sflag:s20] =	ssyncadd.s32 $0xFFFFFE00  }
0x98: {  	[spmem:s5] =	stream.linear.scatter [tilespmem:s2], [sflag:$0x7], $0x2000, $0x38;
	[tilespmem:$0x1E180] =	vst v63  }
0x99: {  	_ =	swait.ge [sflag:s20], $0x2000  }
0x9a: {  	[sflag:s20] =	ssyncset.done $0x0  }
0x9b: {  	s10 =	rddreg [dreg:$0x11];
	[sflag:s20] =	ssyncadd.s32 $0xFFFFE000  }
0x9c: {  	[spmem:s10] =	stream.linear.scatter [tilespmem:s18], [sflag:$0x7], $0x200, $0x38;
	[tilespmem:$0x1E180] =	vst v63  }
0x9d: {  	_ =	swait.ge [sflag:s20], $0x200  }
0x9e: {  	[sflag:s20] =	ssyncset.done $0x0  }
0x9f: {  	s11 =	rddreg [dreg:$0x12];
	[sflag:s20] =	ssyncadd.s32 $0xFFFFFE00  }
0xa0: {  	[spmem:s11] =	stream.linear.scatter [tilespmem:s2], [sflag:$0x7], $0x2000, $0x38;
	[tilespmem:$0x1E180] =	vst v63  }
0xa1: {  	_ =	swait.ge [sflag:s20], $0x2000  }
0xa2: {  	[sflag:s20] =	ssyncset.done $0x0  }
0xa3: {  	s13 =	rddreg [dreg:$0x13];
	[sflag:s20] =	ssyncadd.s32 $0xFFFFE000  }
0xa4: {  	[spmem:s13] =	stream.linear.scatter [tilespmem:s18], [sflag:$0x7], $0x200, $0x38;
	[tilespmem:$0x1E180] =	vst v63  }
0xa5: {  	_ =	swait.ge [sflag:s20], $0x200  }
0xa6: {  	[sflag:s20] =	ssyncset.done $0x0  }
0xa7: {  	s16 =	rddreg [dreg:$0x14];
	[sflag:s20] =	ssyncadd.s32 $0xFFFFFE00  }
0xa8: {  	[spmem:s16] =	stream.linear.scatter [tilespmem:s2], [sflag:$0x7], $0x2000, $0x38;
	[tilespmem:$0x1E180] =	vst v63  }
0xa9: {  	_ =	swait.ge [sflag:s20], $0x2000  }
0xaa: {  	[sflag:s20] =	ssyncset.done $0x0  }
0xab: {  	s17 =	rddreg [dreg:$0x15];
	[sflag:s20] =	ssyncadd.s32 $0xFFFFE000  }
0xac: {  	[spmem:s17] =	stream.linear.scatter [tilespmem:s18], [sflag:$0x7], $0x200, $0x38;
	[tilespmem:$0x1E180] =	vst v63  }
0xad: {  	_ =	swait.ge [sflag:s20], $0x200  }
0xae: {  	[sflag:s20] =	ssyncset.done $0x0  }
0xaf: {  	s19 =	rddreg [dreg:$0x16];
	[sflag:s20] =	ssyncadd.s32 $0xFFFFFE00  }
0xb0: {  	[spmem:s19] =	stream.linear.scatter [tilespmem:s2], [sflag:$0x7], $0x2000, $0x38;
	[tilespmem:$0x1E180] =	vst v63  }
0xb1: {  	_ =	swait.ge [sflag:s20], $0x2000  }
0xb2: {  	[sflag:s20] =	ssyncset.done $0x0  }
0xb3: {  	s21 =	rddreg [dreg:$0x17];
	[sflag:s20] =	ssyncadd.s32 $0xFFFFE000  }
0xb4: {  	[spmem:s21] =	stream.linear.scatter [tilespmem:s18], [sflag:$0x7], $0x200, $0x38;
	[tilespmem:$0x1E180] =	vst v63  }
0xb5: {  	_ =	swait.ge [sflag:s20], $0x200  }
0xb6: {  	[sflag:s20] =	ssyncset.done $0x0  }
0xb7: {  	s25 =	rddreg [dreg:$0x18];
	[sflag:s20] =	ssyncadd.s32 $0xFFFFFE00  }
0xb8: {  	[spmem:s25] =	stream.linear.scatter [tilespmem:s2], [sflag:$0x7], $0x2000, $0x38;
	[tilespmem:$0x1E180] =	vst v63  }
0xb9: {  	_ =	swait.ge [sflag:s20], $0x2000  }
0xba: {  	[sflag:s20] =	ssyncset.done $0x0  }
0xbb: {  	s4 =	rddreg [dreg:$0x19];
	[sflag:s20] =	ssyncadd.s32 $0xFFFFE000  }
0xbc: {  	[spmem:s4] =	stream.linear.scatter [tilespmem:s18], [sflag:$0x7], $0x200, $0x38;
	[tilespmem:$0x1E180] =	vst v63  }
0xbd: {  	_ =	swait.ge [sflag:s20], $0x200  }
0xbe: {  	[sflag:s20] =	ssyncset.done $0x0  }
0xbf: {  	[sflag:s20] =	ssyncadd.s32 $0xFFFFFE00  }
0xc0: {  	[bflag:$0x0] =	sbarrier.arrive $0xFFFF  }
0xc1: {  	s11 =	simm.s32 $0x0;
	s5 =	rddreg [dreg:$0x1a]  }
0xc2: {  	[tilespmem:s11], [sflag:$0x1] =	stream.linear.gather [hbm4b:s5+s11], $0x40, $0x38;
	[tilespmem:$0x1E180] =	vst v63  }
0xc3: {  	s13 =	simm.s32 $0x80;
	s16 =	simm.s32 $0x1;
	s10 =	rddreg [dreg:$0x1b]  }
0xc4: {  	[tilespmem:s13], [sflag:$0x1] =	stream.linear.gather [hbm4b:s10+s11], $0x40, $0x38;
	[tilespmem:$0x1E180] =	vst v63  }
0xc5: {  	_ =	swait.ge [sflag:s16], $0x40  }
0xc6: {  	[sflag:s16] =	ssyncset.done $0x0  }
0xc7: {  	[sflag:s16] =	ssyncadd.s32 $0xFFFFFFC0  }
0xc8: {  	_ =	swait.ge [sflag:s16], $0x40  }
0xc9: {  	[sflag:s16] =	ssyncset.done $0x0  }
0xca: {  	[sflag:s16] =	ssyncadd.s32 $0xFFFFFFC0  }
0xcb: {  	[tilespmem:s23], [sflag:$0x3] =	stream.indirect.gather [hbm4b:s7+s22], $0x8, s11, s22, $0xb8;
	[tilespmem:$0x1E180] =	vst v63  }
0xcc: {  	_ = 	snop  }
0xcd: {  	[tilespmem:s24], [sflag:$0x3] =	stream.indirect.gather [hbm4b:s8+s22], $0x8, s13, s22, $0xb8;
	[tilespmem:$0x1E180] =	vst v63  }
0xce: {  	s17 =	simm.s32 $0xD80  }
0xcf: {  	[tilespmem:s17], [sflag:$0x3] =	stream.indirect.gather [hbm4b:s9+s22], $0x80, s11, s22, $0xb8;
	[tilespmem:$0x1E180] =	vst v63  }
0xd0: {  	s19 =	rddreg [dreg:$0x1c]  }
0xd1: {  	[tilespmem:s22], [sflag:$0x2] =	stream.linear.gather [hbm4b:s19+s11], $0x40, $0x38;
	[tilespmem:$0x1E180] =	vst v63  }
0xd2: {  	s25 =	simm.s32 $0xC0;
	s21 =	rddreg [dreg:$0x1d]  }
0xd3: {  	[tilespmem:s25], [sflag:$0x2] =	stream.linear.gather [hbm4b:s21+s11], $0x40, $0x38;
	[tilespmem:$0x1E180] =	vst v63  }
.LBB2_6:
0xd4: {  	_ =	swait.ge [sflag:s26], $0x40  }
0xd5: {  	[sflag:s26] =	ssyncset.done $0x0  }
0xd6: {  	[sflag:s26] =	ssyncadd.s32 $0xFFFFFFC0  }
0xd7: {  	_ =	swait.ge [sflag:s26], $0x40  }
0xd8: {  	[sflag:s26] =	ssyncset.done $0x0  }
0xd9: {  	[sflag:s26] =	ssyncadd.s32 $0xFFFFFFC0  }
0xda: {  	[tilespmem:s28], [sflag:$0x4] =	stream.indirect.gather [hbm4b:s7+s22], $0x8, s22, s22, $0xb8;
	[tilespmem:$0x1E180] =	vst v63  }
0xdb: {  	s1 =	simm.s32 $0xC0  }
0xdc: {  	[tilespmem:s29], [sflag:$0x4] =	stream.indirect.gather [hbm4b:s8+s22], $0x8, s1, s22, $0xb8;
	[tilespmem:$0x1E180] =	vst v63  }
0xdd: {  	s13 =	simm.s32 $0x2D80  }
0xde: {  	[tilespmem:s13], [sflag:$0x4] =	stream.indirect.gather [hbm4b:s9+s22], $0x80, s22, s22, $0xb8;
	[tilespmem:$0x1E180] =	vst v63  }
0xdf: {  	_ =	swait.ge [sflag:s31], $0x200  }
0xe0: {  	[sflag:s31] =	ssyncset.done $0x0  }
0xe1: {  	[sflag:s31] =	ssyncadd.s32 $0xFFFFFE00  }
0xe2: {  	_ =	swait.ge [sflag:s31], $0x200  }
0xe3: {  	[sflag:s31] =	ssyncset.done $0x0  }
0xe4: {  	[sflag:s31] =	ssyncadd.s32 $0xFFFFFE00  }
0xe5: {  	_ =	swait.ge [sflag:s31], $0x2000  }
0xe6: {  	p1 =	seq.s32 s11, $0x0;
	[sflag:s31] =	ssyncset.done $0x0  }
0xe7: {  	s1 =	simm.s32 @!p1 $0x5;
	[sflag:s31] =	ssyncadd.s32 $0xFFFFE000  }
0xe8: {  	_ =	swait.ge @!p1 [sflag:s1], $0x2000  }
0xe9: {  	[sflag:s1] =	ssyncset.done @!p1 $0x0  }
0xea: {  	[sflag:s1] =	ssyncadd.s32 @!p1 $0xFFFFE000  }
0xeb: {  	_ =	swait.ge @!p1 [sflag:s1], $0x200  }
0xec: {  	[sflag:s1] =	ssyncset.done @!p1 $0x0  }
0xed: {  	[sflag:s1] =	ssyncadd.s32 @!p1 $0xFFFFFE00  }
0xee: {  	s16 =	simm.s32 $0x0;
	v4 =	vld [tilespmem:$0x80]  }
0xef: {  	v6 =	vmov s16  }
0xf0: {  	vm1 =	veq.s32 v6, v1  }
0xf1: {  	vm1 =	vmand vm1, vm0;
	v5 =	vld [tilespmem:$0x90]  }
0xf2: {  	v8 =	vsel vm1, $0xFFFFFFFF, v2;
	v7 =	vld [tilespmem:$0xA0]  }
0xf3: {  	v6 =	vld [tilespmem:$0xB0];
	[tilespmem:$0x100] =	vst v4;
	v4 =	vshll.u32 v8, $0x3  }
0xf4: {  	v4 =	vadd.s32 s16, v4  }
0xf5: {  	s21 =	sshll.u32 s11, $0x7;
	p0 =	seq.s32 s11, $0x4F;
	s2 =	rddreg [dreg:$0x1e];
	v4 =	vadd.s32 v1, v4  }
0xf6: {  	s2 =	sadd.s32 @!p0 s21, s2;
	[tilespmem:$0x110] =	vst v5;
	v4 =	vand.u32 $0xFFFFFFF8, v4  }
0xf7: {  	s17 =	simm.s32 $0x40;
	s1 =	sshrl.u32 @!p0 s2, $0x3;
	[tilespmem:$0x120] =	vst v7;
	v17 =	vor.u32 v3, v4  }
0xf8: {  	s25 =	simm.s32 $0x20;
	s4 =	simm.s32 @!p0 $0x0;
	s2 =	sadd.s32 @!p0 s30, s1;
	[tilespmem:$0x130] =	vst v6;
	v4 =	vmov s17  }
0xf9: {  	[tilespmem:s4], [sflag:$0x1] =	stream.linear.gather @!p0 [hbm4b:s2+s4], $0x40, $0x38;
	vm1 =	veq.s32 v4, v1;
	[tilespmem:$0x1E180] =	vst v63  }
0xfa: {  	s19 =	simm.s32 $0x10;
	s5 =	simm.s32 @!p0 $0x80;
	s1 =	sadd.s32 @!p0 s6, s1;
	v6 =	vor.u32 s25, v1;
	vm1 =	vmand vm1, vm0  }
0xfb: {  	[tilespmem:s5], [sflag:$0x1] =	stream.linear.gather @!p0 [hbm4b:s1+s4], $0x40, $0x38;
	v5 =	vsel vm1, $0xFFFFFFFF, v2;
	[tilespmem:$0x1E180] =	vst v63  }
0xfc: {  	v4 =	vor.u32 s19, v1;
	v5 =	vshll.u32 v5, $0x3;
	v7 =	vld.idx.msk [tilespmem:v17+s24+$0x0], $0xffff  }
0xfd: {  	s30 =	simm.s32 $0x30;
	v8 =	vld.idx.msk [tilespmem:v17+s23+$0x0], $0xffff;
	v5 =	vadd.s32 s17, v5  }
0xfe: {  	v9 =	vadd.s32 v1, v5;
	v5 =	vor.u32 s30, v1  }
0xff: {  	v14 =	vld.idx.msk [tilespmem:v6+s24+$0x0], $0xffff;
	v9 =	vand.u32 $0xFFFFFFF8, v9  }
0x100: {  	v16 =	vld.idx.msk [tilespmem:v6+s23+$0x0], $0xffff;
	v10 =	vor.u32 v3, v9  }
0x101: {  	v9 =	vld.idx.msk [tilespmem:v4+s24+$0x0], $0xffff  }
0x102: {  	s4 =	simm.s32 $0x80;
	v7 =	vadd.f32 v7, v8;
	v8 =	vld.idx.msk [tilespmem:v4+s23+$0x0], $0xffff  }
0x103: {  	v11 =	vmov s4;
	v15 =	vld.idx.msk [tilespmem:v5+s23+$0x0], $0xffff  }
0x104: {  	vm1 =	veq.s32 v11, v1;
	v20 =	vld.idx.msk [tilespmem:v5+s24+$0x0], $0xffff;
	v11 =	vmul.f32 $2.000000030e-01, v7  }
0x105: {  	vm1 =	vmand vm1, vm0;
	vm2 =	vgt.f32 v7, $0.0e+00;
	v18 =	vld.idx.msk [tilespmem:v10+s24+$0x0], $0xffff  }
0x106: {  	v12 =	vsel vm1, $0xFFFFFFFF, v2;
	v19 =	vld.idx.msk [tilespmem:v10+s23+$0x0], $0xffff;
	v7 =	vsel vm2, v7, v11  }
0x107: {  	s5 =	simm.s32 $0x50;
	v14 =	vadd.f32 v14, v16;
	v11 =	vshll.u32 v12, $0x3;
	v12 =	vmul.f32 $1.442695020e+00, v7  }
0x108: {  	v7 =	vor.u32 s5, v1;
	v11 =	vadd.s32 s4, v11;
	v9 =	vadd.f32 v9, v8  }
0x109: {  	s13 =	simm.s32 $0x60;
	v11 =	vadd.s32 v1, v11;
	v20 =	vadd.f32 v20, v15;
	(erf) = vpow2.f32 v12  }
0x10a: {  	s17 =	simm.s32 $0xC0;
	v12 =	vand.u32 $0xFFFFFFF8, v11;
	v11 =	vor.u32 s13, v1;
	v21 =	vmul.f32 $2.000000030e-01, v9  }
0x10b: {  	v15 =	vmov s17;
	vm1 =	vgt.f32 v9, $0.0e+00;
	v18 =	vadd.f32 v18, v19  }
0x10c: {  	v12 =	vor.u32 v3, v12;
	v24 =	vsel vm1, v9, v21;
	v21 =	vmul.f32 $2.000000030e-01, v14  }
0x10d: {  	s16 =	simm.s32 $0x70;
	vm3 =	vgt.f32 v14, $0.0e+00;
	vm1 =	veq.s32 v15, v1;
	v16 =	vld.idx.msk [tilespmem:v7+s24+$0x0], $0xffff;
	v15 =	vmul.f32 $2.000000030e-01, v18  }
0x10e: {  	v13 =	vor.u32 s16, v1;
	v19 =	vld.idx.msk [tilespmem:v7+s23+$0x0], $0xffff;
	vm2 =	vgt.f32 v18, $0.0e+00;
	v14 =	vsel vm3, v14, v21  }
0x10f: {  	vm1 =	vmand vm1, vm0;
	v26 =	vld.idx.msk [tilespmem:v11+s24+$0x0], $0xffff;
	v15 =	vsel vm2, v18, v15;
	v21 =	vmul.f32 $1.442695020e+00, v14  }
0x110: {  	v22 =	vsel vm1, $0xFFFFFFFF, v2;
	v27 =	vld.idx.msk [tilespmem:v11+s23+$0x0], $0xffff;
	v15 =	vmul.f32 $1.442695020e+00, v15  }
0x111: {  	v18 =	vshll.u32 v22, $0x3;
	v28 =	vld.idx.msk [tilespmem:v12+s24+$0x0], $0xffff  }
0x112: {  	s10 =	simm.s32 $0x90;
	v22 =	vld.idx.msk [tilespmem:v12+s23+$0x0], $0xffff;
	v18 =	vadd.s32 s17, v18;
	(erf) = vpow2.f32 v15  }
0x113: {  	v8 =	vor.u32 s10, v1;
	v14 =	vadd.s32 v1, v18;
	v18 =	vld.idx.msk [tilespmem:v13+s23+$0x0], $0xffff;
	(erf) = vpow2.f32 v21;
	v21 =	vpop (erf)  }
0x114: {  	s25 =	simm.s32 $0xA0;
	v23 =	vmul.f32 $2.000000030e-01, v20;
	v24 =	vmul.f32 $1.442695020e+00, v24;
	vm1 =	vgt.f32 v20, $0.0e+00;
	[tilespmem:v17+s18+$0x0] =	vst.idx.msk $0xffff, v21;
	v21 =	vld.idx.msk [tilespmem:v13+s24+$0x0], $0xffff  }
0x115: {  	s30 =	simm.s32 $0xB0;
	v19 =	vadd.f32 v16, v19;
	v15 =	vand.u32 $0xFFFFFFF8, v14;
	v14 =	vor.u32 s25, v1  }
0x116: {  	s19 =	simm.s32 $0xD0;
	v20 =	vsel vm1, v20, v23;
	v16 =	vor.u32 v3, v15;
	v15 =	vor.u32 s30, v1  }
0x117: {  	s2 =	simm.s32 $0xE0;
	v9 =	vor.u32 s19, v1;
	v25 =	vmul.f32 $1.442695020e+00, v20;
	v23 =	vmul.f32 $2.000000030e-01, v19  }
0x118: {  	s1 =	simm.s32 $0xF0;
	s4 =	simm.s32 $0xC;
	s5 =	simm.s32 $0x130;
	vm1 =	vgt.f32 v19, $0.0e+00;
	v17 =	vld.idx.msk [tilespmem:v8+s24+$0x0], $0xffff;
	v20 =	vadd.f32 v26, v27;
	v22 =	vadd.f32 v28, v22  }
.LBB2_7:
0x119: {  	s10 =	sadd.s32 $0xFFFFFFD0, s5;
	s16 =	sadd.s32 $0xFFFFFFE0, s5;
	s17 =	sadd.s32 $0xFFFFFFF0, s5;
	v26 =	vld.idx.msk [tilespmem:v8+s23+$0x0], $0xffff;
	v27 =	vsel vm1, v19, v23;
	v23 =	vadd.f32 v21, v18;
	(erf) = vpow2.f32 v25;
	v28 =	vmovc v4  }
0x11a: {  	s4 =	sadd.s32 $0x4, s4;
	v4 =	vmovc v7;
	v7 =	vmovc v8;
	v18 =	vmov s10;
	v19 =	vor.u32 s16, v1;
	v29 =	vld.idx.msk [tilespmem:v14+s24+$0x0], $0xffff;
	(erf) = vpow2.f32 v24  }
0x11b: {  	v8 =	vmovc v9;
	p2 =	slt.u32 s4, $0x1C;
	v25 =	vmul.f32 $2.000000030e-01, v22;
	v24 =	vmul.f32 $2.000000030e-01, v20;
	vm1 =	veq.s32 v18, v1;
	v18 =	vld.idx.msk [tilespmem:v15+s23+$0x0], $0xffff;
	v9 =	vmovc v19  }
0x11c: {  	v31 =	vmovc v5;
	v5 =	vmovc v13;
	vm2 =	vgt.f32 v22, $0.0e+00;
	vm3 =	vgt.f32 v20, $0.0e+00;
	vm1 =	vmand vm1, vm0;
	v30 =	vld.idx.msk [tilespmem:v14+s23+$0x0], $0xffff  }
0x11d: {  	v34 =	vsel vm2, v22, v25;
	v22 =	vmul.f32 $2.000000030e-01, v23;
	v13 =	vsel vm1, $0xFFFFFFFF, v2;
	v32 =	vld.idx.msk [tilespmem:v16+s24+$0x0], $0xffff;
	v21 =	vpop (erf)  }
0x11e: {  	v24 =	vsel vm3, v20, v24;
	v25 =	vmul.f32 $1.442695020e+00, v34;
	v13 =	vshll.u32 v13, $0x3;
	v33 =	vld.idx.msk [tilespmem:v16+s23+$0x0], $0xffff;
	[tilespmem:v10+s18+$0x0] =	vst.idx.msk $0xffff, v21;
	v19 =	vpop (erf)  }
0x11f: {  	v20 =	vmul.f32 $1.442695020e+00, v24;
	vm1 =	vgt.f32 v23, $0.0e+00;
	v34 =	vadd.s32 s10, v13;
	v21 =	vld.idx.msk [tilespmem:v15+s24+$0x0], $0xffff;
	[tilespmem:v6+s18+$0x0] =	vst.idx.msk $0xffff, v19;
	v6 =	vmovc v11  }
.Ltmp4:
0x120: {  	v10 =	vmovc v12;
	v19 =	vadd.f32 v17, v26;
	v11 =	vmovc v14;
	v24 =	vadd.s32 v1, v34;
	(erf) = vpow2.f32 v25;
	(pc) =	sbr.rel @p2 .LBB2_7-.Ltmp4, $4  }
0x121: {  	v12 =	vmovc v16;
	v14 =	vor.u32 s2, v1;
	s2 =	smov.u32 s17;
	v17 =	vand.u32 $0xFFFFFFF8, v24;
	(erf) = vpow2.f32 v20;
	v13 =	vmovc v15  }
0x122: {  	v15 =	vor.u32 s1, v1;
	v20 =	vsel vm1, v23, v22;
	s1 =	smov.u32 s5;
	v16 =	vor.u32 v3, v17;
	v22 =	vpop (erf)  }
0x123: {  	vm1 =	vgt.f32 v19, $0.0e+00;
	v23 =	vmul.f32 $2.000000030e-01, v19;
	v25 =	vmul.f32 $1.442695020e+00, v20;
	v17 =	vld.idx.msk [tilespmem:v8+s24+$0x0], $0xffff;
	[tilespmem:v31+s18+$0x0] =	vst.idx.msk $0xffff, v22;
	v26 =	vpop (erf)  }
0x124: {  	s5 =	sadd.s32 $0x40, s5;
	v24 =	vmul.f32 $1.442695020e+00, v27;
	v20 =	vadd.f32 v29, v30;
	v22 =	vadd.f32 v32, v33;
	[tilespmem:v28+s18+$0x0] =	vst.idx.msk $0xffff, v26  }
0x125: {  	_ =	sdelay $0x3  }
0x126: {  	v26 =	vld.idx.msk [tilespmem:v8+s23+$0x0], $0xffff  }
0x127: {  	v27 =	vld.idx.msk [tilespmem:v14+s24+$0x0], $0xffff  }
0x128: {  	v28 =	vld.idx.msk [tilespmem:v15+s23+$0x0], $0xffff;
	v30 =	vor.u32 s2, v1  }
0x129: {  	v18 =	vadd.f32 v21, v18;
	v29 =	vld.idx.msk [tilespmem:v16+s24+$0x0], $0xffff;
	v52 =	vor.u32 s1, v1;
	v21 =	vmul.f32 $2.000000030e-01, v22  }
0x12a: {  	v31 =	vld.idx.msk [tilespmem:v14+s23+$0x0], $0xffff;
	vm2 =	vgt.f32 v22, $0.0e+00  }
0x12b: {  	(erf) = vpow2.f32 v25;
	v21 =	vsel vm2, v22, v21;
	v22 =	vld.idx.msk [tilespmem:v16+s23+$0x0], $0xffff  }
0x12c: {  	v53 =	vld.idx.msk [tilespmem:v15+s24+$0x0], $0xffff;
	v19 =	vsel vm1, v19, v23;
	v51 =	vmul.f32 $2.000000030e-01, v20;
	(erf) = vpow2.f32 v24  }
0x12d: {  	v32 =	vmul.f32 $2.000000030e-01, v18;
	vm1 =	vgt.f32 v18, $0.0e+00;
	vm2 =	vgt.f32 v20, $0.0e+00;
	v54 =	vld.idx.msk [tilespmem:v30+s24+$0x0], $0xffff  }
0x12e: {  	v21 =	vmul.f32 $1.442695020e+00, v21;
	v20 =	vsel vm2, v20, v51;
	v17 =	vadd.f32 v17, v26;
	v55 =	vld.idx.msk [tilespmem:v52+s23+$0x0], $0xffff  }
0x12f: {  	v19 =	vmul.f32 $1.442695020e+00, v19;
	v18 =	vsel vm1, v18, v32;
	v20 =	vmul.f32 $1.442695020e+00, v20;
	v58 =	vld.idx.msk [tilespmem:v52+s24+$0x0], $0xffff  }
0x130: {  	(erf) = vpow2.f32 v21;
	v21 =	vld.idx.msk [tilespmem:v9+s24+$0x0], $0xffff;
	v23 =	vmul.f32 $2.000000030e-01, v17;
	v22 =	vadd.f32 v29, v22  }
0x131: {  	v18 =	vmul.f32 $1.442695020e+00, v18;
	(erf) = vpow2.f32 v20;
	v20 =	vld.idx.msk [tilespmem:v9+s23+$0x0], $0xffff;
	vm1 =	vgt.f32 v17, $0.0e+00  }
0x132: {  	v27 =	vadd.f32 v27, v31;
	v56 =	vld.idx.msk [tilespmem:v30+s23+$0x0], $0xffff;
	v17 =	vsel vm1, v17, v23;
	v23 =	vmul.f32 $2.000000030e-01, v22  }
0x133: {  	v24 =	vadd.f32 v53, v28;
	(erf) = vpow2.f32 v18;
	vm1 =	vgt.f32 v22, $0.0e+00  }
0x134: {  	v57 =	vmul.f32 $2.000000030e-01, v27;
	(erf) = vpow2.f32 v19;
	v18 =	vsel vm1, v22, v23  }
0x135: {  	vm1 =	vgt.f32 v27, $0.0e+00;
	v22 =	vmul.f32 $2.000000030e-01, v24;
	v18 =	vmul.f32 $1.442695020e+00, v18  }
0x136: {  	v20 =	vadd.f32 v21, v20;
	v21 =	vadd.f32 v58, v55;
	v19 =	vsel vm1, v27, v57  }
0x137: {  	v19 =	vmul.f32 $1.442695020e+00, v19;
	(erf) = vpow2.f32 v18;
	v18 =	vadd.f32 v54, v56  }
0x138: {  	v17 =	vmul.f32 $1.442695020e+00, v17;
	vm1 =	vgt.f32 v24, $0.0e+00;
	v59 =	vmul.f32 $2.000000030e-01, v21  }
0x139: {  	(erf) = vpow2.f32 v19;
	v19 =	vsel vm1, v24, v22;
	v23 =	vmul.f32 $2.000000030e-01, v18  }
0x13a: {  	vm1 =	vgt.f32 v20, $0.0e+00;
	v19 =	vmul.f32 $1.442695020e+00, v19;
	vm2 =	vgt.f32 v18, $0.0e+00  }
0x13b: {  	v60 =	vpop (erf);
	v22 =	vmul.f32 $2.000000030e-01, v20;
	v18 =	vsel vm2, v18, v23;
	vm2 =	vgt.f32 v21, $0.0e+00  }
0x13c: {  	[tilespmem:v10+s18+$0x0] =	vst.idx.msk $0xffff, v60;
	v61 =	vpop (erf);
	(erf) = vpow2.f32 v19;
	v18 =	vmul.f32 $1.442695020e+00, v18;
	v19 =	vsel vm2, v21, v59  }
0x13d: {  	[tilespmem:v6+s18+$0x0] =	vst.idx.msk $0xffff, v61;
	v6 =	vpop (erf);
	v62 =	vsel vm1, v20, v22;
	(erf) = vpow2.f32 v17;
	v63 =	vmul.f32 $1.442695020e+00, v19  }
0x13e: {  	[tilespmem:v5+s18+$0x0] =	vst.idx.msk $0xffff, v6;
	v5 =	vpop (erf);
	v6 =	vmul.f32 $1.442695020e+00, v62;
	(erf) = vpow2.f32 v18  }
0x13f: {  	[tilespmem:v4+s18+$0x0] =	vst.idx.msk $0xffff, v5;
	v4 =	vpop (erf);
	(erf) = vpow2.f32 v63  }
0x140: {  	[tilespmem:v12+s18+$0x0] =	vst.idx.msk $0xffff, v4;
	v4 =	vpop (erf);
	(erf) = vpow2.f32 v6  }
0x141: {  	v5 =	vpop (erf);
	[tilespmem:v11+s18+$0x0] =	vst.idx.msk $0xffff, v4  }
0x142: {  	v4 =	vpop (erf);
	[tilespmem:v13+s18+$0x0] =	vst.idx.msk $0xffff, v5  }
0x143: {  	[tilespmem:v7+s18+$0x0] =	vst.idx.msk $0xffff, v4;
	v5 =	vpop (erf)  }
0x144: {  	v4 =	vpop (erf);
	[tilespmem:v16+s18+$0x0] =	vst.idx.msk $0xffff, v5  }
0x145: {  	p5 =	por $0x1, $0x1;
	[tilespmem:v14+s18+$0x0] =	vst.idx.msk $0xffff, v4;
	v5 =	vpop (erf)  }
.Ltmp5:
0x146: {  	[tilespmem:v15+s18+$0x0] =	vst.idx.msk $0xffff, v5;
	v4 =	vpop (erf);
	(pc) =	sbr.rel @!p5 .LBB2_9-.Ltmp5, $4  }
0x147: {  	[tilespmem:v8+s18+$0x0] =	vst.idx.msk $0xffff, v4;
	v4 =	vpop (erf)  }
0x148: {  	s25 =	simm.s32 $0x0;
	[tilespmem:v30+s18+$0x0] =	vst.idx.msk $0xffff, v4;
	v4 =	vpop (erf)  }
0x149: {  	s2 =	simm.s32 $0xE00;
	s17 =	simm.s32 $0x4E00;
	s30 =	simm.s32 $0x8;
	v7 =	vmov s25;
	[tilespmem:v52+s18+$0x0] =	vst.idx.msk $0xffff, v4;
	v4 =	vpop (erf)  }
0x14a: {  	p2 =	por $0x0, $0x0;
	p3 =	por $0x0, $0x0;
	p4 =	por $0x0, $0x0;
	v20 =	vor.u32 $0x1, v7;
	v12 =	vor.u32 $0x2, v7;
	v5 =	vmov s30;
	[tilespmem:v9+s18+$0x0] =	vst.idx.msk $0xffff, v4  }
0x14b: {  	_ =	sdelay $0x3  }
0x14c: {  	v4 =	vld.idx.msk [tilespmem:v5+s18+$0x0], $0xffff  }
0x14d: {  	v6 =	vld [tilespmem:s2+$0x0];
	_ =	sdelay $0x2  }
0x14e: {  	v8 =	vor.u32 $0x1, v5  }
0x14f: {  	v9 =	vld.idx.msk [tilespmem:v7+s18+$0x0], $0xffff  }
0x150: {  	v4 =	vmul.f32 v6, v4;
	v6 =	vld [tilespmem:s2+$0xFFFFFF80];
	_ =	sdelay $0x1  }
0x151: {  	[tilespmem:s17+$0x0] =	vst v4  }
0x152: {  	v4 =	vld.idx.msk [tilespmem:v8+s18+$0x0], $0xffff  }
0x153: {  	v8 =	vld [tilespmem:s2+$0x10]  }
0x154: {  	v6 =	vmul.f32 v6, v9;
	_ =	sdelay $0x1  }
0x155: {  	v9 =	vor.u32 $0x2, v5;
	[tilespmem:s17+$0xFFFFFF80] =	vst v6  }
0x156: {  	v6 =	vld.idx.msk [tilespmem:v20+s18+$0x0], $0xffff  }
0x157: {  	v4 =	vmul.f32 v8, v4;
	v8 =	vld [tilespmem:s2+$0xFFFFFF90];
	_ =	sdelay $0x1  }
0x158: {  	[tilespmem:s17+$0x10] =	vst v4  }
0x159: {  	v4 =	vld.idx.msk [tilespmem:v9+s18+$0x0], $0xffff  }
0x15a: {  	p5 =	por $0x1, $0x1;
	v9 =	vld [tilespmem:s2+$0x20]  }
.Ltmp6:
0x15b: {  	v10 =	vmul.f32 v8, v6;
	(pc) =	sbr.rel @!p5 .LBB2_11-.Ltmp6, $4  }
0x15c: {  	v19 =	vor.u32 $0x3, v7;
	v17 =	vor.u32 $0x4, v7;
	v14 =	vor.u32 $0x5, v7;
	s1 =	simm.s32 $0x10  }
0x15d: {  	v8 =	vor.u32 $0x6, v7;
	v6 =	vor.u32 $0x7, v7;
	v7 =	vmov s1;
	[tilespmem:s17+$0xFFFFFF90] =	vst v10  }
0x15e: {  	v24 =	vor.u32 $0x3, v5;
	s30 =	simm.s32 $0x18;
	v20 =	vor.u32 $0x1, v7;
	v21 =	vld.idx.msk [tilespmem:v12+s18+$0x0], $0xffff  }
0x15f: {  	p2 =	por $0x1, $0x1;
	v29 =	vmul.f32 v9, v4;
	v22 =	vld [tilespmem:s2+$0xFFFFFFA0];
	v12 =	vor.u32 $0x2, v7;
	v4 =	vmov s30  }
0x160: {  	_ =	sdelay $0x2  }
0x161: {  	[tilespmem:s17+$0x20] =	vst v29  }
0x162: {  	v9 =	vld.idx.msk [tilespmem:v24+s18+$0x0], $0xffff  }
0x163: {  	v10 =	vld [tilespmem:s2+$0x30];
	_ =	sdelay $0x2  }
0x164: {  	v11 =	vor.u32 $0x4, v5  }
0x165: {  	v13 =	vld.idx.msk [tilespmem:v4+s18+$0x0], $0xffff;
	s1 =	simm.s32 $0xF00  }
0x166: {  	v15 =	vld [tilespmem:s1+$0x0];
	v9 =	vmul.f32 v10, v9  }
0x167: {  	v18 =	vld [tilespmem:s1+$0xFFFFFF80]  }
0x168: {  	v16 =	vmul.f32 v22, v21;
	v10 =	vld.idx.msk [tilespmem:v7+s18+$0x0], $0xffff;
	[tilespmem:s17+$0x30] =	vst v9  }
0x169: {  	v9 =	vor.u32 $0x1, v4;
	v11 =	vld.idx.msk [tilespmem:v11+s18+$0x0], $0xffff  }
0x16a: {  	[tilespmem:s17+$0xFFFFFFA0] =	vst v16;
	v16 =	vld [tilespmem:s2+$0x40]  }
0x16b: {  	v13 =	vmul.f32 v15, v13;
	v19 =	vld.idx.msk [tilespmem:v19+s18+$0x0], $0xffff  }
0x16c: {  	s5 =	simm.s32 $0x4F00;
	v15 =	vld [tilespmem:s2+$0xFFFFFFB0]  }
0x16d: {  	[tilespmem:s5+$0x0] =	vst v13;
	v13 =	vor.u32 $0x5, v5;
	v10 =	vmul.f32 v18, v10  }
0x16e: {  	v9 =	vld.idx.msk [tilespmem:v9+s18+$0x0], $0xffff  }
0x16f: {  	[tilespmem:s5+$0xFFFFFF80] =	vst v10;
	v10 =	vld [tilespmem:s1+$0x10];
	v11 =	vmul.f32 v16, v11  }
0x170: {  	v16 =	vld.idx.msk [tilespmem:v20+s18+$0x0], $0xffff  }
0x171: {  	v15 =	vmul.f32 v15, v19;
	v18 =	vld [tilespmem:s1+$0xFFFFFF90];
	[tilespmem:s17+$0x40] =	vst v11  }
0x172: {  	v11 =	vor.u32 $0x2, v4;
	v13 =	vld.idx.msk [tilespmem:v13+s18+$0x0], $0xffff  }
0x173: {  	[tilespmem:s17+$0xFFFFFFB0] =	vst v15;
	v15 =	vld [tilespmem:s2+$0x50]  }
0x174: {  	v9 =	vmul.f32 v10, v9;
	v10 =	vld.idx.msk [tilespmem:v17+s18+$0x0], $0xffff  }
0x175: {  	v17 =	vld [tilespmem:s2+$0xFFFFFFC0]  }
0x176: {  	v16 =	vmul.f32 v18, v16;
	[tilespmem:s5+$0x10] =	vst v9;
	v9 =	vor.u32 $0x6, v5  }
0x177: {  	v18 =	vld.idx.msk [tilespmem:v11+s18+$0x0], $0xffff  }
0x178: {  	[tilespmem:s5+$0xFFFFFF90] =	vst v16;
	v16 =	vld [tilespmem:s1+$0x20];
	v11 =	vmul.f32 v15, v13  }
0x179: {  	p5 =	por $0x1, $0x1;
	v21 =	vld.idx.msk [tilespmem:v12+s18+$0x0], $0xffff  }
.Ltmp7:
0x17a: {  	s30 =	simm.s32 $0x28;
	v22 =	vld [tilespmem:s1+$0xFFFFFFA0];
	v12 =	vmul.f32 v17, v10;
	[tilespmem:s17+$0x50] =	vst v11;
	(pc) =	sbr.rel @!p5 .LBB2_13-.Ltmp7, $4  }
0x17b: {  	v35 =	vor.u32 $0x5, v7;
	v23 =	vmov s30;
	v10 =	vld.idx.msk [tilespmem:v9+s18+$0x0], $0xffff  }
0x17c: {  	s4 =	simm.s32 $0x20;
	v24 =	vor.u32 $0x3, v4;
	v19 =	vor.u32 $0x3, v7;
	v13 =	vor.u32 $0x6, v7;
	[tilespmem:s17+$0xFFFFFFC0] =	vst v12;
	v11 =	vld [tilespmem:s2+$0x60]  }
0x17d: {  	v17 =	vor.u32 $0x4, v7;
	v9 =	vor.u32 $0x7, v7;
	v7 =	vmov s4;
	v15 =	vld.idx.msk [tilespmem:v14+s18+$0x0], $0xffff  }
0x17e: {  	p3 =	por $0x1, $0x1;
	v29 =	vmul.f32 v16, v18;
	v20 =	vor.u32 $0x1, v7;
	v12 =	vor.u32 $0x2, v7;
	v16 =	vld [tilespmem:s2+$0xFFFFFFD0]  }
0x17f: {  	_ =	sdelay $0x2  }
0x180: {  	v14 =	vor.u32 $0x7, v5;
	[tilespmem:s5+$0x20] =	vst v29  }
0x181: {  	v18 =	vld.idx.msk [tilespmem:v24+s18+$0x0], $0xffff  }
0x182: {  	v24 =	vld [tilespmem:s1+$0x30];
	v25 =	vmul.f32 v11, v10  }
0x183: {  	v26 =	vld.idx.msk [tilespmem:v7+s18+$0x0], $0xffff  }
0x184: {  	v27 =	vld.idx.msk [tilespmem:v23+s18+$0x0], $0xffff;
	[tilespmem:s17+$0x60] =	vst v25  }
0x185: {  	v25 =	vor.u32 $0x4, v4;
	v29 =	vld.idx.msk [tilespmem:v14+s18+$0x0], $0xffff  }
0x186: {  	s30 =	simm.s32 $0x1000;
	v14 =	vmul.f32 v22, v21;
	v30 =	vld [tilespmem:s2+$0x70]  }
0x187: {  	v21 =	vld [tilespmem:s30+$0x0];
	v18 =	vmul.f32 v24, v18  }
0x188: {  	[tilespmem:s5+$0xFFFFFFA0] =	vst v14;
	v14 =	vld [tilespmem:s30+$0xFFFFFF80]  }
0x189: {  	v19 =	vld.idx.msk [tilespmem:v19+s18+$0x0], $0xffff;
	[tilespmem:s5+$0x30] =	vst v18  }
0x18a: {  	v22 =	vor.u32 $0x1, v23;
	v18 =	vmul.f32 v16, v15;
	v24 =	vld.idx.msk [tilespmem:v25+s18+$0x0], $0xffff  }
0x18b: {  	v25 =	vld [tilespmem:s1+$0x40]  }
0x18c: {  	[tilespmem:s17+$0xFFFFFFD0] =	vst v18;
	v18 =	vmul.f32 v21, v27;
	v21 =	vld [tilespmem:s1+$0xFFFFFFB0]  }
0x18d: {  	s16 =	simm.s32 $0x5000;
	v27 =	vld.idx.msk [tilespmem:v8+s18+$0x0], $0xffff  }
0x18e: {  	v14 =	vmul.f32 v14, v26;
	v26 =	vld [tilespmem:s2+$0xFFFFFFE0];
	[tilespmem:s16+$0x0] =	vst v18;
	v18 =	vor.u32 $0x5, v4  }
0x18f: {  	v22 =	vld.idx.msk [tilespmem:v22+s18+$0x0], $0xffff  }
0x190: {  	[tilespmem:s16+$0xFFFFFF80] =	vst v14;
	v14 =	vld [tilespmem:s30+$0x10];
	v24 =	vmul.f32 v25, v24  }
0x191: {  	v20 =	vld.idx.msk [tilespmem:v20+s18+$0x0], $0xffff  }
0x192: {  	v19 =	vmul.f32 v21, v19;
	v21 =	vld [tilespmem:s30+$0xFFFFFF90];
	[tilespmem:s5+$0x40] =	vst v24  }
0x193: {  	v24 =	vor.u32 $0x2, v23;
	v25 =	vld.idx.msk [tilespmem:v18+s18+$0x0], $0xffff  }
0x194: {  	[tilespmem:s5+$0xFFFFFFB0] =	vst v19;
	v18 =	vmul.f32 v26, v27;
	v19 =	vld [tilespmem:s1+$0x50]  }
0x195: {  	v14 =	vmul.f32 v14, v22;
	v17 =	vld.idx.msk [tilespmem:v17+s18+$0x0], $0xffff  }
0x196: {  	v26 =	vld [tilespmem:s1+$0xFFFFFFC0];
	[tilespmem:s17+$0xFFFFFFE0] =	vst v18  }
0x197: {  	v27 =	vor.u32 $0x6, v4;
	v20 =	vmul.f32 v21, v20;
	[tilespmem:s16+$0x10] =	vst v14;
	v18 =	vld.idx.msk [tilespmem:v6+s18+$0x0], $0xffff  }
0x198: {  	v31 =	vld.idx.msk [tilespmem:v24+s18+$0x0], $0xffff  }
0x199: {  	[tilespmem:s16+$0xFFFFFF90] =	vst v20;
	v20 =	vld [tilespmem:s30+$0x20];
	v14 =	vmul.f32 v19, v25  }
0x19a: {  	p5 =	por $0x1, $0x1;
	v21 =	vld.idx.msk [tilespmem:v12+s18+$0x0], $0xffff  }
.Ltmp8:
0x19b: {  	v22 =	vld [tilespmem:s30+$0xFFFFFFA0];
	v12 =	vmul.f32 v26, v17;
	[tilespmem:s5+$0x50] =	vst v14;
	(pc) =	sbr.rel @!p5 .LBB2_15-.Ltmp8, $4  }
0x19c: {  	v32 =	vmul.f32 v30, v29;
	v24 =	vor.u32 $0x3, v23;
	v19 =	vor.u32 $0x3, v7;
	v28 =	vld.idx.msk [tilespmem:v27+s18+$0x0], $0xffff  }
0x19d: {  	s4 =	simm.s32 $0x30;
	v25 =	vor.u32 $0x7, v7;
	v17 =	vor.u32 $0x4, v7;
	v26 =	vor.u32 $0x6, v7;
	[tilespmem:s5+$0xFFFFFFC0] =	vst v12;
	v30 =	vld [tilespmem:s1+$0x60]  }
0x19e: {  	s25 =	simm.s32 $0x38;
	s10 =	simm.s32 $0x8;
	v14 =	vor.u32 $0x5, v7;
	v7 =	vmov s4;
	v27 =	vld.idx.msk [tilespmem:v35+s18+$0x0], $0xffff;
	v29 =	vmul.f32 v20, v31  }
0x19f: {  	p4 =	por $0x1, $0x1;
	s19 =	simm.s32 $0xE00;
	[tilespmem:s17+$0x70] =	vst v32;
	v12 =	vor.u32 $0x2, v7;
	v35 =	vmov s25;
	s25 =	simm.s32 $0x4E00;
	v20 =	vor.u32 $0x1, v7;
	v31 =	vld [tilespmem:s1+$0xFFFFFFD0]  }
.LBB2_16:
0x1a0: {  	p5 =	slt.u32 s10, $0x3E;
	v32 =	vor.u32 $0x3, v7;
	v21 =	vmul.f32 v22, v21;
	[tilespmem:s16+$0x20] =	vst v29;
	v22 =	vor.u32 $0x7, v4;
	v29 =	vld [tilespmem:s19+$0xFFFFFFF0];
	v4 =	vmovc v23;
	v23 =	vmovc v35;
	s19 =	smov.u32 s1;
	s1 =	smov.u32 s30  }
0x1a1: {  	v33 =	vor.u32 $0x4, v7;
	v34 =	vor.u32 $0x5, v7;
	v36 =	vor.u32 $0x6, v7;
	v24 =	vld.idx.msk [tilespmem:v24+s18+$0x0], $0xffff  }
0x1a2: {  	v37 =	vor.u32 $0x7, v7;
	[tilespmem:s16+$0xFFFFFFA0] =	vst v21;
	v21 =	vld [tilespmem:s30+$0x30];
	v28 =	vmul.f32 v30, v28  }
0x1a3: {  	v7 =	vld.idx.msk [tilespmem:v7+s18+$0x0], $0xffff  }
0x1a4: {  	v30 =	vld.idx.msk [tilespmem:v35+s18+$0x0], $0xffff;
	v27 =	vmul.f32 v31, v27;
	[tilespmem:s5+$0x60] =	vst v28  }
0x1a5: {  	v28 =	vor.u32 $0x4, v4;
	v22 =	vld.idx.msk [tilespmem:v22+s18+$0x0], $0xffff;
	v18 =	vmul.f32 v29, v18  }
0x1a6: {  	s30 =	sadd.s32 $0x100, s30;
	[tilespmem:s5+$0xFFFFFFD0] =	vst v27;
	v27 =	vld [tilespmem:s19+$0x70]  }
0x1a7: {  	v29 =	vld [tilespmem:s30+$0x0];
	v21 =	vmul.f32 v21, v24;
	[tilespmem:s25+$0xFFFFFFF0] =	vst v18;
	s25 =	smov.u32 s5;
	s5 =	smov.u32 s16  }
0x1a8: {  	v18 =	vld [tilespmem:s30+$0xFFFFFF80]  }
0x1a9: {  	v24 =	vld.idx.msk [tilespmem:v19+s18+$0x0], $0xffff;
	[tilespmem:s16+$0x30] =	vst v21;
	v19 =	vmov v32  }
0x1aa: {  	v21 =	vor.u32 $0x1, v23;
	v28 =	vld.idx.msk [tilespmem:v28+s18+$0x0], $0xffff  }
0x1ab: {  	v31 =	vld [tilespmem:s1+$0x40];
	v22 =	vmul.f32 v27, v22  }
0x1ac: {  	v27 =	vmul.f32 v29, v30;
	v29 =	vld [tilespmem:s1+$0xFFFFFFB0]  }
0x1ad: {  	s16 =	sadd.s32 $0x100, s16;
	v7 =	vmul.f32 v18, v7;
	v18 =	vld.idx.msk [tilespmem:v13+s18+$0x0], $0xffff;
	[tilespmem:s25+$0x70] =	vst v22;
	v13 =	vmov v26;
	v26 =	vmov v36  }
0x1ae: {  	v22 =	vor.u32 $0x5, v4;
	[tilespmem:s16+$0x0] =	vst v27;
	v27 =	vld [tilespmem:s19+$0xFFFFFFE0]  }
0x1af: {  	[tilespmem:s16+$0xFFFFFF80] =	vst v7;
	v7 =	vld.idx.msk [tilespmem:v21+s18+$0x0], $0xffff  }
0x1b0: {  	v21 =	vld [tilespmem:s30+$0x10];
	v28 =	vmul.f32 v31, v28  }
0x1b1: {  	v20 =	vld.idx.msk [tilespmem:v20+s18+$0x0], $0xffff;
	v24 =	vmul.f32 v29, v24  }
0x1b2: {  	v29 =	vld [tilespmem:s30+$0xFFFFFF90];
	[tilespmem:s5+$0x40] =	vst v28  }
0x1b3: {  	v28 =	vor.u32 $0x2, v23;
	[tilespmem:s5+$0xFFFFFFB0] =	vst v24;
	v22 =	vld.idx.msk [tilespmem:v22+s18+$0x0], $0xffff;
	v18 =	vmul.f32 v27, v18  }
0x1b4: {  	v24 =	vld [tilespmem:s1+$0x50]  }
0x1b5: {  	v7 =	vmul.f32 v21, v7;
	v27 =	vld.idx.msk [tilespmem:v17+s18+$0x0], $0xffff;
	[tilespmem:s25+$0xFFFFFFE0] =	vst v18;
	v17 =	vmov v33  }
0x1b6: {  	v30 =	vld [tilespmem:s1+$0xFFFFFFC0]  }
0x1b7: {  	v20 =	vmul.f32 v29, v20;
	[tilespmem:s16+$0x10] =	vst v7;
	v7 =	vor.u32 $0x6, v4;
	v18 =	vld.idx.msk [tilespmem:v9+s18+$0x0], $0xffff;
	v9 =	vmovc v25;
	v25 =	vmov v37  }
0x1b8: {  	v29 =	vld.idx.msk [tilespmem:v28+s18+$0x0], $0xffff  }
0x1b9: {  	[tilespmem:s16+$0xFFFFFF90] =	vst v20;
	v20 =	vld [tilespmem:s30+$0x20];
	v24 =	vmul.f32 v24, v22  }
0x1ba: {  	v21 =	vld.idx.msk [tilespmem:v12+s18+$0x0], $0xffff  }
.Ltmp9:
0x1bb: {  	v22 =	vld [tilespmem:s30+$0xFFFFFFA0];
	v12 =	vmul.f32 v30, v27;
	[tilespmem:s5+$0x50] =	vst v24;
	(pc) =	sbr.rel @p5 .LBB2_16-.Ltmp9, $4  }
0x1bc: {  	v24 =	vor.u32 $0x3, v23;
	v28 =	vld.idx.msk [tilespmem:v7+s18+$0x0], $0xffff  }
0x1bd: {  	s4 =	sshll.u32 s10, $0x3;
	[tilespmem:s5+$0xFFFFFFC0] =	vst v12;
	v30 =	vld [tilespmem:s1+$0x60]  }
0x1be: {  	v7 =	vmov s4;
	s4 =	sadd.s32 $0x8, s4;
	v29 =	vmul.f32 v20, v29;
	v27 =	vld.idx.msk [tilespmem:v14+s18+$0x0], $0xffff;
	v14 =	vmov v34  }
0x1bf: {  	s10 =	sadd.s32 $0x2, s10;
	v12 =	vor.u32 $0x2, v7;
	v35 =	vmov s4;
	v20 =	vor.u32 $0x1, v7;
	v31 =	vld [tilespmem:s1+$0xFFFFFFD0]  }
0x1c0: {  	v33 =	vmov v4;
	v36 =	vmov v13  }
0x1c1: {  	s4 =	smov.u32 s1;
	v32 =	vmovc v9;
	v34 =	vmovc v23;
	v4 =	vmov v35;
	s1 =	smov.u32 s30;
	v13 =	vmov v26;
	v9 =	vmov v25  }
.LBB2_18:
0x1c2: {  	_ =	sdelay $0x2  }
0x1c3: {  	s30 =	sadd.s32 @p2 $0x100, s1;
	s10 =	smov.u32 s2  }
0x1c4: {  	v23 =	vld.idx.msk [tilespmem:v4+s18+$0x0], $0xffff;
	s10 =	smov.u32 @p2 s30  }
0x1c5: {  	v25 =	vld [tilespmem:s10+$0x0]  }
0x1c6: {  	v26 =	vld.idx.msk [tilespmem:v7+s18+$0x0], $0xffff  }
0x1c7: {  	v35 =	vld [tilespmem:s10+$0xFFFFFF80]  }
0x1c8: {  	v37 =	vor.u32 $0x1, v4;
	_ =	sdelay $0x1  }
0x1c9: {  	s13 =	sadd.s32 @p2 $0x100, s16;
	s30 =	smov.u32 s17;
	v23 =	vmul.f32 v25, v23  }
0x1ca: {  	s30 =	smov.u32 @p2 s13  }
0x1cb: {  	v25 =	vmul.f32 v35, v26;
	[tilespmem:s30+$0x0] =	vst v23  }
0x1cc: {  	v23 =	vld.idx.msk [tilespmem:v37+s18+$0x0], $0xffff  }
0x1cd: {  	[tilespmem:s30+$0xFFFFFF80] =	vst v25;
	v25 =	vld [tilespmem:s10+$0x10]  }
0x1ce: {  	v20 =	vld.idx.msk [tilespmem:v20+s18+$0x0], $0xffff  }
0x1cf: {  	v26 =	vld [tilespmem:s10+$0xFFFFFF90]  }
0x1d0: {  	v60 =	vor.u32 $0x2, v4;
	_ =	sdelay $0x1  }
0x1d1: {  	[tilespmem:s16+$0x20] =	vst @p2 v29;
	v23 =	vmul.f32 v25, v23  }
0x1d2: {  	v24 =	vld.idx.msk @p2 [tilespmem:v24+s18+$0x0], $0xffff  }
0x1d3: {  	v25 =	vld @p2 [tilespmem:s1+$0x30];
	v20 =	vmul.f32 v26, v20;
	[tilespmem:s30+$0x10] =	vst v23  }
0x1d4: {  	v23 =	vor.u32 @p3 $0x7, v33;
	v26 =	vld.idx.msk [tilespmem:v60+s18+$0x0], $0xffff  }
0x1d5: {  	v21 =	vmul.f32 @p2 v22, v21;
	[tilespmem:s30+$0xFFFFFF90] =	vst v20;
	v20 =	vld [tilespmem:s10+$0x20]  }
0x1d6: {  	v29 =	vmov @p2 v34;
	v28 =	vmul.f32 @p3 v30, v28;
	v12 =	vld.idx.msk [tilespmem:v12+s18+$0x0], $0xffff  }
0x1d7: {  	v22 =	vor.u32 @p2 $0x4, v29;
	[tilespmem:s16+$0xFFFFFFA0] =	vst @p2 v21;
	v61 =	vld [tilespmem:s10+$0xFFFFFFA0]  }
0x1d8: {  	v62 =	vor.u32 $0x3, v4;
	[tilespmem:s5+$0x60] =	vst @p3 v28;
	v19 =	vld.idx.msk @p2 [tilespmem:v19+s18+$0x0], $0xffff  }
0x1d9: {  	v21 =	vld.idx.msk @p3 [tilespmem:v23+s18+$0x0], $0xffff;
	v23 =	vmul.f32 @p2 v25, v24  }
0x1da: {  	v33 =	vld @p4 [tilespmem:s19+$0xFFFFFFF0];
	v24 =	vor.u32 $0x3, v7;
	v20 =	vmul.f32 v20, v26  }
0x1db: {  	[tilespmem:s16+$0x30] =	vst @p2 v23;
	v23 =	vld @p2 [tilespmem:s1+$0xFFFFFFB0]  }
0x1dc: {  	v12 =	vmul.f32 v61, v12;
	v22 =	vld.idx.msk @p2 [tilespmem:v22+s18+$0x0], $0xffff;
	[tilespmem:s30+$0x20] =	vst v20  }
0x1dd: {  	v20 =	vld.idx.msk [tilespmem:v62+s18+$0x0], $0xffff  }
0x1de: {  	[tilespmem:s30+$0xFFFFFFA0] =	vst v12;
	v12 =	vld [tilespmem:s10+$0x30]  }
0x1df: {  	v25 =	vmul.f32 @p3 v31, v27;
	v24 =	vld.idx.msk [tilespmem:v24+s18+$0x0], $0xffff  }
0x1e0: {  	v19 =	vmul.f32 @p2 v23, v19;
	v23 =	vld [tilespmem:s10+$0xFFFFFFB0]  }
0x1e1: {  	s13 =	smov.u32 @p2 s16;
	v26 =	vor.u32 $0x4, v4;
	[tilespmem:s5+$0xFFFFFFD0] =	vst @p3 v25;
	v25 =	vld @p2 [tilespmem:s1+$0x40]  }
0x1e2: {  	v27 =	vld.idx.msk @p3 [tilespmem:v36+s18+$0x0], $0xffff;
	[tilespmem:s13+$0xFFFFFFB0] =	vst @p2 v19  }
0x1e3: {  	v19 =	vor.u32 $0x4, v7;
	v12 =	vmul.f32 v12, v20;
	v17 =	vld.idx.msk @p2 [tilespmem:v17+s18+$0x0], $0xffff  }
0x1e4: {  	v20 =	vld @p2 [tilespmem:s1+$0xFFFFFFC0]  }
0x1e5: {  	v30 =	vld @p3 [tilespmem:s4+$0xFFFFFFE0];
	[tilespmem:s30+$0x30] =	vst v12;
	v12 =	vmul.f32 v23, v24  }
0x1e6: {  	v28 =	vor.u32 @p2 $0x5, v29;
	v23 =	vld.idx.msk [tilespmem:v26+s18+$0x0], $0xffff  }
0x1e7: {  	v22 =	vmul.f32 @p2 v25, v22;
	v24 =	vld [tilespmem:s10+$0x40];
	[tilespmem:s30+$0xFFFFFFB0] =	vst v12  }
0x1e8: {  	v12 =	vld.idx.msk [tilespmem:v19+s18+$0x0], $0xffff  }
0x1e9: {  	[tilespmem:s13+$0x40] =	vst @p2 v22;
	v17 =	vmul.f32 @p2 v20, v17;
	v19 =	vld [tilespmem:s10+$0xFFFFFFC0]  }
0x1ea: {  	v22 =	vor.u32 $0x5, v4;
	v25 =	vld @p2 [tilespmem:s1+$0x50]  }
0x1eb: {  	v20 =	vld.idx.msk @p2 [tilespmem:v28+s18+$0x0], $0xffff;
	[tilespmem:s13+$0xFFFFFFC0] =	vst @p2 v17  }
0x1ec: {  	v17 =	vor.u32 $0x5, v7;
	v23 =	vmul.f32 v24, v23;
	v14 =	vld.idx.msk @p2 [tilespmem:v14+s18+$0x0], $0xffff  }
0x1ed: {  	v24 =	vld @p2 [tilespmem:s1+$0xFFFFFFD0]  }
0x1ee: {  	v26 =	vld @p3 [tilespmem:s4+$0x70];
	v28 =	vor.u32 @p2 $0x6, v29;
	[tilespmem:s30+$0x40] =	vst v23;
	v12 =	vmul.f32 v19, v12  }
0x1ef: {  	v19 =	vld.idx.msk [tilespmem:v22+s18+$0x0], $0xffff  }
0x1f0: {  	v20 =	vmul.f32 @p2 v25, v20;
	v22 =	vld [tilespmem:s10+$0x50];
	[tilespmem:s30+$0xFFFFFFC0] =	vst v12  }
0x1f1: {  	v8 =	vpsel p2, v13, v8;
	v12 =	vld.idx.msk [tilespmem:v17+s18+$0x0], $0xffff  }
0x1f2: {  	v13 =	vmul.f32 @p3 v30, v27;
	[tilespmem:s13+$0x50] =	vst @p2 v20;
	v14 =	vpsel p2, v14, v15;
	v15 =	vpsel p2, v24, v16;
	v16 =	vld [tilespmem:s10+$0xFFFFFFD0]  }
0x1f3: {  	v17 =	vld.idx.msk @p2 [tilespmem:v28+s18+$0x0], $0xffff;
	v14 =	vmul.f32 @p2 v15, v14;
	v15 =	vor.u32 $0x6, v4  }
0x1f4: {  	s17 =	smov.u32 @p2 s13;
	[tilespmem:s5+$0xFFFFFFE0] =	vst @p3 v13;
	v13 =	vld @p2 [tilespmem:s1+$0x60]  }
0x1f5: {  	s2 =	smov.u32 @p2 s1;
	v23 =	vld.idx.msk @p3 [tilespmem:v32+s18+$0x0], $0xffff;
	v20 =	vor.u32 $0x6, v7;
	[tilespmem:s17+$0xFFFFFFD0] =	vst @p2 v14;
	v14 =	vmul.f32 v22, v19  }
0x1f6: {  	s1 =	smov.u32 @p2 s2;
	v8 =	vld.idx.msk @p2 [tilespmem:v8+s18+$0x0], $0xffff  }
0x1f7: {  	v5 =	vpsel p2, v29, v5;
	v19 =	vld @p2 [tilespmem:s1+$0xFFFFFFE0];
	[tilespmem:s30+$0x50] =	vst v14;
	v12 =	vmul.f32 v16, v12  }
0x1f8: {  	v5 =	vor.u32 @p2 $0x7, v5;
	v14 =	vld.idx.msk [tilespmem:v15+s18+$0x0], $0xffff  }
0x1f9: {  	v10 =	vpsel p2, v17, v10;
	v11 =	vpsel p2, v13, v11;
	v13 =	vld [tilespmem:s10+$0x60];
	[tilespmem:s30+$0xFFFFFFD0] =	vst v12  }
0x1fa: {  	v6 =	vpsel p2, v9, v6;
	v9 =	vmul.f32 @p2 v11, v10;
	v10 =	vld.idx.msk [tilespmem:v20+s18+$0x0], $0xffff  }
0x1fb: {  	s2 =	smov.u32 @p3 s4;
	v11 =	vld [tilespmem:s10+$0xFFFFFFE0]  }
0x1fc: {  	v4 =	vor.u32 $0x7, v4;
	v12 =	vld @p3 [tilespmem:s2+$0xFFFFFFF0];
	[tilespmem:s17+$0x60] =	vst @p2 v9;
	v8 =	vmul.f32 @p2 v19, v8  }
0x1fd: {  	s2 =	smov.u32 @p2 s17;
	v5 =	vld.idx.msk @p2 [tilespmem:v5+s18+$0x0], $0xffff  }
0x1fe: {  	v7 =	vor.u32 $0x7, v7;
	v9 =	vld @p2 [tilespmem:s1+$0x70];
	[tilespmem:s2+$0xFFFFFFE0] =	vst @p2 v8;
	v8 =	vmul.f32 v13, v14  }
0x1ff: {  	s1 =	smov.u32 @p2 s1;
	v6 =	vld.idx.msk @p2 [tilespmem:v6+s18+$0x0], $0xffff  }
0x200: {  	v13 =	vld @p2 [tilespmem:s1+$0xFFFFFFF0];
	[tilespmem:s30+$0x60] =	vst v8;
	v8 =	vmul.f32 v11, v10  }
0x201: {  	v4 =	vld.idx.msk [tilespmem:v4+s18+$0x0], $0xffff  }
0x202: {  	v10 =	vld [tilespmem:s10+$0x70];
	[tilespmem:s30+$0xFFFFFFE0] =	vst v8  }
0x203: {  	v11 =	vmul.f32 @p3 v26, v21;
	v7 =	vld.idx.msk [tilespmem:v7+s18+$0x0], $0xffff  }
0x204: {  	v8 =	vmul.f32 @p4 v33, v18;
	v15 =	vld [tilespmem:s10+$0xFFFFFFF0]  }
0x205: {  	v14 =	vpsel p3, v23, v0;
	v5 =	vmul.f32 @p2 v9, v5;
	[tilespmem:s5+$0x70] =	vst @p3 v11  }
0x206: {  	[tilespmem:s25+$0xFFFFFFF0] =	vst @p4 v8;
	v8 =	vmul.f32 @p3 v12, v14;
	v6 =	vpsel p2, v6, v0  }
0x207: {  	s1 =	smov.u32 @p3 s5;
	[tilespmem:s2+$0x70] =	vst @p2 v5;
	v6 =	vmul.f32 @p2 v13, v6  }
0x208: {  	[tilespmem:s1+$0xFFFFFFF0] =	vst @p3 v8;
	s1 =	smov.u32 @p2 s2;
	v4 =	vmul.f32 v10, v4  }
0x209: {  	[tilespmem:s1+$0xFFFFFFF0] =	vst @p2 v6;
	v5 =	vmul.f32 v15, v7  }
0x20a: {  	[tilespmem:s30+$0x70] =	vst v4  }
0x20b: {  	s13 =	simm.s32 $0x4D80;
	s10 =	rddreg [dreg:$0x2];
	[tilespmem:s30+$0xFFFFFFF0] =	vst v5  }
0x20c: {  	[spmem:s10] =	stream.indirect.scatter.add.f32 [tilespmem:s13], [sflag:$0x5], $0x80, s0, s22, $0xb8;
	[tilespmem:$0x1E180] =	vst v63  }
0x20d: {  	s1 =	simm.s32 @!p0 $0x1  }
0x20e: {  	[spmem:s14] =	stream.indirect.scatter.add.f32 [tilespmem:s18], [sflag:$0x5], $0x8, s0, s22, $0xb8;
	[tilespmem:$0x1E180] =	vst v63  }
0x20f: {  	_ =	swait.ge @!p0 [sflag:s1], $0x40  }
0x210: {  	[sflag:s1] =	ssyncset.done @!p0 $0x0  }
0x211: {  	[sflag:s1] =	ssyncadd.s32 @!p0 $0xFFFFFFC0  }
0x212: {  	_ =	swait.ge @!p0 [sflag:s1], $0x40  }
0x213: {  	s4 =	simm.s32 @!p0 $0x180;
	[sflag:s1] =	ssyncset.done @!p0 $0x0  }
0x214: {  	s2 =	simm.s32 @!p0 $0x0;
	[sflag:s1] =	ssyncadd.s32 @!p0 $0xFFFFFFC0;
	s1 =	simm.s32 @!p0 $0x40  }
0x215: {  	[tilespmem:s4], [sflag:$0x3] =	stream.indirect.gather @!p0 [hbm4b:s7+s1], $0x8, s2, s1, $0xb8;
	[tilespmem:$0x1E180] =	vst v63  }
0x216: {  	s5 =	simm.s32 @!p0 $0x580;
	s4 =	simm.s32 @!p0 $0x80  }
0x217: {  	[tilespmem:s5], [sflag:$0x3] =	stream.indirect.gather @!p0 [hbm4b:s8+s1], $0x8, s4, s1, $0xb8;
	[tilespmem:$0x1E180] =	vst v63  }
0x218: {  	s4 =	simm.s32 @!p0 $0xD80  }
0x219: {  	[tilespmem:s4], [sflag:$0x3] =	stream.indirect.gather @!p0 [hbm4b:s9+s1], $0x80, s2, s1, $0xb8;
	[tilespmem:$0x1E180] =	vst v63  }
0x21a: {  	_ =	swait.ge [sflag:s3], $0x200  }
0x21b: {  	[sflag:s3] =	ssyncset.done $0x0  }
0x21c: {  	[sflag:s3] =	ssyncadd.s32 $0xFFFFFE00  }
0x21d: {  	_ =	swait.ge [sflag:s3], $0x200  }
0x21e: {  	[sflag:s3] =	ssyncset.done $0x0  }
0x21f: {  	[sflag:s3] =	ssyncadd.s32 $0xFFFFFE00  }
0x220: {  	_ =	swait.ge [sflag:s3], $0x2000  }
0x221: {  	[sflag:s3] =	ssyncset.done $0x0  }
0x222: {  	s4 =	simm.s32 @!p1 $0x6;
	[sflag:s3] =	ssyncadd.s32 $0xFFFFE000  }
0x223: {  	_ =	swait.ge @!p1 [sflag:s4], $0x2000  }
0x224: {  	[sflag:s4] =	ssyncset.done @!p1 $0x0  }
0x225: {  	[sflag:s4] =	ssyncadd.s32 @!p1 $0xFFFFE000  }
0x226: {  	_ =	swait.ge @!p1 [sflag:s4], $0x200  }
0x227: {  	[sflag:s4] =	ssyncset.done @!p1 $0x0  }
0x228: {  	[sflag:s4] =	ssyncadd.s32 @!p1 $0xFFFFFE00  }
0x229: {  	s16 =	simm.s32 $0x0;
	v4 =	vld [tilespmem:$0xC0]  }
0x22a: {  	v6 =	vmov s16  }
0x22b: {  	vm1 =	veq.s32 v6, v1  }
0x22c: {  	vm1 =	vmand vm1, vm0;
	v5 =	vld [tilespmem:$0xD0]  }
0x22d: {  	v8 =	vsel vm1, $0xFFFFFFFF, v2;
	v7 =	vld [tilespmem:$0xE0]  }
0x22e: {  	v6 =	vld [tilespmem:$0xF0];
	[tilespmem:$0x140] =	vst v4;
	v4 =	vshll.u32 v8, $0x3  }
0x22f: {  	v4 =	vadd.s32 s16, v4  }
0x230: {  	s5 =	rddreg [dreg:$0x1f];
	v4 =	vadd.s32 v1, v4  }
0x231: {  	s5 =	sadd.s32 @!p0 s21, s5;
	[tilespmem:$0x150] =	vst v5;
	v4 =	vand.u32 $0xFFFFFFF8, v4  }
0x232: {  	s17 =	simm.s32 $0x40;
	s4 =	sshrl.u32 @!p0 s5, $0x3;
	s30 =	rddreg [dreg:$0x0];
	[tilespmem:$0x160] =	vst v7;
	v17 =	vor.u32 v3, v4  }
0x233: {  	s21 =	simm.s32 $0x20;
	s5 =	sadd.s32 @!p0 s30, s4;
	[tilespmem:$0x170] =	vst v6;
	v4 =	vmov s17  }
0x234: {  	[tilespmem:s1], [sflag:$0x2] =	stream.linear.gather @!p0 [hbm4b:s5+s2], $0x40, $0x38;
	vm1 =	veq.s32 v4, v1;
	[tilespmem:$0x1E180] =	vst v63  }
0x235: {  	s19 =	simm.s32 $0x10;
	s4 =	sadd.s32 @!p0 s6, s4;
	v6 =	vor.u32 s21, v1;
	s5 =	simm.s32 @!p0 $0xC0;
	vm1 =	vmand vm1, vm0  }
0x236: {  	[tilespmem:s5], [sflag:$0x2] =	stream.linear.gather @!p0 [hbm4b:s4+s2], $0x40, $0x38;
	v5 =	vsel vm1, $0xFFFFFFFF, v2;
	[tilespmem:$0x1E180] =	vst v63  }
0x237: {  	v4 =	vor.u32 s19, v1;
	v5 =	vshll.u32 v5, $0x3;
	v7 =	vld.idx.msk [tilespmem:v17+s29+$0x0], $0xffff  }
0x238: {  	s25 =	simm.s32 $0x30;
	v8 =	vld.idx.msk [tilespmem:v17+s28+$0x0], $0xffff;
	v5 =	vadd.s32 s17, v5  }
0x239: {  	v9 =	vadd.s32 v1, v5;
	v5 =	vor.u32 s25, v1  }
0x23a: {  	v14 =	vld.idx.msk [tilespmem:v6+s29+$0x0], $0xffff;
	v9 =	vand.u32 $0xFFFFFFF8, v9  }
0x23b: {  	v16 =	vld.idx.msk [tilespmem:v6+s28+$0x0], $0xffff;
	v10 =	vor.u32 v3, v9  }
0x23c: {  	v9 =	vld.idx.msk [tilespmem:v4+s29+$0x0], $0xffff  }
0x23d: {  	s4 =	simm.s32 $0x80;
	v7 =	vadd.f32 v7, v8;
	v8 =	vld.idx.msk [tilespmem:v4+s28+$0x0], $0xffff  }
0x23e: {  	v11 =	vmov s4;
	v15 =	vld.idx.msk [tilespmem:v5+s28+$0x0], $0xffff  }
0x23f: {  	vm1 =	veq.s32 v11, v1;
	v20 =	vld.idx.msk [tilespmem:v5+s29+$0x0], $0xffff;
	v11 =	vmul.f32 $2.000000030e-01, v7  }
0x240: {  	vm1 =	vmand vm1, vm0;
	vm2 =	vgt.f32 v7, $0.0e+00;
	v18 =	vld.idx.msk [tilespmem:v10+s29+$0x0], $0xffff  }
0x241: {  	v12 =	vsel vm1, $0xFFFFFFFF, v2;
	v19 =	vld.idx.msk [tilespmem:v10+s28+$0x0], $0xffff;
	v7 =	vsel vm2, v7, v11  }
0x242: {  	s5 =	simm.s32 $0x50;
	v14 =	vadd.f32 v14, v16;
	v11 =	vshll.u32 v12, $0x3;
	v12 =	vmul.f32 $1.442695020e+00, v7  }
0x243: {  	v7 =	vor.u32 s5, v1;
	v11 =	vadd.s32 s4, v11;
	v9 =	vadd.f32 v9, v8  }
0x244: {  	s13 =	simm.s32 $0x60;
	v11 =	vadd.s32 v1, v11;
	v20 =	vadd.f32 v20, v15;
	(erf) = vpow2.f32 v12  }
0x245: {  	s17 =	simm.s32 $0xC0;
	v12 =	vand.u32 $0xFFFFFFF8, v11;
	v11 =	vor.u32 s13, v1;
	v21 =	vmul.f32 $2.000000030e-01, v9  }
0x246: {  	v15 =	vmov s17;
	vm1 =	vgt.f32 v9, $0.0e+00;
	v18 =	vadd.f32 v18, v19  }
0x247: {  	v12 =	vor.u32 v3, v12;
	v24 =	vsel vm1, v9, v21;
	v21 =	vmul.f32 $2.000000030e-01, v14  }
0x248: {  	s16 =	simm.s32 $0x70;
	vm3 =	vgt.f32 v14, $0.0e+00;
	vm1 =	veq.s32 v15, v1;
	v16 =	vld.idx.msk [tilespmem:v7+s29+$0x0], $0xffff;
	v15 =	vmul.f32 $2.000000030e-01, v18  }
0x249: {  	v13 =	vor.u32 s16, v1;
	v19 =	vld.idx.msk [tilespmem:v7+s28+$0x0], $0xffff;
	vm2 =	vgt.f32 v18, $0.0e+00;
	v14 =	vsel vm3, v14, v21  }
0x24a: {  	vm1 =	vmand vm1, vm0;
	v26 =	vld.idx.msk [tilespmem:v11+s29+$0x0], $0xffff;
	v15 =	vsel vm2, v18, v15;
	v21 =	vmul.f32 $1.442695020e+00, v14  }
0x24b: {  	v22 =	vsel vm1, $0xFFFFFFFF, v2;
	v27 =	vld.idx.msk [tilespmem:v11+s28+$0x0], $0xffff;
	v15 =	vmul.f32 $1.442695020e+00, v15  }
0x24c: {  	v18 =	vshll.u32 v22, $0x3;
	v63 =	vld.idx.msk [tilespmem:v12+s29+$0x0], $0xffff  }
0x24d: {  	s10 =	simm.s32 $0x90;
	v22 =	vld.idx.msk [tilespmem:v12+s28+$0x0], $0xffff;
	v18 =	vadd.s32 s17, v18;
	(erf) = vpow2.f32 v15  }
0x24e: {  	v8 =	vor.u32 s10, v1;
	v14 =	vadd.s32 v1, v18;
	v18 =	vld.idx.msk [tilespmem:v13+s28+$0x0], $0xffff;
	(erf) = vpow2.f32 v21;
	v21 =	vpop (erf)  }
0x24f: {  	s21 =	simm.s32 $0xA0;
	v23 =	vmul.f32 $2.000000030e-01, v20;
	v24 =	vmul.f32 $1.442695020e+00, v24;
	vm1 =	vgt.f32 v20, $0.0e+00;
	[tilespmem:v17+s12+$0x0] =	vst.idx.msk $0xffff, v21;
	v21 =	vld.idx.msk [tilespmem:v13+s29+$0x0], $0xffff  }
0x250: {  	s25 =	simm.s32 $0xB0;
	v19 =	vadd.f32 v16, v19;
	v15 =	vand.u32 $0xFFFFFFF8, v14;
	v14 =	vor.u32 s21, v1  }
0x251: {  	s19 =	simm.s32 $0xD0;
	v20 =	vsel vm1, v20, v23;
	v16 =	vor.u32 v3, v15;
	v15 =	vor.u32 s25, v1  }
0x252: {  	s1 =	simm.s32 $0xF0;
	v9 =	vor.u32 s19, v1;
	v25 =	vmul.f32 $1.442695020e+00, v20;
	v23 =	vmul.f32 $2.000000030e-01, v19  }
0x253: {  	s2 =	simm.s32 $0xE0;
	s4 =	simm.s32 $0xC;
	s5 =	simm.s32 $0x130;
	vm1 =	vgt.f32 v19, $0.0e+00;
	v17 =	vld.idx.msk [tilespmem:v8+s29+$0x0], $0xffff;
	v20 =	vadd.f32 v26, v27;
	v22 =	vadd.f32 v63, v22  }
.LBB2_19:
0x254: {  	s10 =	sadd.s32 $0xFFFFFFD0, s5;
	s13 =	sadd.s32 $0xFFFFFFE0, s5;
	s16 =	sadd.s32 $0xFFFFFFF0, s5;
	v26 =	vld.idx.msk [tilespmem:v8+s28+$0x0], $0xffff;
	v27 =	vsel vm1, v19, v23;
	v23 =	vadd.f32 v21, v18;
	(erf) = vpow2.f32 v25;
	v28 =	vmovc v4  }
0x255: {  	s4 =	sadd.s32 $0x4, s4;
	v4 =	vmovc v7;
	v7 =	vmovc v8;
	v18 =	vmov s10;
	v19 =	vor.u32 s13, v1;
	v29 =	vld.idx.msk [tilespmem:v14+s29+$0x0], $0xffff;
	(erf) = vpow2.f32 v24  }
0x256: {  	v8 =	vmovc v9;
	p0 =	slt.u32 s4, $0x1C;
	v25 =	vmul.f32 $2.000000030e-01, v22;
	v24 =	vmul.f32 $2.000000030e-01, v20;
	vm1 =	veq.s32 v18, v1;
	v18 =	vld.idx.msk [tilespmem:v15+s28+$0x0], $0xffff;
	v9 =	vmovc v19  }
0x257: {  	v31 =	vmovc v5;
	v5 =	vmovc v13;
	vm2 =	vgt.f32 v22, $0.0e+00;
	vm3 =	vgt.f32 v20, $0.0e+00;
	vm1 =	vmand vm1, vm0;
	v30 =	vld.idx.msk [tilespmem:v14+s28+$0x0], $0xffff  }
0x258: {  	v34 =	vsel vm2, v22, v25;
	v22 =	vmul.f32 $2.000000030e-01, v23;
	v13 =	vsel vm1, $0xFFFFFFFF, v2;
	v32 =	vld.idx.msk [tilespmem:v16+s29+$0x0], $0xffff;
	v21 =	vpop (erf)  }
0x259: {  	v24 =	vsel vm3, v20, v24;
	v25 =	vmul.f32 $1.442695020e+00, v34;
	v13 =	vshll.u32 v13, $0x3;
	v33 =	vld.idx.msk [tilespmem:v16+s28+$0x0], $0xffff;
	[tilespmem:v10+s12+$0x0] =	vst.idx.msk $0xffff, v21;
	v19 =	vpop (erf)  }
0x25a: {  	v20 =	vmul.f32 $1.442695020e+00, v24;
	vm1 =	vgt.f32 v23, $0.0e+00;
	v34 =	vadd.s32 s10, v13;
	v21 =	vld.idx.msk [tilespmem:v15+s29+$0x0], $0xffff;
	[tilespmem:v6+s12+$0x0] =	vst.idx.msk $0xffff, v19;
	v6 =	vmovc v11  }
.Ltmp10:
0x25b: {  	v10 =	vmovc v12;
	v19 =	vadd.f32 v17, v26;
	v11 =	vmovc v14;
	v24 =	vadd.s32 v1, v34;
	(erf) = vpow2.f32 v25;
	(pc) =	sbr.rel @p0 .LBB2_19-.Ltmp10, $4  }
0x25c: {  	v12 =	vmovc v16;
	v14 =	vor.u32 s2, v1;
	s2 =	smov.u32 s16;
	v17 =	vand.u32 $0xFFFFFFF8, v24;
	(erf) = vpow2.f32 v20;
	v13 =	vmovc v15  }
0x25d: {  	v15 =	vor.u32 s1, v1;
	v20 =	vsel vm1, v23, v22;
	s1 =	smov.u32 s5;
	v16 =	vor.u32 v3, v17;
	v22 =	vpop (erf)  }
0x25e: {  	vm1 =	vgt.f32 v19, $0.0e+00;
	v23 =	vmul.f32 $2.000000030e-01, v19;
	v25 =	vmul.f32 $1.442695020e+00, v20;
	v17 =	vld.idx.msk [tilespmem:v8+s29+$0x0], $0xffff;
	[tilespmem:v31+s12+$0x0] =	vst.idx.msk $0xffff, v22;
	v26 =	vpop (erf)  }
0x25f: {  	s5 =	sadd.s32 $0x40, s5;
	v24 =	vmul.f32 $1.442695020e+00, v27;
	v20 =	vadd.f32 v29, v30;
	v22 =	vadd.f32 v32, v33;
	[tilespmem:v28+s12+$0x0] =	vst.idx.msk $0xffff, v26  }
0x260: {  	_ =	sdelay $0x3  }
0x261: {  	v26 =	vld.idx.msk [tilespmem:v8+s28+$0x0], $0xffff  }
0x262: {  	v27 =	vld.idx.msk [tilespmem:v14+s29+$0x0], $0xffff  }
0x263: {  	v28 =	vld.idx.msk [tilespmem:v15+s28+$0x0], $0xffff;
	v30 =	vor.u32 s2, v1  }
0x264: {  	v18 =	vadd.f32 v21, v18;
	v29 =	vld.idx.msk [tilespmem:v16+s29+$0x0], $0xffff;
	v52 =	vor.u32 s1, v1;
	v21 =	vmul.f32 $2.000000030e-01, v22  }
0x265: {  	v31 =	vld.idx.msk [tilespmem:v14+s28+$0x0], $0xffff;
	vm2 =	vgt.f32 v22, $0.0e+00  }
0x266: {  	(erf) = vpow2.f32 v25;
	v21 =	vsel vm2, v22, v21;
	v22 =	vld.idx.msk [tilespmem:v16+s28+$0x0], $0xffff  }
0x267: {  	v53 =	vld.idx.msk [tilespmem:v15+s29+$0x0], $0xffff;
	v19 =	vsel vm1, v19, v23;
	v51 =	vmul.f32 $2.000000030e-01, v20;
	(erf) = vpow2.f32 v24  }
0x268: {  	v32 =	vmul.f32 $2.000000030e-01, v18;
	vm1 =	vgt.f32 v18, $0.0e+00;
	vm2 =	vgt.f32 v20, $0.0e+00;
	v54 =	vld.idx.msk [tilespmem:v30+s29+$0x0], $0xffff  }
0x269: {  	v21 =	vmul.f32 $1.442695020e+00, v21;
	v20 =	vsel vm2, v20, v51;
	v17 =	vadd.f32 v17, v26;
	v55 =	vld.idx.msk [tilespmem:v52+s28+$0x0], $0xffff  }
0x26a: {  	v19 =	vmul.f32 $1.442695020e+00, v19;
	v18 =	vsel vm1, v18, v32;
	v20 =	vmul.f32 $1.442695020e+00, v20;
	v58 =	vld.idx.msk [tilespmem:v52+s29+$0x0], $0xffff  }
0x26b: {  	(erf) = vpow2.f32 v21;
	v21 =	vld.idx.msk [tilespmem:v9+s29+$0x0], $0xffff;
	v23 =	vmul.f32 $2.000000030e-01, v17;
	v22 =	vadd.f32 v29, v22  }
0x26c: {  	v18 =	vmul.f32 $1.442695020e+00, v18;
	(erf) = vpow2.f32 v20;
	v20 =	vld.idx.msk [tilespmem:v9+s28+$0x0], $0xffff;
	vm1 =	vgt.f32 v17, $0.0e+00  }
0x26d: {  	v27 =	vadd.f32 v27, v31;
	v56 =	vld.idx.msk [tilespmem:v30+s28+$0x0], $0xffff;
	v17 =	vsel vm1, v17, v23;
	v23 =	vmul.f32 $2.000000030e-01, v22  }
0x26e: {  	v24 =	vadd.f32 v53, v28;
	(erf) = vpow2.f32 v18;
	vm1 =	vgt.f32 v22, $0.0e+00  }
0x26f: {  	v57 =	vmul.f32 $2.000000030e-01, v27;
	(erf) = vpow2.f32 v19;
	v18 =	vsel vm1, v22, v23  }
0x270: {  	vm1 =	vgt.f32 v27, $0.0e+00;
	v22 =	vmul.f32 $2.000000030e-01, v24;
	v18 =	vmul.f32 $1.442695020e+00, v18  }
0x271: {  	v20 =	vadd.f32 v21, v20;
	v21 =	vadd.f32 v58, v55;
	v19 =	vsel vm1, v27, v57  }
0x272: {  	v19 =	vmul.f32 $1.442695020e+00, v19;
	(erf) = vpow2.f32 v18;
	v18 =	vadd.f32 v54, v56  }
0x273: {  	v17 =	vmul.f32 $1.442695020e+00, v17;
	vm1 =	vgt.f32 v24, $0.0e+00;
	v59 =	vmul.f32 $2.000000030e-01, v21  }
0x274: {  	(erf) = vpow2.f32 v19;
	v19 =	vsel vm1, v24, v22;
	v23 =	vmul.f32 $2.000000030e-01, v18  }
0x275: {  	vm1 =	vgt.f32 v20, $0.0e+00;
	v19 =	vmul.f32 $1.442695020e+00, v19;
	vm2 =	vgt.f32 v18, $0.0e+00  }
0x276: {  	v60 =	vpop (erf);
	v22 =	vmul.f32 $2.000000030e-01, v20;
	v18 =	vsel vm2, v18, v23;
	vm2 =	vgt.f32 v21, $0.0e+00  }
0x277: {  	[tilespmem:v10+s12+$0x0] =	vst.idx.msk $0xffff, v60;
	v61 =	vpop (erf);
	(erf) = vpow2.f32 v19;
	v18 =	vmul.f32 $1.442695020e+00, v18;
	v19 =	vsel vm2, v21, v59  }
0x278: {  	[tilespmem:v6+s12+$0x0] =	vst.idx.msk $0xffff, v61;
	v6 =	vpop (erf);
	v62 =	vsel vm1, v20, v22;
	(erf) = vpow2.f32 v17;
	v63 =	vmul.f32 $1.442695020e+00, v19  }
0x279: {  	[tilespmem:v5+s12+$0x0] =	vst.idx.msk $0xffff, v6;
	v5 =	vpop (erf);
	v6 =	vmul.f32 $1.442695020e+00, v62;
	(erf) = vpow2.f32 v18  }
0x27a: {  	[tilespmem:v4+s12+$0x0] =	vst.idx.msk $0xffff, v5;
	v4 =	vpop (erf);
	(erf) = vpow2.f32 v63  }
0x27b: {  	[tilespmem:v12+s12+$0x0] =	vst.idx.msk $0xffff, v4;
	v4 =	vpop (erf);
	(erf) = vpow2.f32 v6  }
0x27c: {  	v5 =	vpop (erf);
	[tilespmem:v11+s12+$0x0] =	vst.idx.msk $0xffff, v4  }
0x27d: {  	v4 =	vpop (erf);
	[tilespmem:v13+s12+$0x0] =	vst.idx.msk $0xffff, v5  }
0x27e: {  	[tilespmem:v7+s12+$0x0] =	vst.idx.msk $0xffff, v4;
	v5 =	vpop (erf)  }
0x27f: {  	v4 =	vpop (erf);
	[tilespmem:v16+s12+$0x0] =	vst.idx.msk $0xffff, v5  }
0x280: {  	p3 =	por $0x1, $0x1;
	[tilespmem:v14+s12+$0x0] =	vst.idx.msk $0xffff, v4;
	v5 =	vpop (erf)  }
.Ltmp11:
0x281: {  	[tilespmem:v15+s12+$0x0] =	vst.idx.msk $0xffff, v5;
	v4 =	vpop (erf);
	(pc) =	sbr.rel @!p3 .LBB2_21-.Ltmp11, $4  }
0x282: {  	[tilespmem:v8+s12+$0x0] =	vst.idx.msk $0xffff, v4;
	v4 =	vpop (erf)  }
0x283: {  	s21 =	simm.s32 $0x0;
	[tilespmem:v30+s12+$0x0] =	vst.idx.msk $0xffff, v4;
	v4 =	vpop (erf)  }
0x284: {  	s10 =	simm.s32 $0x2E00;
	s17 =	simm.s32 $0x6E00;
	s25 =	simm.s32 $0x8;
	v7 =	vmov s21;
	[tilespmem:v52+s12+$0x0] =	vst.idx.msk $0xffff, v4;
	v4 =	vpop (erf)  }
0x285: {  	p0 =	por $0x0, $0x0;
	p1 =	por $0x0, $0x0;
	p2 =	por $0x0, $0x0;
	v20 =	vor.u32 $0x1, v7;
	v12 =	vor.u32 $0x2, v7;
	v5 =	vmov s25;
	[tilespmem:v9+s12+$0x0] =	vst.idx.msk $0xffff, v4  }
0x286: {  	_ =	sdelay $0x3  }
0x287: {  	v4 =	vld.idx.msk [tilespmem:v5+s12+$0x0], $0xffff  }
0x288: {  	v6 =	vld [tilespmem:s10+$0x0];
	_ =	sdelay $0x2  }
0x289: {  	v8 =	vor.u32 $0x1, v5  }
0x28a: {  	v9 =	vld.idx.msk [tilespmem:v7+s12+$0x0], $0xffff  }
0x28b: {  	v4 =	vmul.f32 v6, v4;
	v6 =	vld [tilespmem:s10+$0xFFFFFF80];
	_ =	sdelay $0x1  }
0x28c: {  	[tilespmem:s17+$0x0] =	vst v4  }
0x28d: {  	v4 =	vld.idx.msk [tilespmem:v8+s12+$0x0], $0xffff  }
0x28e: {  	v8 =	vld [tilespmem:s10+$0x10]  }
0x28f: {  	v6 =	vmul.f32 v6, v9;
	_ =	sdelay $0x1  }
0x290: {  	v9 =	vor.u32 $0x2, v5;
	[tilespmem:s17+$0xFFFFFF80] =	vst v6  }
0x291: {  	v6 =	vld.idx.msk [tilespmem:v20+s12+$0x0], $0xffff  }
0x292: {  	v4 =	vmul.f32 v8, v4;
	v8 =	vld [tilespmem:s10+$0xFFFFFF90];
	_ =	sdelay $0x1  }
0x293: {  	[tilespmem:s17+$0x10] =	vst v4  }
0x294: {  	v4 =	vld.idx.msk [tilespmem:v9+s12+$0x0], $0xffff  }
0x295: {  	p3 =	por $0x1, $0x1;
	v9 =	vld [tilespmem:s10+$0x20]  }
.Ltmp12:
0x296: {  	v10 =	vmul.f32 v8, v6;
	(pc) =	sbr.rel @!p3 .LBB2_23-.Ltmp12, $4  }
0x297: {  	v19 =	vor.u32 $0x3, v7;
	v17 =	vor.u32 $0x4, v7;
	v14 =	vor.u32 $0x5, v7;
	s1 =	simm.s32 $0x10  }
0x298: {  	v8 =	vor.u32 $0x6, v7;
	v6 =	vor.u32 $0x7, v7;
	v7 =	vmov s1;
	[tilespmem:s17+$0xFFFFFF90] =	vst v10  }
0x299: {  	v24 =	vor.u32 $0x3, v5;
	s25 =	simm.s32 $0x18;
	v20 =	vor.u32 $0x1, v7;
	v21 =	vld.idx.msk [tilespmem:v12+s12+$0x0], $0xffff  }
0x29a: {  	p0 =	por $0x1, $0x1;
	v29 =	vmul.f32 v9, v4;
	v22 =	vld [tilespmem:s10+$0xFFFFFFA0];
	v12 =	vor.u32 $0x2, v7;
	v4 =	vmov s25  }
0x29b: {  	_ =	sdelay $0x2  }
0x29c: {  	[tilespmem:s17+$0x20] =	vst v29  }
0x29d: {  	v9 =	vld.idx.msk [tilespmem:v24+s12+$0x0], $0xffff  }
0x29e: {  	v10 =	vld [tilespmem:s10+$0x30];
	_ =	sdelay $0x2  }
0x29f: {  	v11 =	vor.u32 $0x4, v5  }
0x2a0: {  	v13 =	vld.idx.msk [tilespmem:v4+s12+$0x0], $0xffff;
	s21 =	simm.s32 $0x2F00  }
0x2a1: {  	v15 =	vld [tilespmem:s21+$0x0];
	v9 =	vmul.f32 v10, v9  }
0x2a2: {  	v18 =	vld [tilespmem:s21+$0xFFFFFF80]  }
0x2a3: {  	v16 =	vmul.f32 v22, v21;
	v10 =	vld.idx.msk [tilespmem:v7+s12+$0x0], $0xffff;
	[tilespmem:s17+$0x30] =	vst v9  }
0x2a4: {  	v9 =	vor.u32 $0x1, v4;
	v11 =	vld.idx.msk [tilespmem:v11+s12+$0x0], $0xffff  }
0x2a5: {  	[tilespmem:s17+$0xFFFFFFA0] =	vst v16;
	v16 =	vld [tilespmem:s10+$0x40]  }
0x2a6: {  	v13 =	vmul.f32 v15, v13;
	v19 =	vld.idx.msk [tilespmem:v19+s12+$0x0], $0xffff  }
0x2a7: {  	s5 =	simm.s32 $0x6F00;
	v15 =	vld [tilespmem:s10+$0xFFFFFFB0]  }
0x2a8: {  	[tilespmem:s5+$0x0] =	vst v13;
	v13 =	vor.u32 $0x5, v5;
	v10 =	vmul.f32 v18, v10  }
0x2a9: {  	v9 =	vld.idx.msk [tilespmem:v9+s12+$0x0], $0xffff  }
0x2aa: {  	[tilespmem:s5+$0xFFFFFF80] =	vst v10;
	v10 =	vld [tilespmem:s21+$0x10];
	v11 =	vmul.f32 v16, v11  }
0x2ab: {  	v16 =	vld.idx.msk [tilespmem:v20+s12+$0x0], $0xffff  }
0x2ac: {  	v15 =	vmul.f32 v15, v19;
	v18 =	vld [tilespmem:s21+$0xFFFFFF90];
	[tilespmem:s17+$0x40] =	vst v11  }
0x2ad: {  	v11 =	vor.u32 $0x2, v4;
	v13 =	vld.idx.msk [tilespmem:v13+s12+$0x0], $0xffff  }
0x2ae: {  	[tilespmem:s17+$0xFFFFFFB0] =	vst v15;
	v15 =	vld [tilespmem:s10+$0x50]  }
0x2af: {  	v9 =	vmul.f32 v10, v9;
	v10 =	vld.idx.msk [tilespmem:v17+s12+$0x0], $0xffff  }
0x2b0: {  	v17 =	vld [tilespmem:s10+$0xFFFFFFC0]  }
0x2b1: {  	v16 =	vmul.f32 v18, v16;
	[tilespmem:s5+$0x10] =	vst v9;
	v9 =	vor.u32 $0x6, v5  }
0x2b2: {  	v18 =	vld.idx.msk [tilespmem:v11+s12+$0x0], $0xffff  }
0x2b3: {  	[tilespmem:s5+$0xFFFFFF90] =	vst v16;
	v16 =	vld [tilespmem:s21+$0x20];
	v11 =	vmul.f32 v15, v13  }
0x2b4: {  	p3 =	por $0x1, $0x1;
	v21 =	vld.idx.msk [tilespmem:v12+s12+$0x0], $0xffff  }
.Ltmp13:
0x2b5: {  	s25 =	simm.s32 $0x28;
	v22 =	vld [tilespmem:s21+$0xFFFFFFA0];
	v12 =	vmul.f32 v17, v10;
	[tilespmem:s17+$0x50] =	vst v11;
	(pc) =	sbr.rel @!p3 .LBB2_25-.Ltmp13, $4  }
0x2b6: {  	v35 =	vor.u32 $0x5, v7;
	v23 =	vmov s25;
	v10 =	vld.idx.msk [tilespmem:v9+s12+$0x0], $0xffff  }
0x2b7: {  	s1 =	simm.s32 $0x20;
	v24 =	vor.u32 $0x3, v4;
	v19 =	vor.u32 $0x3, v7;
	v13 =	vor.u32 $0x6, v7;
	[tilespmem:s17+$0xFFFFFFC0] =	vst v12;
	v11 =	vld [tilespmem:s10+$0x60]  }
0x2b8: {  	v17 =	vor.u32 $0x4, v7;
	v9 =	vor.u32 $0x7, v7;
	v7 =	vmov s1;
	v15 =	vld.idx.msk [tilespmem:v14+s12+$0x0], $0xffff  }
0x2b9: {  	p1 =	por $0x1, $0x1;
	v29 =	vmul.f32 v16, v18;
	v20 =	vor.u32 $0x1, v7;
	v12 =	vor.u32 $0x2, v7;
	v16 =	vld [tilespmem:s10+$0xFFFFFFD0]  }
0x2ba: {  	_ =	sdelay $0x2  }
0x2bb: {  	v14 =	vor.u32 $0x7, v5;
	[tilespmem:s5+$0x20] =	vst v29  }
0x2bc: {  	v18 =	vld.idx.msk [tilespmem:v24+s12+$0x0], $0xffff  }
0x2bd: {  	v24 =	vld [tilespmem:s21+$0x30];
	v25 =	vmul.f32 v11, v10  }
0x2be: {  	v26 =	vld.idx.msk [tilespmem:v7+s12+$0x0], $0xffff  }
0x2bf: {  	v27 =	vld.idx.msk [tilespmem:v23+s12+$0x0], $0xffff;
	[tilespmem:s17+$0x60] =	vst v25  }
0x2c0: {  	v25 =	vor.u32 $0x4, v4;
	v29 =	vld.idx.msk [tilespmem:v14+s12+$0x0], $0xffff  }
0x2c1: {  	s1 =	simm.s32 $0x3000;
	v14 =	vmul.f32 v22, v21;
	v30 =	vld [tilespmem:s10+$0x70]  }
0x2c2: {  	v21 =	vld [tilespmem:s1+$0x0];
	v18 =	vmul.f32 v24, v18  }
0x2c3: {  	[tilespmem:s5+$0xFFFFFFA0] =	vst v14;
	v14 =	vld [tilespmem:s1+$0xFFFFFF80]  }
0x2c4: {  	v19 =	vld.idx.msk [tilespmem:v19+s12+$0x0], $0xffff;
	[tilespmem:s5+$0x30] =	vst v18  }
0x2c5: {  	v22 =	vor.u32 $0x1, v23;
	v18 =	vmul.f32 v16, v15;
	v24 =	vld.idx.msk [tilespmem:v25+s12+$0x0], $0xffff  }
0x2c6: {  	v25 =	vld [tilespmem:s21+$0x40]  }
0x2c7: {  	[tilespmem:s17+$0xFFFFFFD0] =	vst v18;
	v18 =	vmul.f32 v21, v27;
	v21 =	vld [tilespmem:s21+$0xFFFFFFB0]  }
0x2c8: {  	s16 =	simm.s32 $0x7000;
	v27 =	vld.idx.msk [tilespmem:v8+s12+$0x0], $0xffff  }
0x2c9: {  	v14 =	vmul.f32 v14, v26;
	v26 =	vld [tilespmem:s10+$0xFFFFFFE0];
	[tilespmem:s16+$0x0] =	vst v18;
	v18 =	vor.u32 $0x5, v4  }
0x2ca: {  	v22 =	vld.idx.msk [tilespmem:v22+s12+$0x0], $0xffff  }
0x2cb: {  	[tilespmem:s16+$0xFFFFFF80] =	vst v14;
	v14 =	vld [tilespmem:s1+$0x10];
	v24 =	vmul.f32 v25, v24  }
0x2cc: {  	v20 =	vld.idx.msk [tilespmem:v20+s12+$0x0], $0xffff  }
0x2cd: {  	v19 =	vmul.f32 v21, v19;
	v21 =	vld [tilespmem:s1+$0xFFFFFF90];
	[tilespmem:s5+$0x40] =	vst v24  }
0x2ce: {  	v24 =	vor.u32 $0x2, v23;
	v25 =	vld.idx.msk [tilespmem:v18+s12+$0x0], $0xffff  }
0x2cf: {  	[tilespmem:s5+$0xFFFFFFB0] =	vst v19;
	v18 =	vmul.f32 v26, v27;
	v19 =	vld [tilespmem:s21+$0x50]  }
0x2d0: {  	v14 =	vmul.f32 v14, v22;
	v17 =	vld.idx.msk [tilespmem:v17+s12+$0x0], $0xffff  }
0x2d1: {  	v26 =	vld [tilespmem:s21+$0xFFFFFFC0];
	[tilespmem:s17+$0xFFFFFFE0] =	vst v18  }
0x2d2: {  	v27 =	vor.u32 $0x6, v4;
	v20 =	vmul.f32 v21, v20;
	[tilespmem:s16+$0x10] =	vst v14;
	v18 =	vld.idx.msk [tilespmem:v6+s12+$0x0], $0xffff  }
0x2d3: {  	v31 =	vld.idx.msk [tilespmem:v24+s12+$0x0], $0xffff  }
0x2d4: {  	[tilespmem:s16+$0xFFFFFF90] =	vst v20;
	v20 =	vld [tilespmem:s1+$0x20];
	v14 =	vmul.f32 v19, v25  }
0x2d5: {  	p3 =	por $0x1, $0x1;
	v21 =	vld.idx.msk [tilespmem:v12+s12+$0x0], $0xffff  }
.Ltmp14:
0x2d6: {  	v22 =	vld [tilespmem:s1+$0xFFFFFFA0];
	v12 =	vmul.f32 v26, v17;
	[tilespmem:s5+$0x50] =	vst v14;
	(pc) =	sbr.rel @!p3 .LBB2_27-.Ltmp14, $4  }
0x2d7: {  	v32 =	vmul.f32 v30, v29;
	v24 =	vor.u32 $0x3, v23;
	v19 =	vor.u32 $0x3, v7;
	v28 =	vld.idx.msk [tilespmem:v27+s12+$0x0], $0xffff  }
0x2d8: {  	s2 =	simm.s32 $0x30;
	v25 =	vor.u32 $0x7, v7;
	v17 =	vor.u32 $0x4, v7;
	v26 =	vor.u32 $0x6, v7;
	[tilespmem:s5+$0xFFFFFFC0] =	vst v12;
	v30 =	vld [tilespmem:s21+$0x60]  }
0x2d9: {  	s4 =	simm.s32 $0x38;
	p2 =	por $0x1, $0x1;
	v14 =	vor.u32 $0x5, v7;
	v7 =	vmov s2;
	v27 =	vld.idx.msk [tilespmem:v35+s12+$0x0], $0xffff;
	v29 =	vmul.f32 v20, v31  }
0x2da: {  	s19 =	simm.s32 $0x2E00;
	s25 =	simm.s32 $0x6E00;
	[tilespmem:s17+$0x70] =	vst v32;
	s2 =	simm.s32 $0x8;
	v12 =	vor.u32 $0x2, v7;
	v35 =	vmov s4;
	v20 =	vor.u32 $0x1, v7;
	v31 =	vld [tilespmem:s21+$0xFFFFFFD0]  }
.LBB2_28:
0x2db: {  	p3 =	slt.u32 s2, $0x3E;
	v32 =	vor.u32 $0x3, v7;
	v21 =	vmul.f32 v22, v21;
	[tilespmem:s16+$0x20] =	vst v29;
	v22 =	vor.u32 $0x7, v4;
	v29 =	vld [tilespmem:s19+$0xFFFFFFF0];
	v4 =	vmovc v23;
	v23 =	vmovc v35;
	s19 =	smov.u32 s21;
	s21 =	smov.u32 s1  }
0x2dc: {  	v33 =	vor.u32 $0x4, v7;
	v34 =	vor.u32 $0x5, v7;
	v36 =	vor.u32 $0x6, v7;
	v24 =	vld.idx.msk [tilespmem:v24+s12+$0x0], $0xffff  }
0x2dd: {  	v37 =	vor.u32 $0x7, v7;
	[tilespmem:s16+$0xFFFFFFA0] =	vst v21;
	v21 =	vld [tilespmem:s1+$0x30];
	v28 =	vmul.f32 v30, v28  }
0x2de: {  	v7 =	vld.idx.msk [tilespmem:v7+s12+$0x0], $0xffff  }
0x2df: {  	v30 =	vld.idx.msk [tilespmem:v35+s12+$0x0], $0xffff;
	v27 =	vmul.f32 v31, v27;
	[tilespmem:s5+$0x60] =	vst v28  }
0x2e0: {  	v28 =	vor.u32 $0x4, v4;
	v22 =	vld.idx.msk [tilespmem:v22+s12+$0x0], $0xffff;
	v18 =	vmul.f32 v29, v18  }
0x2e1: {  	s1 =	sadd.s32 $0x100, s1;
	[tilespmem:s5+$0xFFFFFFD0] =	vst v27;
	v27 =	vld [tilespmem:s19+$0x70]  }
0x2e2: {  	v29 =	vld [tilespmem:s1+$0x0];
	v21 =	vmul.f32 v21, v24;
	[tilespmem:s25+$0xFFFFFFF0] =	vst v18;
	s25 =	smov.u32 s5;
	s5 =	smov.u32 s16  }
0x2e3: {  	v18 =	vld [tilespmem:s1+$0xFFFFFF80]  }
0x2e4: {  	v24 =	vld.idx.msk [tilespmem:v19+s12+$0x0], $0xffff;
	[tilespmem:s16+$0x30] =	vst v21;
	v19 =	vmov v32  }
0x2e5: {  	v21 =	vor.u32 $0x1, v23;
	v28 =	vld.idx.msk [tilespmem:v28+s12+$0x0], $0xffff  }
0x2e6: {  	v31 =	vld [tilespmem:s21+$0x40];
	v22 =	vmul.f32 v27, v22  }
0x2e7: {  	v27 =	vmul.f32 v29, v30;
	v29 =	vld [tilespmem:s21+$0xFFFFFFB0]  }
0x2e8: {  	s16 =	sadd.s32 $0x100, s16;
	v7 =	vmul.f32 v18, v7;
	v18 =	vld.idx.msk [tilespmem:v13+s12+$0x0], $0xffff;
	[tilespmem:s25+$0x70] =	vst v22;
	v13 =	vmov v26;
	v26 =	vmov v36  }
0x2e9: {  	v22 =	vor.u32 $0x5, v4;
	[tilespmem:s16+$0x0] =	vst v27;
	v27 =	vld [tilespmem:s19+$0xFFFFFFE0]  }
0x2ea: {  	[tilespmem:s16+$0xFFFFFF80] =	vst v7;
	v7 =	vld.idx.msk [tilespmem:v21+s12+$0x0], $0xffff  }
0x2eb: {  	v21 =	vld [tilespmem:s1+$0x10];
	v28 =	vmul.f32 v31, v28  }
0x2ec: {  	v20 =	vld.idx.msk [tilespmem:v20+s12+$0x0], $0xffff;
	v24 =	vmul.f32 v29, v24  }
0x2ed: {  	v29 =	vld [tilespmem:s1+$0xFFFFFF90];
	[tilespmem:s5+$0x40] =	vst v28  }
0x2ee: {  	v28 =	vor.u32 $0x2, v23;
	[tilespmem:s5+$0xFFFFFFB0] =	vst v24;
	v22 =	vld.idx.msk [tilespmem:v22+s12+$0x0], $0xffff;
	v18 =	vmul.f32 v27, v18  }
0x2ef: {  	v24 =	vld [tilespmem:s21+$0x50]  }
0x2f0: {  	v7 =	vmul.f32 v21, v7;
	v27 =	vld.idx.msk [tilespmem:v17+s12+$0x0], $0xffff;
	[tilespmem:s25+$0xFFFFFFE0] =	vst v18;
	v17 =	vmov v33  }
0x2f1: {  	v30 =	vld [tilespmem:s21+$0xFFFFFFC0]  }
0x2f2: {  	v20 =	vmul.f32 v29, v20;
	[tilespmem:s16+$0x10] =	vst v7;
	v7 =	vor.u32 $0x6, v4;
	v18 =	vld.idx.msk [tilespmem:v9+s12+$0x0], $0xffff;
	v9 =	vmovc v25;
	v25 =	vmov v37  }
0x2f3: {  	v29 =	vld.idx.msk [tilespmem:v28+s12+$0x0], $0xffff  }
0x2f4: {  	[tilespmem:s16+$0xFFFFFF90] =	vst v20;
	v20 =	vld [tilespmem:s1+$0x20];
	v24 =	vmul.f32 v24, v22  }
0x2f5: {  	v21 =	vld.idx.msk [tilespmem:v12+s12+$0x0], $0xffff  }
.Ltmp15:
0x2f6: {  	v22 =	vld [tilespmem:s1+$0xFFFFFFA0];
	v12 =	vmul.f32 v30, v27;
	[tilespmem:s5+$0x50] =	vst v24;
	(pc) =	sbr.rel @p3 .LBB2_28-.Ltmp15, $4  }
0x2f7: {  	v24 =	vor.u32 $0x3, v23;
	v28 =	vld.idx.msk [tilespmem:v7+s12+$0x0], $0xffff  }
0x2f8: {  	s4 =	sshll.u32 s2, $0x3;
	[tilespmem:s5+$0xFFFFFFC0] =	vst v12;
	v30 =	vld [tilespmem:s21+$0x60]  }
0x2f9: {  	v7 =	vmov s4;
	s4 =	sadd.s32 $0x8, s4;
	v29 =	vmul.f32 v20, v29;
	v27 =	vld.idx.msk [tilespmem:v14+s12+$0x0], $0xffff;
	v14 =	vmov v34  }
0x2fa: {  	s2 =	sadd.s32 $0x2, s2;
	v12 =	vor.u32 $0x2, v7;
	v35 =	vmov s4;
	v20 =	vor.u32 $0x1, v7;
	v31 =	vld [tilespmem:s21+$0xFFFFFFD0]  }
0x2fb: {  	v33 =	vmov v4;
	v36 =	vmov v13  }
0x2fc: {  	s4 =	smov.u32 s21;
	v32 =	vmovc v9;
	v34 =	vmovc v23;
	v4 =	vmov v35;
	s21 =	smov.u32 s1;
	v13 =	vmov v26;
	v9 =	vmov v25  }
.LBB2_30:
0x2fd: {  	_ =	sdelay $0x2  }
0x2fe: {  	s1 =	sadd.s32 @p0 $0x100, s21;
	s2 =	smov.u32 s10  }
0x2ff: {  	v23 =	vld.idx.msk [tilespmem:v4+s12+$0x0], $0xffff;
	s2 =	smov.u32 @p0 s1  }
0x300: {  	v25 =	vld [tilespmem:s2+$0x0]  }
0x301: {  	v26 =	vld.idx.msk [tilespmem:v7+s12+$0x0], $0xffff  }
0x302: {  	v35 =	vld [tilespmem:s2+$0xFFFFFF80]  }
0x303: {  	v37 =	vor.u32 $0x1, v4;
	_ =	sdelay $0x1  }
0x304: {  	s13 =	sadd.s32 @p0 $0x100, s16;
	s1 =	smov.u32 s17;
	v23 =	vmul.f32 v25, v23  }
0x305: {  	s1 =	smov.u32 @p0 s13  }
0x306: {  	v58 =	vmul.f32 v35, v26;
	[tilespmem:s1+$0x0] =	vst v23  }
0x307: {  	v23 =	vld.idx.msk [tilespmem:v37+s12+$0x0], $0xffff  }
0x308: {  	[tilespmem:s1+$0xFFFFFF80] =	vst v58;
	v59 =	vld [tilespmem:s2+$0x10]  }
0x309: {  	v20 =	vld.idx.msk [tilespmem:v20+s12+$0x0], $0xffff  }
0x30a: {  	v60 =	vld [tilespmem:s2+$0xFFFFFF90]  }
0x30b: {  	v61 =	vor.u32 $0x2, v4;
	_ =	sdelay $0x1  }
0x30c: {  	[tilespmem:s16+$0x20] =	vst @p0 v29;
	v23 =	vmul.f32 v59, v23  }
0x30d: {  	v24 =	vld.idx.msk @p0 [tilespmem:v24+s12+$0x0], $0xffff  }
0x30e: {  	v25 =	vld @p0 [tilespmem:s21+$0x30];
	v20 =	vmul.f32 v60, v20;
	[tilespmem:s1+$0x10] =	vst v23  }
0x30f: {  	v23 =	vor.u32 @p1 $0x7, v33;
	v62 =	vld.idx.msk [tilespmem:v61+s12+$0x0], $0xffff  }
0x310: {  	v21 =	vmul.f32 @p0 v22, v21;
	[tilespmem:s1+$0xFFFFFF90] =	vst v20;
	v63 =	vld [tilespmem:s2+$0x20]  }
0x311: {  	v29 =	vmov @p0 v34;
	v28 =	vmul.f32 @p1 v30, v28;
	v12 =	vld.idx.msk [tilespmem:v12+s12+$0x0], $0xffff  }
0x312: {  	v22 =	vor.u32 @p0 $0x4, v29;
	[tilespmem:s16+$0xFFFFFFA0] =	vst @p0 v21;
	v37 =	vld [tilespmem:s2+$0xFFFFFFA0]  }
0x313: {  	v38 =	vor.u32 $0x3, v4;
	[tilespmem:s5+$0x60] =	vst @p1 v28;
	v19 =	vld.idx.msk @p0 [tilespmem:v19+s12+$0x0], $0xffff  }
0x314: {  	v21 =	vld.idx.msk @p1 [tilespmem:v23+s12+$0x0], $0xffff;
	v23 =	vmul.f32 @p0 v25, v24  }
0x315: {  	v39 =	vor.u32 $0x3, v7;
	v33 =	vld @p2 [tilespmem:s19+$0xFFFFFFF0];
	s19 =	smov.u32 @p0 s21;
	v20 =	vmul.f32 v63, v62  }
0x316: {  	[tilespmem:s16+$0x30] =	vst @p0 v23;
	v23 =	vld @p0 [tilespmem:s19+$0xFFFFFFB0]  }
0x317: {  	v12 =	vmul.f32 v37, v12;
	v22 =	vld.idx.msk @p0 [tilespmem:v22+s12+$0x0], $0xffff;
	[tilespmem:s1+$0x20] =	vst v20  }
0x318: {  	v20 =	vld.idx.msk [tilespmem:v38+s12+$0x0], $0xffff  }
0x319: {  	[tilespmem:s1+$0xFFFFFFA0] =	vst v12;
	v40 =	vld [tilespmem:s2+$0x30]  }
0x31a: {  	v25 =	vmul.f32 @p1 v31, v27;
	v24 =	vld.idx.msk [tilespmem:v39+s12+$0x0], $0xffff  }
0x31b: {  	v41 =	vld [tilespmem:s2+$0xFFFFFFB0];
	v19 =	vmul.f32 @p0 v23, v19  }
0x31c: {  	v42 =	vor.u32 $0x4, v4;
	s13 =	smov.u32 @p0 s16;
	[tilespmem:s5+$0xFFFFFFD0] =	vst @p1 v25;
	v25 =	vld @p0 [tilespmem:s19+$0x40]  }
0x31d: {  	v27 =	vld.idx.msk @p1 [tilespmem:v36+s12+$0x0], $0xffff;
	[tilespmem:s13+$0xFFFFFFB0] =	vst @p0 v19  }
0x31e: {  	v43 =	vor.u32 $0x4, v7;
	v12 =	vmul.f32 v40, v20;
	v17 =	vld.idx.msk @p0 [tilespmem:v17+s12+$0x0], $0xffff  }
0x31f: {  	v20 =	vld @p0 [tilespmem:s19+$0xFFFFFFC0]  }
0x320: {  	v30 =	vld @p1 [tilespmem:s4+$0xFFFFFFE0];
	v44 =	vmul.f32 v41, v24;
	[tilespmem:s1+$0x30] =	vst v12  }
0x321: {  	v28 =	vor.u32 @p0 $0x5, v29;
	v45 =	vld.idx.msk [tilespmem:v42+s12+$0x0], $0xffff  }
0x322: {  	v22 =	vmul.f32 @p0 v25, v22;
	[tilespmem:s1+$0xFFFFFFB0] =	vst v44;
	v46 =	vld [tilespmem:s2+$0x40]  }
0x323: {  	v12 =	vld.idx.msk [tilespmem:v43+s12+$0x0], $0xffff  }
0x324: {  	[tilespmem:s13+$0x40] =	vst @p0 v22;
	v47 =	vld [tilespmem:s2+$0xFFFFFFC0];
	v17 =	vmul.f32 @p0 v20, v17  }
0x325: {  	v48 =	vor.u32 $0x5, v4;
	v25 =	vld @p0 [tilespmem:s19+$0x50]  }
0x326: {  	v20 =	vld.idx.msk @p0 [tilespmem:v28+s12+$0x0], $0xffff;
	[tilespmem:s13+$0xFFFFFFC0] =	vst @p0 v17  }
0x327: {  	v49 =	vor.u32 $0x5, v7;
	v23 =	vmul.f32 v46, v45;
	v14 =	vld.idx.msk @p0 [tilespmem:v14+s12+$0x0], $0xffff  }
0x328: {  	v24 =	vld @p0 [tilespmem:s19+$0xFFFFFFD0]  }
0x329: {  	v26 =	vld @p1 [tilespmem:s4+$0x70];
	v28 =	vor.u32 @p0 $0x6, v29;
	v12 =	vmul.f32 v47, v12;
	[tilespmem:s1+$0x40] =	vst v23  }
0x32a: {  	v50 =	vld.idx.msk [tilespmem:v48+s12+$0x0], $0xffff  }
0x32b: {  	[tilespmem:s1+$0xFFFFFFC0] =	vst v12;
	v20 =	vmul.f32 @p0 v25, v20;
	v51 =	vld [tilespmem:s2+$0x50]  }
0x32c: {  	v8 =	vpsel p0, v13, v8;
	v12 =	vld.idx.msk [tilespmem:v49+s12+$0x0], $0xffff  }
0x32d: {  	v13 =	vmul.f32 @p1 v30, v27;
	v52 =	vld [tilespmem:s2+$0xFFFFFFD0];
	[tilespmem:s13+$0x50] =	vst @p0 v20;
	v14 =	vpsel p0, v14, v15;
	v15 =	vpsel p0, v24, v16  }
0x32e: {  	v53 =	vor.u32 $0x6, v4;
	v17 =	vld.idx.msk @p0 [tilespmem:v28+s12+$0x0], $0xffff;
	v14 =	vmul.f32 @p0 v15, v14  }
0x32f: {  	s17 =	smov.u32 @p0 s13;
	[tilespmem:s5+$0xFFFFFFE0] =	vst @p1 v13;
	v13 =	vld @p0 [tilespmem:s19+$0x60]  }
0x330: {  	v54 =	vor.u32 $0x6, v7;
	v23 =	vld.idx.msk @p1 [tilespmem:v32+s12+$0x0], $0xffff;
	v55 =	vmul.f32 v51, v50;
	[tilespmem:s17+$0xFFFFFFD0] =	vst @p0 v14  }
0x331: {  	s10 =	smov.u32 @p0 s19;
	v8 =	vld.idx.msk @p0 [tilespmem:v8+s12+$0x0], $0xffff  }
0x332: {  	v5 =	vpsel p0, v29, v5;
	v12 =	vmul.f32 v52, v12;
	v19 =	vld @p0 [tilespmem:s10+$0xFFFFFFE0];
	[tilespmem:s1+$0x50] =	vst v55  }
0x333: {  	v5 =	vor.u32 @p0 $0x7, v5;
	v14 =	vld.idx.msk [tilespmem:v53+s12+$0x0], $0xffff  }
0x334: {  	[tilespmem:s1+$0xFFFFFFD0] =	vst v12;
	v10 =	vpsel p0, v17, v10;
	v11 =	vpsel p0, v13, v11;
	v56 =	vld [tilespmem:s2+$0x60]  }
0x335: {  	v6 =	vpsel p0, v9, v6;
	v57 =	vld.idx.msk [tilespmem:v54+s12+$0x0], $0xffff;
	v9 =	vmul.f32 @p0 v11, v10  }
0x336: {  	s4 =	smov.u32 @p1 s4;
	v58 =	vld [tilespmem:s2+$0xFFFFFFE0]  }
0x337: {  	v4 =	vor.u32 $0x7, v4;
	v12 =	vld @p1 [tilespmem:s4+$0xFFFFFFF0];
	[tilespmem:s17+$0x60] =	vst @p0 v9;
	v8 =	vmul.f32 @p0 v19, v8  }
0x338: {  	s4 =	smov.u32 @p0 s17;
	v5 =	vld.idx.msk @p0 [tilespmem:v5+s12+$0x0], $0xffff  }
0x339: {  	v59 =	vor.u32 $0x7, v7;
	v9 =	vld @p0 [tilespmem:s10+$0x70];
	v60 =	vmul.f32 v56, v14;
	[tilespmem:s4+$0xFFFFFFE0] =	vst @p0 v8  }
0x33a: {  	s10 =	smov.u32 @p0 s10;
	v6 =	vld.idx.msk @p0 [tilespmem:v6+s12+$0x0], $0xffff  }
0x33b: {  	v61 =	vmul.f32 v58, v57;
	v13 =	vld @p0 [tilespmem:s10+$0xFFFFFFF0];
	[tilespmem:s1+$0x60] =	vst v60  }
0x33c: {  	v4 =	vld.idx.msk [tilespmem:v4+s12+$0x0], $0xffff  }
0x33d: {  	[tilespmem:s1+$0xFFFFFFE0] =	vst v61;
	v62 =	vld [tilespmem:s2+$0x70]  }
0x33e: {  	v8 =	vmul.f32 @p2 v33, v18;
	v7 =	vld.idx.msk [tilespmem:v59+s12+$0x0], $0xffff  }
0x33f: {  	v11 =	vmul.f32 @p1 v26, v21;
	v14 =	vpsel p1, v23, v0;
	v63 =	vld [tilespmem:s2+$0xFFFFFFF0]  }
0x340: {  	[tilespmem:s25+$0xFFFFFFF0] =	vst @p2 v8;
	v8 =	vmul.f32 @p1 v12, v14  }
0x341: {  	[tilespmem:s5+$0x70] =	vst @p1 v11;
	s2 =	smov.u32 @p1 s5;
	v5 =	vmul.f32 @p0 v9, v5;
	v6 =	vpsel p0, v6, v0  }
0x342: {  	[tilespmem:s2+$0xFFFFFFF0] =	vst @p1 v8;
	v6 =	vmul.f32 @p0 v13, v6  }
0x343: {  	s11 =	sadd.s32 $0x1, s11;
	s2 =	smov.u32 @p0 s4;
	[tilespmem:s4+$0x70] =	vst @p0 v5;
	v4 =	vmul.f32 v62, v4  }
0x344: {  	v5 =	vmul.f32 v63, v7;
	[tilespmem:s2+$0xFFFFFFF0] =	vst @p0 v6;
	p0 =	sne.s32 s11, $0x50  }
.Ltmp16:
0x345: {  	[tilespmem:s1+$0x70] =	vst v4;
	(pc) =	sbr.rel @p0 .LBB2_6-.Ltmp16, $4  }
.Ltmp17:
0x346: {  	s21 =	rddreg [dreg:$0x2];
	s25 =	simm.s32 $0x6D80;
	[tilespmem:s1+$0xFFFFFFF0] =	vst v5;
	(pc) =	sbr.rel @!p0 .LBB2_31-.Ltmp17, $4  }
0x347: {  	[spmem:s21] =	stream.indirect.scatter.add.f32 [tilespmem:s25], [sflag:$0x6], $0x80, s15, s22, $0xb8;
	[tilespmem:$0x1E180] =	vst v63  }
0x348: {  	_ = 	snop  }
0x349: {  	[spmem:s14] =	stream.indirect.scatter.add.f32 [tilespmem:s12], [sflag:$0x6], $0x8, s15, s22, $0xb8;
	[tilespmem:$0x1E180] =	vst v63  }
0x34a: {  	_ = 	snop  }
.LBB2_9:
.Ltmp18:
0x34b: {  	(pc) =	sbr.rel .LBB2_18-.Ltmp18, $2  }
0x34c: {  	_ =	sdelay $0x2  }
0x34d: {  	v4 =	vmov v5;
	s16 =	simm.s32 $0x4E00;
	s1 =	simm.s32 $0xE00  }
.LBB2_21:
.Ltmp19:
0x34e: {  	(pc) =	sbr.rel .LBB2_30-.Ltmp19, $2  }
0x34f: {  	_ =	sdelay $0x2  }
0x350: {  	v4 =	vmov v5;
	s16 =	simm.s32 $0x6E00;
	s21 =	simm.s32 $0x2E00  }
.LBB2_11:
.Ltmp20:
0x351: {  	(pc) =	sbr.rel .LBB2_18-.Ltmp20, $2  }
0x352: {  	_ =	sdelay $0x2  }
0x353: {  	v34 =	vmov v5;
	v13 =	vmov v8;
	v9 =	vmov v6;
	s16 =	simm.s32 $0x4E00;
	s1 =	simm.s32 $0xE00  }
.LBB2_23:
.Ltmp21:
0x354: {  	(pc) =	sbr.rel .LBB2_30-.Ltmp21, $2  }
0x355: {  	_ =	sdelay $0x2  }
0x356: {  	v34 =	vmov v5;
	v13 =	vmov v8;
	v9 =	vmov v6;
	s16 =	simm.s32 $0x6E00;
	s21 =	simm.s32 $0x2E00  }
.LBB2_13:
.Ltmp22:
0x357: {  	_ = 	snop;
	(pc) =	sbr.rel .LBB2_18-.Ltmp22, $3  }
0x358: {  	_ =	sdelay $0x1  }
0x359: {  	v34 =	vmovc v4;
	v33 =	vmovc v5;
	v4 =	vmov v23;
	v36 =	vmov v8;
	v32 =	vmov v6  }
0x35a: {  	s16 =	simm.s32 $0x4F00;
	s4 =	simm.s32 $0xE00;
	s5 =	simm.s32 $0x4E00;
	v14 =	vmovc v35;
	v28 =	vmovc v10;
	v30 =	vmov v11;
	v27 =	vmov v15;
	v31 =	vmov v16  }
.LBB2_25:
.Ltmp23:
0x35b: {  	_ = 	snop;
	(pc) =	sbr.rel .LBB2_30-.Ltmp23, $3  }
0x35c: {  	_ =	sdelay $0x1  }
0x35d: {  	v34 =	vmovc v4;
	v33 =	vmovc v5;
	v4 =	vmov v23;
	v36 =	vmov v8;
	v32 =	vmov v6  }
0x35e: {  	s16 =	simm.s32 $0x6F00;
	s4 =	simm.s32 $0x2E00;
	s5 =	simm.s32 $0x6E00;
	v14 =	vmovc v35;
	v28 =	vmovc v10;
	v30 =	vmov v11;
	v27 =	vmov v15;
	v31 =	vmov v16  }
.LBB2_15:
.Ltmp24:
0x35f: {  	(pc) =	sbr.rel .LBB2_18-.Ltmp24, $3  }
0x360: {  	_ =	sdelay $0x1  }
0x361: {  	v33 =	vmov v4;
	s19 =	simm.s32 $0xE00;
	v36 =	vmov v13  }
0x362: {  	v32 =	vmovc v9;
	v34 =	vmovc v23;
	v4 =	vmov v35;
	s4 =	simm.s32 $0xF00;
	s1 =	simm.s32 $0x1000;
	s25 =	simm.s32 $0x4E00;
	v13 =	vmov v26;
	v9 =	vmov v25  }
.LBB2_27:
.Ltmp25:
0x363: {  	(pc) =	sbr.rel .LBB2_30-.Ltmp25, $3  }
0x364: {  	_ =	sdelay $0x1  }
0x365: {  	v33 =	vmov v4;
	s19 =	simm.s32 $0x2E00;
	v36 =	vmov v13  }
0x366: {  	v32 =	vmovc v9;
	v34 =	vmovc v23;
	v4 =	vmov v35;
	s4 =	simm.s32 $0x2F00;
	s21 =	simm.s32 $0x3000;
	s25 =	simm.s32 $0x6E00;
	v13 =	vmov v26;
	v9 =	vmov v25  }
.LBB2_32:
0x367: {  	_ =	sfence.sel $0x180000  }
0x368: {  	[bflag:$0x0] =	sbarrier.arrive $0xFFFF  }
0x369: {  	_ =	strace $0x90000047  }
0x36a: {  	s0 =	stileid.u32;
	[bflag:$0x2] =	sbarrier.arrive $0xFFFF  }
0x36b: {  	p0 =	sne.s32 s0, $0x0;
	s0 =	rddreg [dreg:$0x4]  }
0x36c: {  	s0 =	sadd.s32 @!p0 $0x100000, s0  }
0x36d: {  	[sflag:s0] =	ssyncadd.tile.s32 @!p0 $0x1;
	_ =	shalt  }
.Lfunc_end2:
_tile_overlayer_lowered:
.L_overlay_start_2:
0x36e: {  	(tag) =	ssettag $0x2  }
0x36f: {  	s0 =	rddreg [dreg:$0x0];
	s2 =	stileid.u32  }
0x370: {  	s1 =	rddreg [dreg:$0x1];
	p0 =	sne.s32 s2, $0x0  }
0x371: {  	s3 =	rddreg [dreg:$0x2];
	[bflag:$0x3] =	sbarrier.arrive $0xFFFF;
	s2 =	simm.s32 @!p0 $0x1C07  }
0x372: {  	[timem:s3], [sflag:s2] =	dma.local @!p0 [hbm:s0], s1  }
0x373: {  	s0 =	simm.s32 @!p0 $0x7  }
0x374: {  	_ =	swait.ge @!p0 [sflag:s0], s1  }
0x375: {  	s1 =	ssub.s32 @!p0 $0x0, s1;
	[sflag:s0] =	ssyncset.done @!p0 $0x0  }
0x376: {  	[sflag:s0] =	ssyncadd.s32 @!p0 s1  }
0x377: {  	[bflag:$0x3] =	sbarrier.arrive $0xFFFF  }
0x378: {  	_ =	shalt  }

</sc_bundles>
